<compile_context>
chip_gen: v7x
topology: tpu7x:2x2x1
jax: 0.10.2.dev20260603
libtpu: 0.0.44.dev20260713+nightly
codegen_flags: <defaults>
</compile_context>

<pallas_src>
import functools

import jax
import jax.numpy as jnp
from jax import lax
from jax.experimental import pallas as pl
from jax.experimental.pallas import tpu as pltpu
from jax.experimental.pallas import tpu_sc as plsc

N = 10000
N_PAD = 10240
D = 128
C_OUT = 64
E = 160000
CHUNK = 128
NCHUNKS = E // CHUNK
NC = 2
NS = 16
NW = NC * NS
ROWS_PER_SUB = N_PAD // NS

_mesh = plsc.VectorSubcoreMesh(
    core_axis_name="c", subcore_axis_name="s", num_cores=NC, num_subcores=NS)


def _zero_acc(zf_hbm, rows_v, acc_sp, base):
  pltpu.sync_copy(zf_hbm, rows_v)
  for k in range(ROWS_PER_SUB // CHUNK):
    pltpu.sync_copy(rows_v, acc_sp.at[pl.ds(base + k * CHUNK, CHUNK)])


def _flush_acc(acc_sp, rows_v, out_hbm, c, base):
  for k in range(ROWS_PER_SUB // CHUNK):
    pltpu.sync_copy(acc_sp.at[pl.ds(base + k * CHUNK, CHUNK)], rows_v)
    pltpu.sync_copy(rows_v, out_hbm.at[c, pl.ds(base + k * CHUNK, CHUNK)])


@functools.partial(
    pl.kernel,
    out_type=jax.ShapeDtypeStruct((NC, N_PAD, D), jnp.float32),
    mesh=_mesh,
    scratch_types=[
        pltpu.VMEM((CHUNK,), jnp.int32),
        pltpu.VMEM((CHUNK,), jnp.int32),
        pltpu.VMEM((CHUNK, D), jnp.float32),
        pltpu.VMEM_SHARED((N_PAD, D), jnp.float32),
        pltpu.SemaphoreType.DMA,
    ],
)
def _sc_agg(x_hbm, src_hbm, dst_hbm, zf_hbm, s_out,
            sidx_v, didx_v, rows_v, acc_sp, gsem):
  c = lax.axis_index("c")
  sid = lax.axis_index("s")
  base = sid * ROWS_PER_SUB
  _zero_acc(zf_hbm, rows_v, acc_sp, base)
  plsc.subcore_barrier()

  wid = sid * NC + c

  def body(k, carry):
    chunk = k * NW + wid
    pltpu.sync_copy(src_hbm.at[chunk], sidx_v)
    pltpu.sync_copy(dst_hbm.at[chunk], didx_v)
    pltpu.async_copy(x_hbm.at[sidx_v], rows_v, gsem).wait()
    pltpu.sync_copy(rows_v, acc_sp.at[didx_v], add=True)
    return carry

  nk = (NCHUNKS - wid + NW - 1) // NW
  lax.fori_loop(0, nk, body, 0)
  plsc.subcore_barrier()
  _flush_acc(acc_sp, rows_v, s_out, c, base)


@functools.partial(
    pl.kernel,
    out_type=jax.ShapeDtypeStruct((NC, N_PAD, D), jnp.float32),
    mesh=_mesh,
    scratch_types=[
        pltpu.VMEM((CHUNK,), jnp.int32),
        pltpu.VMEM((CHUNK, D), jnp.float32),
        pltpu.VMEM_SHARED((N_PAD, D), jnp.float32),
    ],
)
def _sc_counts(dup_hbm, dtr_hbm, on_hbm, zf_hbm, cnt_out,
               didx_v, rows_v, acc_sp):
  c = lax.axis_index("c")
  sid = lax.axis_index("s")
  base = sid * ROWS_PER_SUB
  _zero_acc(zf_hbm, rows_v, acc_sp, base)
  plsc.subcore_barrier()
  pltpu.sync_copy(on_hbm, rows_v)

  def count_edges(dst_hbm):
    def body(k, carry):
      chunk = k * NS + sid
      pltpu.sync_copy(dst_hbm.at[chunk], didx_v)
      pltpu.sync_copy(rows_v, acc_sp.at[didx_v], add=True)
      return carry
    nk = (NCHUNKS - sid + NS - 1) // NS
    lax.fori_loop(0, nk, body, 0)

  @pl.when(c == 0)
  def _():
    count_edges(dup_hbm)

  @pl.when(c == 1)
  def _():
    count_edges(dtr_hbm)

  plsc.subcore_barrier()
  _flush_acc(acc_sp, rows_v, cnt_out, c, base)


BLK_M = 2000


def _make_sage_tc(cnt_sel):
  def body(sp_ref, cnt_ref, x_ref, wl_ref, bl_ref, wr_ref, o_ref):
    s = sp_ref[0] + sp_ref[1]
    cnt = jnp.maximum(cnt_ref[0, :, 0:1], 1.0)
    mean = s / cnt
    y = jnp.dot(mean, wl_ref[...], preferred_element_type=jnp.float32)
    y = y + jnp.dot(x_ref[...], wr_ref[...],
                    preferred_element_type=jnp.float32)
    y = y + bl_ref[...]
    o_ref[...] = jnp.where(y >= 0, y, 0.01 * y)

  return pl.pallas_call(
      body,
      grid=(N // BLK_M,),
      in_specs=[
          pl.BlockSpec((NC, BLK_M, D), lambda i: (0, i, 0)),
          pl.BlockSpec((1, BLK_M, D), lambda i: (cnt_sel, i, 0)),
          pl.BlockSpec((BLK_M, D), lambda i: (i, 0)),
          pl.BlockSpec((D, D), lambda i: (0, 0)),
          pl.BlockSpec((1, D), lambda i: (0, 0)),
          pl.BlockSpec((D, D), lambda i: (0, 0)),
      ],
      out_specs=pl.BlockSpec((BLK_M, D), lambda i: (i, 0)),
      out_shape=jax.ShapeDtypeStruct((N, D), jnp.float32),
  )


_sage_tc_t = _make_sage_tc(0)
_sage_tc_u = _make_sage_tc(1)


def _final_tc_body(s2_ref, cnt_ref, x_ref, wl_ref, bl_ref, wr_ref,
                   wo_ref, bo_ref, xt_ref, o_ref):
  s = s2_ref[0] + s2_ref[1]
  cnt = jnp.maximum(cnt_ref[0, :, 0:1], 1.0)
  mean = s / cnt
  y = jnp.dot(mean, wl_ref[...], preferred_element_type=jnp.float32)
  y = y + jnp.dot(x_ref[...], wr_ref[...], preferred_element_type=jnp.float32)
  y = y + bl_ref[...]
  y = jnp.where(y >= 0, y, 0.01 * y)
  xt_ref[...] = y
  o_ref[...] = (jnp.dot(y, wo_ref[...], preferred_element_type=jnp.float32)
                + bo_ref[...])


_final_tc = pl.pallas_call(
    _final_tc_body,
    grid=(N // BLK_M,),
    in_specs=[
        pl.BlockSpec((NC, BLK_M, D), lambda i: (0, i, 0)),
        pl.BlockSpec((1, BLK_M, D), lambda i: (0, i, 0)),
        pl.BlockSpec((BLK_M, D), lambda i: (i, 0)),
        pl.BlockSpec((D, D), lambda i: (0, 0)),
        pl.BlockSpec((1, D), lambda i: (0, 0)),
        pl.BlockSpec((D, D), lambda i: (0, 0)),
        pl.BlockSpec((D, C_OUT), lambda i: (0, 0)),
        pl.BlockSpec((1, C_OUT), lambda i: (0, 0)),
    ],
    out_specs=(
        pl.BlockSpec((BLK_M, D), lambda i: (i, 0)),
        pl.BlockSpec((BLK_M, C_OUT), lambda i: (i, 0)),
    ),
    out_shape=(
        jax.ShapeDtypeStruct((N, D), jnp.float32),
        jax.ShapeDtypeStruct((N, C_OUT), jnp.float32),
    ),
)


def kernel(x_transaction, x_user, edge_index_upt, edge_index_tru,
           Wl_0_upt, bl_0_upt, Wr_0_upt, Wl_0_tru, bl_0_tru, Wr_0_tru,
           Wl_1_upt, bl_1_upt, Wr_1_upt, Wl_1_tru, bl_1_tru, Wr_1_tru,
           W_out, b_out):
  src_up = edge_index_upt[0].astype(jnp.int32).reshape(NCHUNKS, CHUNK)
  dst_up = edge_index_upt[1].astype(jnp.int32).reshape(NCHUNKS, CHUNK)
  src_tr = edge_index_tru[0].astype(jnp.int32).reshape(NCHUNKS, CHUNK)
  dst_tr = edge_index_tru[1].astype(jnp.int32).reshape(NCHUNKS, CHUNK)
  zf = jnp.zeros((CHUNK, D), jnp.float32)
  on = jnp.ones((CHUNK, D), jnp.float32)

  cnts = _sc_counts(dst_up, dst_tr, on, zf)
  st1p = _sc_agg(x_user, src_up, dst_up, zf)
  su1p = _sc_agg(x_transaction, src_tr, dst_tr, zf)

  xt1 = _sage_tc_t(st1p, cnts, x_transaction, Wl_0_upt,
                   bl_0_upt.reshape(1, D), Wr_0_upt)
  xu1 = _sage_tc_u(su1p, cnts, x_user, Wl_0_tru,
                   bl_0_tru.reshape(1, D), Wr_0_tru)

  s2p = _sc_agg(xu1, src_up, dst_up, zf)

  xt2, out = _final_tc(s2p, cnts, xt1, Wl_1_upt, bl_1_upt.reshape(1, D),
                       Wr_1_upt, W_out, b_out.reshape(1, C_OUT))
  return (out, xt2)

# --- scband reference (transcript-rebuilt; emitter-appended) ---
"""Pipeline reference for scband-hetero-gnn-13615046328579 (READ-ONLY COPY).

The authoritative reference and input builder live on the scoring server;
editing this copy changes nothing except your own understanding.
"""

import jax, jax.numpy as jnp
import numpy as np

N_T = 10000
N_U = 10000
D = 128
H = 128
C = 64
E = 160000


def setup_inputs(seed: int = 0) -> dict:
    key = jax.random.key(seed)
    ks = jax.random.split(key, 32)
    inp = {}
    inp["x_transaction"] = jax.random.normal(ks[0], (N_T, D), dtype=jnp.float32)
    inp["x_user"] = jax.random.normal(ks[1], (N_U, D), dtype=jnp.float32)
    inp["edge_index_upt"] = jax.random.randint(ks[2], (2, E), 0, N_T, dtype=jnp.int64 if jax.config.read('jax_enable_x64') else jnp.int32)
    inp["edge_index_tru"] = jax.random.randint(ks[3], (2, E), 0, N_U, dtype=jnp.int64 if jax.config.read('jax_enable_x64') else jnp.int32)
    i = 4
    for l in range(2):
        d_in = D if l == 0 else H
        for et in ("upt", "tru"):
            inp[f"Wl_{l}_{et}"] = jax.random.normal(ks[i], (d_in, H), dtype=jnp.float32) * 0.05; i += 1
            inp[f"bl_{l}_{et}"] = jnp.zeros((H,), dtype=jnp.float32)
            inp[f"Wr_{l}_{et}"] = jax.random.normal(ks[i], (d_in, H), dtype=jnp.float32) * 0.05; i += 1
    inp["W_out"] = jax.random.normal(ks[i], (H, C), dtype=jnp.float32) * 0.05; i += 1
    inp["b_out"] = jnp.zeros((C,), dtype=jnp.float32)
    return inp


def _sage(x_src, x_dst, ei, Wl, bl, Wr, n_dst):
    # PyG SAGEConv with mean aggregation: out = lin_l(mean_j x_src[j]) + lin_r(x_dst)
    src = ei[0]
    dst = ei[1]
    msgs = jnp.take(x_src, src, axis=0)
    s = jax.ops.segment_sum(msgs, dst, num_segments=n_dst)
    cnt = jax.ops.segment_sum(jnp.ones((dst.shape[0],), dtype=jnp.float32), dst, num_segments=n_dst)
    mean = s / jnp.clip(cnt, 1.0, None)[:, None]
    return mean @ Wl + bl + x_dst @ Wr


def reference(x_transaction, x_user, edge_index_upt, edge_index_tru,
              Wl_0_upt, bl_0_upt, Wr_0_upt, Wl_0_tru, bl_0_tru, Wr_0_tru,
              Wl_1_upt, bl_1_upt, Wr_1_upt, Wl_1_tru, bl_1_tru, Wr_1_tru,
              W_out, b_out):
    xt, xu = x_transaction, x_user
    # layer 1: HeteroConv over both edge types, then leaky_relu
    nt = _sage(xu, xt, edge_index_upt, Wl_0_upt, bl_0_upt, Wr_0_upt, xt.shape[0])
    nu = _sage(xt, xu, edge_index_tru, Wl_0_tru, bl_0_tru, Wr_0_tru, xu.shape[0])
    xt = jax.nn.leaky_relu(nt, negative_slope=0.01)
    xu = jax.nn.leaky_relu(nu, negative_slope=0.01)
    # layer 2
    nt = _sage(xu, xt, edge_index_upt, Wl_1_upt, bl_1_upt, Wr_1_upt, xt.shape[0])
    nu = _sage(xt, xu, edge_index_tru, Wl_1_tru, bl_1_tru, Wr_1_tru, xu.shape[0])
    xt = jax.nn.leaky_relu(nt, negative_slope=0.01)
    xu = jax.nn.leaky_relu(nu, negative_slope=0.01)
    # embeddings_for='transaction'
    out = xt @ W_out + b_out
    return (out, xt)

if __name__ == "__main__":
    import jax
    _d = setup_inputs()
    print(jax.jit(kernel)(*tuple(_d.values())))

</pallas_src>

<mosaic_0001>
#map = affine_map<(d0, d1) -> (0, 0)>
#map1 = affine_map<(d0, d1) -> (0, 0, 0)>
module attributes {stable_mosaic.version = 14 : i64} {
  func.func @_sc_agg(%arg0: i32, %arg1: i32, %arg2: memref<10000x128xf32, #tpu.memory_space<hbm>>, %arg3: memref<1250x128xi32, #tpu.memory_space<hbm>>, %arg4: memref<1250x128xi32, #tpu.memory_space<hbm>>, %arg5: memref<128x128xf32, #tpu.memory_space<hbm>>, %arg6: memref<2x10240x128xf32, #tpu.memory_space<hbm>>, %arg7: memref<128xi32, #tpu.memory_space<vmem>>, %arg8: memref<128xi32, #tpu.memory_space<vmem>>, %arg9: memref<128x128xf32, #tpu.memory_space<vmem>>, %arg10: memref<10240x128xf32, #tpu.memory_space<vmem_shared>>, %arg11: memref<!tpu.dma_semaphore, #tpu.memory_space<semaphore_mem>>) attributes {dimension_semantics = [#tpu.dimension_semantics<core_parallel>, #tpu.dimension_semantics<subcore_parallel>], iteration_bounds = array<i64: 2, 16>, scalar_prefetch = 0 : i64, scratch_operands = 5 : i64, tpu.core_type = #tpu.core_type<sc_vector_subcore>, window_params = [{transform_indices = #map}, {transform_indices = #map}, {transform_indices = #map}, {transform_indices = #map}, {transform_indices = #map1}]} {
    %mul3A = arith.constant 640 : i32
    %mul3A_0 = arith.muli %arg1, %mul3A : i32
    "tpu.region"() ({
      %run_scoped3A = tpu.sem_alloc : memref<!tpu.dma_semaphore, #tpu.memory_space<semaphore_mem>>
      tpu.enqueue_dma source(%arg5 : memref<128x128xf32, #tpu.memory_space<hbm>>) target(%arg9 : memref<128x128xf32, #tpu.memory_space<vmem>>) target_semaphore(%run_scoped3A : memref<!tpu.dma_semaphore, #tpu.memory_space<semaphore_mem>>)
      tpu.wait_dma2 semaphore(%run_scoped3A : memref<!tpu.dma_semaphore, #tpu.memory_space<semaphore_mem>>) src(%arg5 : memref<128x128xf32, #tpu.memory_space<hbm>>) dst(%arg9 : memref<128x128xf32, #tpu.memory_space<vmem>>)
      tpu.yield
    }) : () -> ()
    %add3A = arith.constant 0 : i32
    %add3A_1 = arith.addi %mul3A_0, %add3A : i32
    "tpu.region"() ({
      %run_scoped3A = tpu.sem_alloc : memref<!tpu.dma_semaphore, #tpu.memory_space<semaphore_mem>>
      %dma_start3A = arith.constant 0 : i32
      %dma_start3A_65 = tpu.memref_slice %arg10[%add3A_1, %dma_start3A] : memref<10240x128xf32, #tpu.memory_space<vmem_shared>> -> memref<128x128xf32, #tpu.memory_space<vmem_shared>>
      %dma_start3A_66 = arith.constant 0 : i32
      %dma_start3A_67 = tpu.memref_slice %arg10[%add3A_1, %dma_start3A_66] : memref<10240x128xf32, #tpu.memory_space<vmem_shared>> -> memref<128x128xf32, #tpu.memory_space<vmem_shared>>
      tpu.enqueue_dma source(%arg9 : memref<128x128xf32, #tpu.memory_space<vmem>>) target(%dma_start3A_67 : memref<128x128xf32, #tpu.memory_space<vmem_shared>>) target_semaphore(%run_scoped3A : memref<!tpu.dma_semaphore, #tpu.memory_space<semaphore_mem>>)
      %dma_wait3A = arith.constant 0 : i32
      %dma_wait3A_68 = tpu.memref_slice %arg10[%add3A_1, %dma_wait3A] : memref<10240x128xf32, #tpu.memory_space<vmem_shared>> -> memref<128x128xf32, #tpu.memory_space<vmem_shared>>
      %dma_wait3A_69 = arith.constant 0 : i32
      %dma_wait3A_70 = tpu.memref_slice %arg10[%add3A_1, %dma_wait3A_69] : memref<10240x128xf32, #tpu.memory_space<vmem_shared>> -> memref<128x128xf32, #tpu.memory_space<vmem_shared>>
      tpu.wait_dma2 semaphore(%run_scoped3A : memref<!tpu.dma_semaphore, #tpu.memory_space<semaphore_mem>>) src(%arg9 : memref<128x128xf32, #tpu.memory_space<vmem>>) dst(%dma_wait3A_70 : memref<128x128xf32, #tpu.memory_space<vmem_shared>>)
      tpu.yield
    }) : () -> ()
    %add3A_2 = arith.constant 128 : i32
    %add3A_3 = arith.addi %mul3A_0, %add3A_2 : i32
    "tpu.region"() ({
      %run_scoped3A = tpu.sem_alloc : memref<!tpu.dma_semaphore, #tpu.memory_space<semaphore_mem>>
      %dma_start3A = arith.constant 0 : i32
      %dma_start3A_65 = tpu.memref_slice %arg10[%add3A_3, %dma_start3A] : memref<10240x128xf32, #tpu.memory_space<vmem_shared>> -> memref<128x128xf32, #tpu.memory_space<vmem_shared>>
      %dma_start3A_66 = arith.constant 0 : i32
      %dma_start3A_67 = tpu.memref_slice %arg10[%add3A_3, %dma_start3A_66] : memref<10240x128xf32, #tpu.memory_space<vmem_shared>> -> memref<128x128xf32, #tpu.memory_space<vmem_shared>>
      tpu.enqueue_dma source(%arg9 : memref<128x128xf32, #tpu.memory_space<vmem>>) target(%dma_start3A_67 : memref<128x128xf32, #tpu.memory_space<vmem_shared>>) target_semaphore(%run_scoped3A : memref<!tpu.dma_semaphore, #tpu.memory_space<semaphore_mem>>)
      %dma_wait3A = arith.constant 0 : i32
      %dma_wait3A_68 = tpu.memref_slice %arg10[%add3A_3, %dma_wait3A] : memref<10240x128xf32, #tpu.memory_space<vmem_shared>> -> memref<128x128xf32, #tpu.memory_space<vmem_shared>>
      %dma_wait3A_69 = arith.constant 0 : i32
      %dma_wait3A_70 = tpu.memref_slice %arg10[%add3A_3, %dma_wait3A_69] : memref<10240x128xf32, #tpu.memory_space<vmem_shared>> -> memref<128x128xf32, #tpu.memory_space<vmem_shared>>
      tpu.wait_dma2 semaphore(%run_scoped3A : memref<!tpu.dma_semaphore, #tpu.memory_space<semaphore_mem>>) src(%arg9 : memref<128x128xf32, #tpu.memory_space<vmem>>) dst(%dma_wait3A_70 : memref<128x128xf32, #tpu.memory_space<vmem_shared>>)
      tpu.yield
    }) : () -> ()
    %add3A_4 = arith.constant 256 : i32
    %add3A_5 = arith.addi %mul3A_0, %add3A_4 : i32
    "tpu.region"() ({
      %run_scoped3A = tpu.sem_alloc : memref<!tpu.dma_semaphore, #tpu.memory_space<semaphore_mem>>
      %dma_start3A = arith.constant 0 : i32
      %dma_start3A_65 = tpu.memref_slice %arg10[%add3A_5, %dma_start3A] : memref<10240x128xf32, #tpu.memory_space<vmem_shared>> -> memref<128x128xf32, #tpu.memory_space<vmem_shared>>
      %dma_start3A_66 = arith.constant 0 : i32
      %dma_start3A_67 = tpu.memref_slice %arg10[%add3A_5, %dma_start3A_66] : memref<10240x128xf32, #tpu.memory_space<vmem_shared>> -> memref<128x128xf32, #tpu.memory_space<vmem_shared>>
      tpu.enqueue_dma source(%arg9 : memref<128x128xf32, #tpu.memory_space<vmem>>) target(%dma_start3A_67 : memref<128x128xf32, #tpu.memory_space<vmem_shared>>) target_semaphore(%run_scoped3A : memref<!tpu.dma_semaphore, #tpu.memory_space<semaphore_mem>>)
      %dma_wait3A = arith.constant 0 : i32
      %dma_wait3A_68 = tpu.memref_slice %arg10[%add3A_5, %dma_wait3A] : memref<10240x128xf32, #tpu.memory_space<vmem_shared>> -> memref<128x128xf32, #tpu.memory_space<vmem_shared>>
      %dma_wait3A_69 = arith.constant 0 : i32
      %dma_wait3A_70 = tpu.memref_slice %arg10[%add3A_5, %dma_wait3A_69] : memref<10240x128xf32, #tpu.memory_space<vmem_shared>> -> memref<128x128xf32, #tpu.memory_space<vmem_shared>>
      tpu.wait_dma2 semaphore(%run_scoped3A : memref<!tpu.dma_semaphore, #tpu.memory_space<semaphore_mem>>) src(%arg9 : memref<128x128xf32, #tpu.memory_space<vmem>>) dst(%dma_wait3A_70 : memref<128x128xf32, #tpu.memory_space<vmem_shared>>)
      tpu.yield
    }) : () -> ()
    %add3A_6 = arith.constant 384 : i32
    %add3A_7 = arith.addi %mul3A_0, %add3A_6 : i32
    "tpu.region"() ({
      %run_scoped3A = tpu.sem_alloc : memref<!tpu.dma_semaphore, #tpu.memory_space<semaphore_mem>>
      %dma_start3A = arith.constant 0 : i32
      %dma_start3A_65 = tpu.memref_slice %arg10[%add3A_7, %dma_start3A] : memref<10240x128xf32, #tpu.memory_space<vmem_shared>> -> memref<128x128xf32, #tpu.memory_space<vmem_shared>>
      %dma_start3A_66 = arith.constant 0 : i32
      %dma_start3A_67 = tpu.memref_slice %arg10[%add3A_7, %dma_start3A_66] : memref<10240x128xf32, #tpu.memory_space<vmem_shared>> -> memref<128x128xf32, #tpu.memory_space<vmem_shared>>
      tpu.enqueue_dma source(%arg9 : memref<128x128xf32, #tpu.memory_space<vmem>>) target(%dma_start3A_67 : memref<128x128xf32, #tpu.memory_space<vmem_shared>>) target_semaphore(%run_scoped3A : memref<!tpu.dma_semaphore, #tpu.memory_space<semaphore_mem>>)
      %dma_wait3A = arith.constant 0 : i32
      %dma_wait3A_68 = tpu.memref_slice %arg10[%add3A_7, %dma_wait3A] : memref<10240x128xf32, #tpu.memory_space<vmem_shared>> -> memref<128x128xf32, #tpu.memory_space<vmem_shared>>
      %dma_wait3A_69 = arith.constant 0 : i32
      %dma_wait3A_70 = tpu.memref_slice %arg10[%add3A_7, %dma_wait3A_69] : memref<10240x128xf32, #tpu.memory_space<vmem_shared>> -> memref<128x128xf32, #tpu.memory_space<vmem_shared>>
      tpu.wait_dma2 semaphore(%run_scoped3A : memref<!tpu.dma_semaphore, #tpu.memory_space<semaphore_mem>>) src(%arg9 : memref<128x128xf32, #tpu.memory_space<vmem>>) dst(%dma_wait3A_70 : memref<128x128xf32, #tpu.memory_space<vmem_shared>>)
      tpu.yield
    }) : () -> ()
    %add3A_8 = arith.constant 512 : i32
    %add3A_9 = arith.addi %mul3A_0, %add3A_8 : i32
    "tpu.region"() ({
      %run_scoped3A = tpu.sem_alloc : memref<!tpu.dma_semaphore, #tpu.memory_space<semaphore_mem>>
      %dma_start3A = arith.constant 0 : i32
      %dma_start3A_65 = tpu.memref_slice %arg10[%add3A_9, %dma_start3A] : memref<10240x128xf32, #tpu.memory_space<vmem_shared>> -> memref<128x128xf32, #tpu.memory_space<vmem_shared>>
      %dma_start3A_66 = arith.constant 0 : i32
      %dma_start3A_67 = tpu.memref_slice %arg10[%add3A_9, %dma_start3A_66] : memref<10240x128xf32, #tpu.memory_space<vmem_shared>> -> memref<128x128xf32, #tpu.memory_space<vmem_shared>>
      tpu.enqueue_dma source(%arg9 : memref<128x128xf32, #tpu.memory_space<vmem>>) target(%dma_start3A_67 : memref<128x128xf32, #tpu.memory_space<vmem_shared>>) target_semaphore(%run_scoped3A : memref<!tpu.dma_semaphore, #tpu.memory_space<semaphore_mem>>)
      %dma_wait3A = arith.constant 0 : i32
      %dma_wait3A_68 = tpu.memref_slice %arg10[%add3A_9, %dma_wait3A] : memref<10240x128xf32, #tpu.memory_space<vmem_shared>> -> memref<128x128xf32, #tpu.memory_space<vmem_shared>>
      %dma_wait3A_69 = arith.constant 0 : i32
      %dma_wait3A_70 = tpu.memref_slice %arg10[%add3A_9, %dma_wait3A_69] : memref<10240x128xf32, #tpu.memory_space<vmem_shared>> -> memref<128x128xf32, #tpu.memory_space<vmem_shared>>
      tpu.wait_dma2 semaphore(%run_scoped3A : memref<!tpu.dma_semaphore, #tpu.memory_space<semaphore_mem>>) src(%arg9 : memref<128x128xf32, #tpu.memory_space<vmem>>) dst(%dma_wait3A_70 : memref<128x128xf32, #tpu.memory_space<vmem_shared>>)
      tpu.yield
    }) : () -> ()
    %barrier3A = arith.constant 0 : index
    tpu.barrier barrier_id(%barrier3A)
    %mul3A_10 = arith.constant 2 : i32
    %mul3A_11 = arith.muli %arg1, %mul3A_10 : i32
    %add3A_12 = arith.addi %mul3A_11, %arg0 : i32
    %sub3A = arith.constant 1250 : i32
    %sub3A_13 = arith.subi %sub3A, %add3A_12 : i32
    %add3A_14 = arith.constant 32 : i32
    %add3A_15 = arith.addi %sub3A_13, %add3A_14 : i32
    %sub3A_16 = arith.constant 1 : i32
    %sub3A_17 = arith.subi %add3A_15, %sub3A_16 : i32
    %jit3A = arith.constant 32 : i32
    %div3A = arith.divsi %sub3A_17, %jit3A : i32
    %sign3A = arith.constant 0 : i32
    %sign3A_18 = arith.cmpi sgt, %sub3A_17, %sign3A : i32
    %sign3A_19 = arith.extui %sign3A_18 : i1 to i32
    %sign3A_20 = arith.constant 0 : i32
    %sign3A_21 = arith.cmpi slt, %sub3A_17, %sign3A_20 : i32
    %sign3A_22 = arith.extui %sign3A_21 : i1 to i32
    %sign3A_23 = arith.subi %sign3A_19, %sign3A_22 : i32
    %sign3A_24 = arith.constant 0 : i32
    %sign3A_25 = arith.cmpi sgt, %jit3A, %sign3A_24 : i32
    %sign3A_26 = arith.extui %sign3A_25 : i1 to i32
    %sign3A_27 = arith.constant 0 : i32
    %sign3A_28 = arith.cmpi slt, %jit3A, %sign3A_27 : i32
    %sign3A_29 = arith.extui %sign3A_28 : i1 to i32
    %sign3A_30 = arith.subi %sign3A_26, %sign3A_29 : i32
    %ne3A = arith.cmpi ne, %sign3A_23, %sign3A_30 : i32
    %rem3A = arith.remsi %sub3A_17, %jit3A : i32
    %ne3A_31 = arith.constant 0 : i32
    %ne3A_32 = arith.cmpi ne, %rem3A, %ne3A_31 : i32
    %and3A = arith.andi %ne3A, %ne3A_32 : i1
    %sub3A_33 = arith.constant 1 : i32
    %sub3A_34 = arith.subi %div3A, %sub3A_33 : i32
    %select_n3A = arith.select %and3A, %sub3A_34, %div3A : i32
    %while3A = arith.constant 0 : i32
    %while3A_35 = arith.constant 0 : i32
    %while3A_36 = arith.subi %select_n3A, %while3A_35 : i32
    %while3A_37 = arith.addi %while3A_35, %while3A_36 : i32
    %while3A_38 = arith.constant 1 : i32
    %while3A_39 = arith.divsi %while3A_36, %while3A_38 : i32
    %while3A_40 = arith.muli %while3A_39, %while3A_38 : i32
    %while3A_41 = arith.addi %while3A_35, %while3A_40 : i32
    %while3A_42 = arith.constant 1 : i32
    scf.for %while3A_65 = %while3A_35 to %while3A_41 step %while3A_42  : i32 {
      %mul3A_66 = arith.constant 32 : i32
      %mul3A_67 = arith.muli %while3A_65, %mul3A_66 : i32
      %add3A_68 = arith.addi %mul3A_67, %add3A_12 : i32
      "tpu.region"() ({
        %run_scoped3A = tpu.sem_alloc : memref<!tpu.dma_semaphore, #tpu.memory_space<semaphore_mem>>
        %dma_start3A_73 = arith.constant 0 : i32
        %dma_start3A_74 = tpu.memref_slice %arg3[%add3A_68, %dma_start3A_73] : memref<1250x128xi32, #tpu.memory_space<hbm>> -> memref<1x128xi32, #tpu.memory_space<hbm>>
        %dma_start3A_75 = tpu.memref_squeeze %dma_start3A_74 : memref<1x128xi32, #tpu.memory_space<hbm>> -> memref<128xi32, #tpu.memory_space<hbm>>
        %dma_start3A_76 = arith.constant 0 : i32
        %dma_start3A_77 = tpu.memref_slice %arg3[%add3A_68, %dma_start3A_76] : memref<1250x128xi32, #tpu.memory_space<hbm>> -> memref<1x128xi32, #tpu.memory_space<hbm>>
        %dma_start3A_78 = tpu.memref_squeeze %dma_start3A_77 : memref<1x128xi32, #tpu.memory_space<hbm>> -> memref<128xi32, #tpu.memory_space<hbm>>
        tpu.enqueue_dma source(%dma_start3A_78 : memref<128xi32, #tpu.memory_space<hbm>>) target(%arg7 : memref<128xi32, #tpu.memory_space<vmem>>) target_semaphore(%run_scoped3A : memref<!tpu.dma_semaphore, #tpu.memory_space<semaphore_mem>>)
        %dma_wait3A_79 = arith.constant 0 : i32
        %dma_wait3A_80 = tpu.memref_slice %arg3[%add3A_68, %dma_wait3A_79] : memref<1250x128xi32, #tpu.memory_space<hbm>> -> memref<1x128xi32, #tpu.memory_space<hbm>>
        %dma_wait3A_81 = tpu.memref_squeeze %dma_wait3A_80 : memref<1x128xi32, #tpu.memory_space<hbm>> -> memref<128xi32, #tpu.memory_space<hbm>>
        %dma_wait3A_82 = arith.constant 0 : i32
        %dma_wait3A_83 = tpu.memref_slice %arg3[%add3A_68, %dma_wait3A_82] : memref<1250x128xi32, #tpu.memory_space<hbm>> -> memref<1x128xi32, #tpu.memory_space<hbm>>
        %dma_wait3A_84 = tpu.memref_squeeze %dma_wait3A_83 : memref<1x128xi32, #tpu.memory_space<hbm>> -> memref<128xi32, #tpu.memory_space<hbm>>
        tpu.wait_dma2 semaphore(%run_scoped3A : memref<!tpu.dma_semaphore, #tpu.memory_space<semaphore_mem>>) src(%dma_wait3A_84 : memref<128xi32, #tpu.memory_space<hbm>>) dst(%arg7 : memref<128xi32, #tpu.memory_space<vmem>>)
        tpu.yield
      }) : () -> ()
      "tpu.region"() ({
        %run_scoped3A = tpu.sem_alloc : memref<!tpu.dma_semaphore, #tpu.memory_space<semaphore_mem>>
        %dma_start3A_73 = arith.constant 0 : i32
        %dma_start3A_74 = tpu.memref_slice %arg4[%add3A_68, %dma_start3A_73] : memref<1250x128xi32, #tpu.memory_space<hbm>> -> memref<1x128xi32, #tpu.memory_space<hbm>>
        %dma_start3A_75 = tpu.memref_squeeze %dma_start3A_74 : memref<1x128xi32, #tpu.memory_space<hbm>> -> memref<128xi32, #tpu.memory_space<hbm>>
        %dma_start3A_76 = arith.constant 0 : i32
        %dma_start3A_77 = tpu.memref_slice %arg4[%add3A_68, %dma_start3A_76] : memref<1250x128xi32, #tpu.memory_space<hbm>> -> memref<1x128xi32, #tpu.memory_space<hbm>>
        %dma_start3A_78 = tpu.memref_squeeze %dma_start3A_77 : memref<1x128xi32, #tpu.memory_space<hbm>> -> memref<128xi32, #tpu.memory_space<hbm>>
        tpu.enqueue_dma source(%dma_start3A_78 : memref<128xi32, #tpu.memory_space<hbm>>) target(%arg8 : memref<128xi32, #tpu.memory_space<vmem>>) target_semaphore(%run_scoped3A : memref<!tpu.dma_semaphore, #tpu.memory_space<semaphore_mem>>)
        %dma_wait3A_79 = arith.constant 0 : i32
        %dma_wait3A_80 = tpu.memref_slice %arg4[%add3A_68, %dma_wait3A_79] : memref<1250x128xi32, #tpu.memory_space<hbm>> -> memref<1x128xi32, #tpu.memory_space<hbm>>
        %dma_wait3A_81 = tpu.memref_squeeze %dma_wait3A_80 : memref<1x128xi32, #tpu.memory_space<hbm>> -> memref<128xi32, #tpu.memory_space<hbm>>
        %dma_wait3A_82 = arith.constant 0 : i32
        %dma_wait3A_83 = tpu.memref_slice %arg4[%add3A_68, %dma_wait3A_82] : memref<1250x128xi32, #tpu.memory_space<hbm>> -> memref<1x128xi32, #tpu.memory_space<hbm>>
        %dma_wait3A_84 = tpu.memref_squeeze %dma_wait3A_83 : memref<1x128xi32, #tpu.memory_space<hbm>> -> memref<128xi32, #tpu.memory_space<hbm>>
        tpu.wait_dma2 semaphore(%run_scoped3A : memref<!tpu.dma_semaphore, #tpu.memory_space<semaphore_mem>>) src(%dma_wait3A_84 : memref<128xi32, #tpu.memory_space<hbm>>) dst(%arg8 : memref<128xi32, #tpu.memory_space<vmem>>)
        tpu.yield
      }) : () -> ()
      %dma_start3A = arith.constant 0 : i32
      %dma_start3A_69 = arith.constant 0 : i32
      %dma_start3A_70 = tpu.memref_slice %arg2[%dma_start3A, %dma_start3A_69] : memref<10000x128xf32, #tpu.memory_space<hbm>> -> memref<10000x128xf32, #tpu.memory_space<hbm>>
      tpu.enqueue_indirect_dma source(%dma_start3A_70 : memref<10000x128xf32, #tpu.memory_space<hbm>>) target(%arg9 : memref<128x128xf32, #tpu.memory_space<vmem>>) offsets(%arg7 : memref<128xi32, #tpu.memory_space<vmem>>) semaphore(%arg11 : memref<!tpu.dma_semaphore, #tpu.memory_space<semaphore_mem>>)
      %dma_wait3A = arith.constant 0 : i32
      %dma_wait3A_71 = arith.constant 0 : i32
      %dma_wait3A_72 = tpu.memref_slice %arg2[%dma_wait3A, %dma_wait3A_71] : memref<10000x128xf32, #tpu.memory_space<hbm>> -> memref<10000x128xf32, #tpu.memory_space<hbm>>
      tpu.wait_indirect_dma semaphore(%arg11 : memref<!tpu.dma_semaphore, #tpu.memory_space<semaphore_mem>>) src(%dma_wait3A_72 : memref<10000x128xf32, #tpu.memory_space<hbm>>) dst(%arg9 : memref<128x128xf32, #tpu.memory_space<vmem>>)
      "tpu.region"() ({
        %run_scoped3A = tpu.sem_alloc : memref<!tpu.dma_semaphore, #tpu.memory_space<semaphore_mem>>
        %dma_start3A_73 = arith.constant 0 : i32
        %dma_start3A_74 = arith.constant 0 : i32
        %dma_start3A_75 = tpu.memref_slice %arg10[%dma_start3A_73, %dma_start3A_74] : memref<10240x128xf32, #tpu.memory_space<vmem_shared>> -> memref<10240x128xf32, #tpu.memory_space<vmem_shared>>
        tpu.enqueue_indirect_dma source(%arg9 : memref<128x128xf32, #tpu.memory_space<vmem>>) target(%dma_start3A_75 : memref<10240x128xf32, #tpu.memory_space<vmem_shared>>) offsets(%arg8 : memref<128xi32, #tpu.memory_space<vmem>>) semaphore(%run_scoped3A : memref<!tpu.dma_semaphore, #tpu.memory_space<semaphore_mem>>) {add = true}
        %dma_wait3A_76 = arith.constant 0 : i32
        %dma_wait3A_77 = arith.constant 0 : i32
        %dma_wait3A_78 = tpu.memref_slice %arg10[%dma_wait3A_76, %dma_wait3A_77] : memref<10240x128xf32, #tpu.memory_space<vmem_shared>> -> memref<10240x128xf32, #tpu.memory_space<vmem_shared>>
        tpu.wait_indirect_dma semaphore(%run_scoped3A : memref<!tpu.dma_semaphore, #tpu.memory_space<semaphore_mem>>) src(%arg9 : memref<128x128xf32, #tpu.memory_space<vmem>>) dst(%dma_wait3A_78 : memref<10240x128xf32, #tpu.memory_space<vmem_shared>>)
        tpu.yield
      }) : () -> ()
    }
    %while3A_43 = arith.constant 1 : i32
    scf.for %while3A_65 = %while3A_41 to %while3A_37 step %while3A_43  : i32 {
      %mul3A_66 = arith.constant 32 : i32
      %mul3A_67 = arith.muli %while3A_65, %mul3A_66 : i32
      %add3A_68 = arith.addi %mul3A_67, %add3A_12 : i32
      "tpu.region"() ({
        %run_scoped3A = tpu.sem_alloc : memref<!tpu.dma_semaphore, #tpu.memory_space<semaphore_mem>>
        %dma_start3A_73 = arith.constant 0 : i32
        %dma_start3A_74 = tpu.memref_slice %arg3[%add3A_68, %dma_start3A_73] : memref<1250x128xi32, #tpu.memory_space<hbm>> -> memref<1x128xi32, #tpu.memory_space<hbm>>
        %dma_start3A_75 = tpu.memref_squeeze %dma_start3A_74 : memref<1x128xi32, #tpu.memory_space<hbm>> -> memref<128xi32, #tpu.memory_space<hbm>>
        %dma_start3A_76 = arith.constant 0 : i32
        %dma_start3A_77 = tpu.memref_slice %arg3[%add3A_68, %dma_start3A_76] : memref<1250x128xi32, #tpu.memory_space<hbm>> -> memref<1x128xi32, #tpu.memory_space<hbm>>
        %dma_start3A_78 = tpu.memref_squeeze %dma_start3A_77 : memref<1x128xi32, #tpu.memory_space<hbm>> -> memref<128xi32, #tpu.memory_space<hbm>>
        tpu.enqueue_dma source(%dma_start3A_78 : memref<128xi32, #tpu.memory_space<hbm>>) target(%arg7 : memref<128xi32, #tpu.memory_space<vmem>>) target_semaphore(%run_scoped3A : memref<!tpu.dma_semaphore, #tpu.memory_space<semaphore_mem>>)
        %dma_wait3A_79 = arith.constant 0 : i32
        %dma_wait3A_80 = tpu.memref_slice %arg3[%add3A_68, %dma_wait3A_79] : memref<1250x128xi32, #tpu.memory_space<hbm>> -> memref<1x128xi32, #tpu.memory_space<hbm>>
        %dma_wait3A_81 = tpu.memref_squeeze %dma_wait3A_80 : memref<1x128xi32, #tpu.memory_space<hbm>> -> memref<128xi32, #tpu.memory_space<hbm>>
        %dma_wait3A_82 = arith.constant 0 : i32
        %dma_wait3A_83 = tpu.memref_slice %arg3[%add3A_68, %dma_wait3A_82] : memref<1250x128xi32, #tpu.memory_space<hbm>> -> memref<1x128xi32, #tpu.memory_space<hbm>>
        %dma_wait3A_84 = tpu.memref_squeeze %dma_wait3A_83 : memref<1x128xi32, #tpu.memory_space<hbm>> -> memref<128xi32, #tpu.memory_space<hbm>>
        tpu.wait_dma2 semaphore(%run_scoped3A : memref<!tpu.dma_semaphore, #tpu.memory_space<semaphore_mem>>) src(%dma_wait3A_84 : memref<128xi32, #tpu.memory_space<hbm>>) dst(%arg7 : memref<128xi32, #tpu.memory_space<vmem>>)
        tpu.yield
      }) : () -> ()
      "tpu.region"() ({
        %run_scoped3A = tpu.sem_alloc : memref<!tpu.dma_semaphore, #tpu.memory_space<semaphore_mem>>
        %dma_start3A_73 = arith.constant 0 : i32
        %dma_start3A_74 = tpu.memref_slice %arg4[%add3A_68, %dma_start3A_73] : memref<1250x128xi32, #tpu.memory_space<hbm>> -> memref<1x128xi32, #tpu.memory_space<hbm>>
        %dma_start3A_75 = tpu.memref_squeeze %dma_start3A_74 : memref<1x128xi32, #tpu.memory_space<hbm>> -> memref<128xi32, #tpu.memory_space<hbm>>
        %dma_start3A_76 = arith.constant 0 : i32
        %dma_start3A_77 = tpu.memref_slice %arg4[%add3A_68, %dma_start3A_76] : memref<1250x128xi32, #tpu.memory_space<hbm>> -> memref<1x128xi32, #tpu.memory_space<hbm>>
        %dma_start3A_78 = tpu.memref_squeeze %dma_start3A_77 : memref<1x128xi32, #tpu.memory_space<hbm>> -> memref<128xi32, #tpu.memory_space<hbm>>
        tpu.enqueue_dma source(%dma_start3A_78 : memref<128xi32, #tpu.memory_space<hbm>>) target(%arg8 : memref<128xi32, #tpu.memory_space<vmem>>) target_semaphore(%run_scoped3A : memref<!tpu.dma_semaphore, #tpu.memory_space<semaphore_mem>>)
        %dma_wait3A_79 = arith.constant 0 : i32
        %dma_wait3A_80 = tpu.memref_slice %arg4[%add3A_68, %dma_wait3A_79] : memref<1250x128xi32, #tpu.memory_space<hbm>> -> memref<1x128xi32, #tpu.memory_space<hbm>>
        %dma_wait3A_81 = tpu.memref_squeeze %dma_wait3A_80 : memref<1x128xi32, #tpu.memory_space<hbm>> -> memref<128xi32, #tpu.memory_space<hbm>>
        %dma_wait3A_82 = arith.constant 0 : i32
        %dma_wait3A_83 = tpu.memref_slice %arg4[%add3A_68, %dma_wait3A_82] : memref<1250x128xi32, #tpu.memory_space<hbm>> -> memref<1x128xi32, #tpu.memory_space<hbm>>
        %dma_wait3A_84 = tpu.memref_squeeze %dma_wait3A_83 : memref<1x128xi32, #tpu.memory_space<hbm>> -> memref<128xi32, #tpu.memory_space<hbm>>
        tpu.wait_dma2 semaphore(%run_scoped3A : memref<!tpu.dma_semaphore, #tpu.memory_space<semaphore_mem>>) src(%dma_wait3A_84 : memref<128xi32, #tpu.memory_space<hbm>>) dst(%arg8 : memref<128xi32, #tpu.memory_space<vmem>>)
        tpu.yield
      }) : () -> ()
      %dma_start3A = arith.constant 0 : i32
      %dma_start3A_69 = arith.constant 0 : i32
      %dma_start3A_70 = tpu.memref_slice %arg2[%dma_start3A, %dma_start3A_69] : memref<10000x128xf32, #tpu.memory_space<hbm>> -> memref<10000x128xf32, #tpu.memory_space<hbm>>
      tpu.enqueue_indirect_dma source(%dma_start3A_70 : memref<10000x128xf32, #tpu.memory_space<hbm>>) target(%arg9 : memref<128x128xf32, #tpu.memory_space<vmem>>) offsets(%arg7 : memref<128xi32, #tpu.memory_space<vmem>>) semaphore(%arg11 : memref<!tpu.dma_semaphore, #tpu.memory_space<semaphore_mem>>)
      %dma_wait3A = arith.constant 0 : i32
      %dma_wait3A_71 = arith.constant 0 : i32
      %dma_wait3A_72 = tpu.memref_slice %arg2[%dma_wait3A, %dma_wait3A_71] : memref<10000x128xf32, #tpu.memory_space<hbm>> -> memref<10000x128xf32, #tpu.memory_space<hbm>>
      tpu.wait_indirect_dma semaphore(%arg11 : memref<!tpu.dma_semaphore, #tpu.memory_space<semaphore_mem>>) src(%dma_wait3A_72 : memref<10000x128xf32, #tpu.memory_space<hbm>>) dst(%arg9 : memref<128x128xf32, #tpu.memory_space<vmem>>)
      "tpu.region"() ({
        %run_scoped3A = tpu.sem_alloc : memref<!tpu.dma_semaphore, #tpu.memory_space<semaphore_mem>>
        %dma_start3A_73 = arith.constant 0 : i32
        %dma_start3A_74 = arith.constant 0 : i32
        %dma_start3A_75 = tpu.memref_slice %arg10[%dma_start3A_73, %dma_start3A_74] : memref<10240x128xf32, #tpu.memory_space<vmem_shared>> -> memref<10240x128xf32, #tpu.memory_space<vmem_shared>>
        tpu.enqueue_indirect_dma source(%arg9 : memref<128x128xf32, #tpu.memory_space<vmem>>) target(%dma_start3A_75 : memref<10240x128xf32, #tpu.memory_space<vmem_shared>>) offsets(%arg8 : memref<128xi32, #tpu.memory_space<vmem>>) semaphore(%run_scoped3A : memref<!tpu.dma_semaphore, #tpu.memory_space<semaphore_mem>>) {add = true}
        %dma_wait3A_76 = arith.constant 0 : i32
        %dma_wait3A_77 = arith.constant 0 : i32
        %dma_wait3A_78 = tpu.memref_slice %arg10[%dma_wait3A_76, %dma_wait3A_77] : memref<10240x128xf32, #tpu.memory_space<vmem_shared>> -> memref<10240x128xf32, #tpu.memory_space<vmem_shared>>
        tpu.wait_indirect_dma semaphore(%run_scoped3A : memref<!tpu.dma_semaphore, #tpu.memory_space<semaphore_mem>>) src(%arg9 : memref<128x128xf32, #tpu.memory_space<vmem>>) dst(%dma_wait3A_78 : memref<10240x128xf32, #tpu.memory_space<vmem_shared>>)
        tpu.yield
      }) : () -> ()
    }
    %barrier3A_44 = arith.constant 0 : index
    tpu.barrier barrier_id(%barrier3A_44)
    %add3A_45 = arith.constant 0 : i32
    %add3A_46 = arith.addi %mul3A_0, %add3A_45 : i32
    "tpu.region"() ({
      %run_scoped3A = tpu.sem_alloc : memref<!tpu.dma_semaphore, #tpu.memory_space<semaphore_mem>>
      %dma_start3A = arith.constant 0 : i32
      %dma_start3A_65 = tpu.memref_slice %arg10[%add3A_46, %dma_start3A] : memref<10240x128xf32, #tpu.memory_space<vmem_shared>> -> memref<128x128xf32, #tpu.memory_space<vmem_shared>>
      %dma_start3A_66 = arith.constant 0 : i32
      %dma_start3A_67 = tpu.memref_slice %arg10[%add3A_46, %dma_start3A_66] : memref<10240x128xf32, #tpu.memory_space<vmem_shared>> -> memref<128x128xf32, #tpu.memory_space<vmem_shared>>
      tpu.enqueue_dma source(%dma_start3A_67 : memref<128x128xf32, #tpu.memory_space<vmem_shared>>) target(%arg9 : memref<128x128xf32, #tpu.memory_space<vmem>>) target_semaphore(%run_scoped3A : memref<!tpu.dma_semaphore, #tpu.memory_space<semaphore_mem>>)
      %dma_wait3A = arith.constant 0 : i32
      %dma_wait3A_68 = tpu.memref_slice %arg10[%add3A_46, %dma_wait3A] : memref<10240x128xf32, #tpu.memory_space<vmem_shared>> -> memref<128x128xf32, #tpu.memory_space<vmem_shared>>
      %dma_wait3A_69 = arith.constant 0 : i32
      %dma_wait3A_70 = tpu.memref_slice %arg10[%add3A_46, %dma_wait3A_69] : memref<10240x128xf32, #tpu.memory_space<vmem_shared>> -> memref<128x128xf32, #tpu.memory_space<vmem_shared>>
      tpu.wait_dma2 semaphore(%run_scoped3A : memref<!tpu.dma_semaphore, #tpu.memory_space<semaphore_mem>>) src(%dma_wait3A_70 : memref<128x128xf32, #tpu.memory_space<vmem_shared>>) dst(%arg9 : memref<128x128xf32, #tpu.memory_space<vmem>>)
      tpu.yield
    }) : () -> ()
    %add3A_47 = arith.constant 0 : i32
    %add3A_48 = arith.addi %mul3A_0, %add3A_47 : i32
    "tpu.region"() ({
      %run_scoped3A = tpu.sem_alloc : memref<!tpu.dma_semaphore, #tpu.memory_space<semaphore_mem>>
      %dma_start3A = arith.constant 0 : i32
      %dma_start3A_65 = tpu.memref_slice %arg6[%arg0, %add3A_48, %dma_start3A] : memref<2x10240x128xf32, #tpu.memory_space<hbm>> -> memref<1x128x128xf32, #tpu.memory_space<hbm>>
      %dma_start3A_66 = tpu.memref_squeeze %dma_start3A_65 : memref<1x128x128xf32, #tpu.memory_space<hbm>> -> memref<128x128xf32, #tpu.memory_space<hbm>>
      %dma_start3A_67 = arith.constant 0 : i32
      %dma_start3A_68 = tpu.memref_slice %arg6[%arg0, %add3A_48, %dma_start3A_67] : memref<2x10240x128xf32, #tpu.memory_space<hbm>> -> memref<1x128x128xf32, #tpu.memory_space<hbm>>
      %dma_start3A_69 = tpu.memref_squeeze %dma_start3A_68 : memref<1x128x128xf32, #tpu.memory_space<hbm>> -> memref<128x128xf32, #tpu.memory_space<hbm>>
      tpu.enqueue_dma source(%arg9 : memref<128x128xf32, #tpu.memory_space<vmem>>) target(%dma_start3A_69 : memref<128x128xf32, #tpu.memory_space<hbm>>) target_semaphore(%run_scoped3A : memref<!tpu.dma_semaphore, #tpu.memory_space<semaphore_mem>>)
      %dma_wait3A = arith.constant 0 : i32
      %dma_wait3A_70 = tpu.memref_slice %arg6[%arg0, %add3A_48, %dma_wait3A] : memref<2x10240x128xf32, #tpu.memory_space<hbm>> -> memref<1x128x128xf32, #tpu.memory_space<hbm>>
      %dma_wait3A_71 = tpu.memref_squeeze %dma_wait3A_70 : memref<1x128x128xf32, #tpu.memory_space<hbm>> -> memref<128x128xf32, #tpu.memory_space<hbm>>
      %dma_wait3A_72 = arith.constant 0 : i32
      %dma_wait3A_73 = tpu.memref_slice %arg6[%arg0, %add3A_48, %dma_wait3A_72] : memref<2x10240x128xf32, #tpu.memory_space<hbm>> -> memref<1x128x128xf32, #tpu.memory_space<hbm>>
      %dma_wait3A_74 = tpu.memref_squeeze %dma_wait3A_73 : memref<1x128x128xf32, #tpu.memory_space<hbm>> -> memref<128x128xf32, #tpu.memory_space<hbm>>
      tpu.wait_dma2 semaphore(%run_scoped3A : memref<!tpu.dma_semaphore, #tpu.memory_space<semaphore_mem>>) src(%arg9 : memref<128x128xf32, #tpu.memory_space<vmem>>) dst(%dma_wait3A_74 : memref<128x128xf32, #tpu.memory_space<hbm>>)
      tpu.yield
    }) : () -> ()
    %add3A_49 = arith.constant 128 : i32
    %add3A_50 = arith.addi %mul3A_0, %add3A_49 : i32
    "tpu.region"() ({
      %run_scoped3A = tpu.sem_alloc : memref<!tpu.dma_semaphore, #tpu.memory_space<semaphore_mem>>
      %dma_start3A = arith.constant 0 : i32
      %dma_start3A_65 = tpu.memref_slice %arg10[%add3A_50, %dma_start3A] : memref<10240x128xf32, #tpu.memory_space<vmem_shared>> -> memref<128x128xf32, #tpu.memory_space<vmem_shared>>
      %dma_start3A_66 = arith.constant 0 : i32
      %dma_start3A_67 = tpu.memref_slice %arg10[%add3A_50, %dma_start3A_66] : memref<10240x128xf32, #tpu.memory_space<vmem_shared>> -> memref<128x128xf32, #tpu.memory_space<vmem_shared>>
      tpu.enqueue_dma source(%dma_start3A_67 : memref<128x128xf32, #tpu.memory_space<vmem_shared>>) target(%arg9 : memref<128x128xf32, #tpu.memory_space<vmem>>) target_semaphore(%run_scoped3A : memref<!tpu.dma_semaphore, #tpu.memory_space<semaphore_mem>>)
      %dma_wait3A = arith.constant 0 : i32
      %dma_wait3A_68 = tpu.memref_slice %arg10[%add3A_50, %dma_wait3A] : memref<10240x128xf32, #tpu.memory_space<vmem_shared>> -> memref<128x128xf32, #tpu.memory_space<vmem_shared>>
      %dma_wait3A_69 = arith.constant 0 : i32
      %dma_wait3A_70 = tpu.memref_slice %arg10[%add3A_50, %dma_wait3A_69] : memref<10240x128xf32, #tpu.memory_space<vmem_shared>> -> memref<128x128xf32, #tpu.memory_space<vmem_shared>>
      tpu.wait_dma2 semaphore(%run_scoped3A : memref<!tpu.dma_semaphore, #tpu.memory_space<semaphore_mem>>) src(%dma_wait3A_70 : memref<128x128xf32, #tpu.memory_space<vmem_shared>>) dst(%arg9 : memref<128x128xf32, #tpu.memory_space<vmem>>)
      tpu.yield
    }) : () -> ()
    %add3A_51 = arith.constant 128 : i32
    %add3A_52 = arith.addi %mul3A_0, %add3A_51 : i32
    "tpu.region"() ({
      %run_scoped3A = tpu.sem_alloc : memref<!tpu.dma_semaphore, #tpu.memory_space<semaphore_mem>>
      %dma_start3A = arith.constant 0 : i32
      %dma_start3A_65 = tpu.memref_slice %arg6[%arg0, %add3A_52, %dma_start3A] : memref<2x10240x128xf32, #tpu.memory_space<hbm>> -> memref<1x128x128xf32, #tpu.memory_space<hbm>>
      %dma_start3A_66 = tpu.memref_squeeze %dma_start3A_65 : memref<1x128x128xf32, #tpu.memory_space<hbm>> -> memref<128x128xf32, #tpu.memory_space<hbm>>
      %dma_start3A_67 = arith.constant 0 : i32
      %dma_start3A_68 = tpu.memref_slice %arg6[%arg0, %add3A_52, %dma_start3A_67] : memref<2x10240x128xf32, #tpu.memory_space<hbm>> -> memref<1x128x128xf32, #tpu.memory_space<hbm>>
      %dma_start3A_69 = tpu.memref_squeeze %dma_start3A_68 : memref<1x128x128xf32, #tpu.memory_space<hbm>> -> memref<128x128xf32, #tpu.memory_space<hbm>>
      tpu.enqueue_dma source(%arg9 : memref<128x128xf32, #tpu.memory_space<vmem>>) target(%dma_start3A_69 : memref<128x128xf32, #tpu.memory_space<hbm>>) target_semaphore(%run_scoped3A : memref<!tpu.dma_semaphore, #tpu.memory_space<semaphore_mem>>)
      %dma_wait3A = arith.constant 0 : i32
      %dma_wait3A_70 = tpu.memref_slice %arg6[%arg0, %add3A_52, %dma_wait3A] : memref<2x10240x128xf32, #tpu.memory_space<hbm>> -> memref<1x128x128xf32, #tpu.memory_space<hbm>>
      %dma_wait3A_71 = tpu.memref_squeeze %dma_wait3A_70 : memref<1x128x128xf32, #tpu.memory_space<hbm>> -> memref<128x128xf32, #tpu.memory_space<hbm>>
      %dma_wait3A_72 = arith.constant 0 : i32
      %dma_wait3A_73 = tpu.memref_slice %arg6[%arg0, %add3A_52, %dma_wait3A_72] : memref<2x10240x128xf32, #tpu.memory_space<hbm>> -> memref<1x128x128xf32, #tpu.memory_space<hbm>>
      %dma_wait3A_74 = tpu.memref_squeeze %dma_wait3A_73 : memref<1x128x128xf32, #tpu.memory_space<hbm>> -> memref<128x128xf32, #tpu.memory_space<hbm>>
      tpu.wait_dma2 semaphore(%run_scoped3A : memref<!tpu.dma_semaphore, #tpu.memory_space<semaphore_mem>>) src(%arg9 : memref<128x128xf32, #tpu.memory_space<vmem>>) dst(%dma_wait3A_74 : memref<128x128xf32, #tpu.memory_space<hbm>>)
      tpu.yield
    }) : () -> ()
    %add3A_53 = arith.constant 256 : i32
    %add3A_54 = arith.addi %mul3A_0, %add3A_53 : i32
    "tpu.region"() ({
      %run_scoped3A = tpu.sem_alloc : memref<!tpu.dma_semaphore, #tpu.memory_space<semaphore_mem>>
      %dma_start3A = arith.constant 0 : i32
      %dma_start3A_65 = tpu.memref_slice %arg10[%add3A_54, %dma_start3A] : memref<10240x128xf32, #tpu.memory_space<vmem_shared>> -> memref<128x128xf32, #tpu.memory_space<vmem_shared>>
      %dma_start3A_66 = arith.constant 0 : i32
      %dma_start3A_67 = tpu.memref_slice %arg10[%add3A_54, %dma_start3A_66] : memref<10240x128xf32, #tpu.memory_space<vmem_shared>> -> memref<128x128xf32, #tpu.memory_space<vmem_shared>>
      tpu.enqueue_dma source(%dma_start3A_67 : memref<128x128xf32, #tpu.memory_space<vmem_shared>>) target(%arg9 : memref<128x128xf32, #tpu.memory_space<vmem>>) target_semaphore(%run_scoped3A : memref<!tpu.dma_semaphore, #tpu.memory_space<semaphore_mem>>)
      %dma_wait3A = arith.constant 0 : i32
      %dma_wait3A_68 = tpu.memref_slice %arg10[%add3A_54, %dma_wait3A] : memref<10240x128xf32, #tpu.memory_space<vmem_shared>> -> memref<128x128xf32, #tpu.memory_space<vmem_shared>>
      %dma_wait3A_69 = arith.constant 0 : i32
      %dma_wait3A_70 = tpu.memref_slice %arg10[%add3A_54, %dma_wait3A_69] : memref<10240x128xf32, #tpu.memory_space<vmem_shared>> -> memref<128x128xf32, #tpu.memory_space<vmem_shared>>
      tpu.wait_dma2 semaphore(%run_scoped3A : memref<!tpu.dma_semaphore, #tpu.memory_space<semaphore_mem>>) src(%dma_wait3A_70 : memref<128x128xf32, #tpu.memory_space<vmem_shared>>) dst(%arg9 : memref<128x128xf32, #tpu.memory_space<vmem>>)
      tpu.yield
    }) : () -> ()
    %add3A_55 = arith.constant 256 : i32
    %add3A_56 = arith.addi %mul3A_0, %add3A_55 : i32
    "tpu.region"() ({
      %run_scoped3A = tpu.sem_alloc : memref<!tpu.dma_semaphore, #tpu.memory_space<semaphore_mem>>
      %dma_start3A = arith.constant 0 : i32
      %dma_start3A_65 = tpu.memref_slice %arg6[%arg0, %add3A_56, %dma_start3A] : memref<2x10240x128xf32, #tpu.memory_space<hbm>> -> memref<1x128x128xf32, #tpu.memory_space<hbm>>
      %dma_start3A_66 = tpu.memref_squeeze %dma_start3A_65 : memref<1x128x128xf32, #tpu.memory_space<hbm>> -> memref<128x128xf32, #tpu.memory_space<hbm>>
      %dma_start3A_67 = arith.constant 0 : i32
      %dma_start3A_68 = tpu.memref_slice %arg6[%arg0, %add3A_56, %dma_start3A_67] : memref<2x10240x128xf32, #tpu.memory_space<hbm>> -> memref<1x128x128xf32, #tpu.memory_space<hbm>>
      %dma_start3A_69 = tpu.memref_squeeze %dma_start3A_68 : memref<1x128x128xf32, #tpu.memory_space<hbm>> -> memref<128x128xf32, #tpu.memory_space<hbm>>
      tpu.enqueue_dma source(%arg9 : memref<128x128xf32, #tpu.memory_space<vmem>>) target(%dma_start3A_69 : memref<128x128xf32, #tpu.memory_space<hbm>>) target_semaphore(%run_scoped3A : memref<!tpu.dma_semaphore, #tpu.memory_space<semaphore_mem>>)
      %dma_wait3A = arith.constant 0 : i32
      %dma_wait3A_70 = tpu.memref_slice %arg6[%arg0, %add3A_56, %dma_wait3A] : memref<2x10240x128xf32, #tpu.memory_space<hbm>> -> memref<1x128x128xf32, #tpu.memory_space<hbm>>
      %dma_wait3A_71 = tpu.memref_squeeze %dma_wait3A_70 : memref<1x128x128xf32, #tpu.memory_space<hbm>> -> memref<128x128xf32, #tpu.memory_space<hbm>>
      %dma_wait3A_72 = arith.constant 0 : i32
      %dma_wait3A_73 = tpu.memref_slice %arg6[%arg0, %add3A_56, %dma_wait3A_72] : memref<2x10240x128xf32, #tpu.memory_space<hbm>> -> memref<1x128x128xf32, #tpu.memory_space<hbm>>
      %dma_wait3A_74 = tpu.memref_squeeze %dma_wait3A_73 : memref<1x128x128xf32, #tpu.memory_space<hbm>> -> memref<128x128xf32, #tpu.memory_space<hbm>>
      tpu.wait_dma2 semaphore(%run_scoped3A : memref<!tpu.dma_semaphore, #tpu.memory_space<semaphore_mem>>) src(%arg9 : memref<128x128xf32, #tpu.memory_space<vmem>>) dst(%dma_wait3A_74 : memref<128x128xf32, #tpu.memory_space<hbm>>)
      tpu.yield
    }) : () -> ()
    %add3A_57 = arith.constant 384 : i32
    %add3A_58 = arith.addi %mul3A_0, %add3A_57 : i32
    "tpu.region"() ({
      %run_scoped3A = tpu.sem_alloc : memref<!tpu.dma_semaphore, #tpu.memory_space<semaphore_mem>>
      %dma_start3A = arith.constant 0 : i32
      %dma_start3A_65 = tpu.memref_slice %arg10[%add3A_58, %dma_start3A] : memref<10240x128xf32, #tpu.memory_space<vmem_shared>> -> memref<128x128xf32, #tpu.memory_space<vmem_shared>>
      %dma_start3A_66 = arith.constant 0 : i32
      %dma_start3A_67 = tpu.memref_slice %arg10[%add3A_58, %dma_start3A_66] : memref<10240x128xf32, #tpu.memory_space<vmem_shared>> -> memref<128x128xf32, #tpu.memory_space<vmem_shared>>
      tpu.enqueue_dma source(%dma_start3A_67 : memref<128x128xf32, #tpu.memory_space<vmem_shared>>) target(%arg9 : memref<128x128xf32, #tpu.memory_space<vmem>>) target_semaphore(%run_scoped3A : memref<!tpu.dma_semaphore, #tpu.memory_space<semaphore_mem>>)
      %dma_wait3A = arith.constant 0 : i32
      %dma_wait3A_68 = tpu.memref_slice %arg10[%add3A_58, %dma_wait3A] : memref<10240x128xf32, #tpu.memory_space<vmem_shared>> -> memref<128x128xf32, #tpu.memory_space<vmem_shared>>
      %dma_wait3A_69 = arith.constant 0 : i32
      %dma_wait3A_70 = tpu.memref_slice %arg10[%add3A_58, %dma_wait3A_69] : memref<10240x128xf32, #tpu.memory_space<vmem_shared>> -> memref<128x128xf32, #tpu.memory_space<vmem_shared>>
      tpu.wait_dma2 semaphore(%run_scoped3A : memref<!tpu.dma_semaphore, #tpu.memory_space<semaphore_mem>>) src(%dma_wait3A_70 : memref<128x128xf32, #tpu.memory_space<vmem_shared>>) dst(%arg9 : memref<128x128xf32, #tpu.memory_space<vmem>>)
      tpu.yield
    }) : () -> ()
    %add3A_59 = arith.constant 384 : i32
    %add3A_60 = arith.addi %mul3A_0, %add3A_59 : i32
    "tpu.region"() ({
      %run_scoped3A = tpu.sem_alloc : memref<!tpu.dma_semaphore, #tpu.memory_space<semaphore_mem>>
      %dma_start3A = arith.constant 0 : i32
      %dma_start3A_65 = tpu.memref_slice %arg6[%arg0, %add3A_60, %dma_start3A] : memref<2x10240x128xf32, #tpu.memory_space<hbm>> -> memref<1x128x128xf32, #tpu.memory_space<hbm>>
      %dma_start3A_66 = tpu.memref_squeeze %dma_start3A_65 : memref<1x128x128xf32, #tpu.memory_space<hbm>> -> memref<128x128xf32, #tpu.memory_space<hbm>>
      %dma_start3A_67 = arith.constant 0 : i32
      %dma_start3A_68 = tpu.memref_slice %arg6[%arg0, %add3A_60, %dma_start3A_67] : memref<2x10240x128xf32, #tpu.memory_space<hbm>> -> memref<1x128x128xf32, #tpu.memory_space<hbm>>
      %dma_start3A_69 = tpu.memref_squeeze %dma_start3A_68 : memref<1x128x128xf32, #tpu.memory_space<hbm>> -> memref<128x128xf32, #tpu.memory_space<hbm>>
      tpu.enqueue_dma source(%arg9 : memref<128x128xf32, #tpu.memory_space<vmem>>) target(%dma_start3A_69 : memref<128x128xf32, #tpu.memory_space<hbm>>) target_semaphore(%run_scoped3A : memref<!tpu.dma_semaphore, #tpu.memory_space<semaphore_mem>>)
      %dma_wait3A = arith.constant 0 : i32
      %dma_wait3A_70 = tpu.memref_slice %arg6[%arg0, %add3A_60, %dma_wait3A] : memref<2x10240x128xf32, #tpu.memory_space<hbm>> -> memref<1x128x128xf32, #tpu.memory_space<hbm>>
      %dma_wait3A_71 = tpu.memref_squeeze %dma_wait3A_70 : memref<1x128x128xf32, #tpu.memory_space<hbm>> -> memref<128x128xf32, #tpu.memory_space<hbm>>
      %dma_wait3A_72 = arith.constant 0 : i32
      %dma_wait3A_73 = tpu.memref_slice %arg6[%arg0, %add3A_60, %dma_wait3A_72] : memref<2x10240x128xf32, #tpu.memory_space<hbm>> -> memref<1x128x128xf32, #tpu.memory_space<hbm>>
      %dma_wait3A_74 = tpu.memref_squeeze %dma_wait3A_73 : memref<1x128x128xf32, #tpu.memory_space<hbm>> -> memref<128x128xf32, #tpu.memory_space<hbm>>
      tpu.wait_dma2 semaphore(%run_scoped3A : memref<!tpu.dma_semaphore, #tpu.memory_space<semaphore_mem>>) src(%arg9 : memref<128x128xf32, #tpu.memory_space<vmem>>) dst(%dma_wait3A_74 : memref<128x128xf32, #tpu.memory_space<hbm>>)
      tpu.yield
    }) : () -> ()
    %add3A_61 = arith.constant 512 : i32
    %add3A_62 = arith.addi %mul3A_0, %add3A_61 : i32
    "tpu.region"() ({
      %run_scoped3A = tpu.sem_alloc : memref<!tpu.dma_semaphore, #tpu.memory_space<semaphore_mem>>
      %dma_start3A = arith.constant 0 : i32
      %dma_start3A_65 = tpu.memref_slice %arg10[%add3A_62, %dma_start3A] : memref<10240x128xf32, #tpu.memory_space<vmem_shared>> -> memref<128x128xf32, #tpu.memory_space<vmem_shared>>
      %dma_start3A_66 = arith.constant 0 : i32
      %dma_start3A_67 = tpu.memref_slice %arg10[%add3A_62, %dma_start3A_66] : memref<10240x128xf32, #tpu.memory_space<vmem_shared>> -> memref<128x128xf32, #tpu.memory_space<vmem_shared>>
      tpu.enqueue_dma source(%dma_start3A_67 : memref<128x128xf32, #tpu.memory_space<vmem_shared>>) target(%arg9 : memref<128x128xf32, #tpu.memory_space<vmem>>) target_semaphore(%run_scoped3A : memref<!tpu.dma_semaphore, #tpu.memory_space<semaphore_mem>>)
      %dma_wait3A = arith.constant 0 : i32
      %dma_wait3A_68 = tpu.memref_slice %arg10[%add3A_62, %dma_wait3A] : memref<10240x128xf32, #tpu.memory_space<vmem_shared>> -> memref<128x128xf32, #tpu.memory_space<vmem_shared>>
      %dma_wait3A_69 = arith.constant 0 : i32
      %dma_wait3A_70 = tpu.memref_slice %arg10[%add3A_62, %dma_wait3A_69] : memref<10240x128xf32, #tpu.memory_space<vmem_shared>> -> memref<128x128xf32, #tpu.memory_space<vmem_shared>>
      tpu.wait_dma2 semaphore(%run_scoped3A : memref<!tpu.dma_semaphore, #tpu.memory_space<semaphore_mem>>) src(%dma_wait3A_70 : memref<128x128xf32, #tpu.memory_space<vmem_shared>>) dst(%arg9 : memref<128x128xf32, #tpu.memory_space<vmem>>)
      tpu.yield
    }) : () -> ()
    %add3A_63 = arith.constant 512 : i32
    %add3A_64 = arith.addi %mul3A_0, %add3A_63 : i32
    "tpu.region"() ({
      %run_scoped3A = tpu.sem_alloc : memref<!tpu.dma_semaphore, #tpu.memory_space<semaphore_mem>>
      %dma_start3A = arith.constant 0 : i32
      %dma_start3A_65 = tpu.memref_slice %arg6[%arg0, %add3A_64, %dma_start3A] : memref<2x10240x128xf32, #tpu.memory_space<hbm>> -> memref<1x128x128xf32, #tpu.memory_space<hbm>>
      %dma_start3A_66 = tpu.memref_squeeze %dma_start3A_65 : memref<1x128x128xf32, #tpu.memory_space<hbm>> -> memref<128x128xf32, #tpu.memory_space<hbm>>
      %dma_start3A_67 = arith.constant 0 : i32
      %dma_start3A_68 = tpu.memref_slice %arg6[%arg0, %add3A_64, %dma_start3A_67] : memref<2x10240x128xf32, #tpu.memory_space<hbm>> -> memref<1x128x128xf32, #tpu.memory_space<hbm>>
      %dma_start3A_69 = tpu.memref_squeeze %dma_start3A_68 : memref<1x128x128xf32, #tpu.memory_space<hbm>> -> memref<128x128xf32, #tpu.memory_space<hbm>>
      tpu.enqueue_dma source(%arg9 : memref<128x128xf32, #tpu.memory_space<vmem>>) target(%dma_start3A_69 : memref<128x128xf32, #tpu.memory_space<hbm>>) target_semaphore(%run_scoped3A : memref<!tpu.dma_semaphore, #tpu.memory_space<semaphore_mem>>)
      %dma_wait3A = arith.constant 0 : i32
      %dma_wait3A_70 = tpu.memref_slice %arg6[%arg0, %add3A_64, %dma_wait3A] : memref<2x10240x128xf32, #tpu.memory_space<hbm>> -> memref<1x128x128xf32, #tpu.memory_space<hbm>>
      %dma_wait3A_71 = tpu.memref_squeeze %dma_wait3A_70 : memref<1x128x128xf32, #tpu.memory_space<hbm>> -> memref<128x128xf32, #tpu.memory_space<hbm>>
      %dma_wait3A_72 = arith.constant 0 : i32
      %dma_wait3A_73 = tpu.memref_slice %arg6[%arg0, %add3A_64, %dma_wait3A_72] : memref<2x10240x128xf32, #tpu.memory_space<hbm>> -> memref<1x128x128xf32, #tpu.memory_space<hbm>>
      %dma_wait3A_74 = tpu.memref_squeeze %dma_wait3A_73 : memref<1x128x128xf32, #tpu.memory_space<hbm>> -> memref<128x128xf32, #tpu.memory_space<hbm>>
      tpu.wait_dma2 semaphore(%run_scoped3A : memref<!tpu.dma_semaphore, #tpu.memory_space<semaphore_mem>>) src(%arg9 : memref<128x128xf32, #tpu.memory_space<vmem>>) dst(%dma_wait3A_74 : memref<128x128xf32, #tpu.memory_space<hbm>>)
      tpu.yield
    }) : () -> ()
    return
  }
}

#map = affine_map<(d0, d1) -> (0, 0)>
#map1 = affine_map<(d0, d1) -> (0, 0, 0)>
module attributes {stable_mosaic.version = 14 : i64} {
  func.func @_sc_agg(%arg0: i32, %arg1: i32, %arg2: memref<10000x128xf32, #tpu.memory_space<hbm>>, %arg3: memref<1250x128xi32, #tpu.memory_space<hbm>>, %arg4: memref<1250x128xi32, #tpu.memory_space<hbm>>, %arg5: memref<128x128xf32, #tpu.memory_space<hbm>>, %arg6: memref<2x10240x128xf32, #tpu.memory_space<hbm>>, %arg7: memref<128xi32, #tpu.memory_space<vmem>>, %arg8: memref<128xi32, #tpu.memory_space<vmem>>, %arg9: memref<128x128xf32, #tpu.memory_space<vmem>>, %arg10: memref<10240x128xf32, #tpu.memory_space<vmem_shared>>, %arg11: memref<!tpu.dma_semaphore, #tpu.memory_space<semaphore_mem>>) attributes {dimension_semantics = [#tpu.dimension_semantics<core_parallel>, #tpu.dimension_semantics<subcore_parallel>], iteration_bounds = array<i64: 2, 16>, scalar_prefetch = 0 : i64, scratch_operands = 5 : i64, tpu.core_type = #tpu.core_type<sc_vector_subcore>, window_params = [{transform_indices = #map}, {transform_indices = #map}, {transform_indices = #map}, {transform_indices = #map}, {transform_indices = #map1}]} {
    %mul3A = arith.constant 640 : i32
    %mul3A_0 = arith.muli %arg1, %mul3A : i32
    "tpu.region"() ({
      %run_scoped3A = tpu.sem_alloc : memref<!tpu.dma_semaphore, #tpu.memory_space<semaphore_mem>>
      tpu.enqueue_dma source(%arg5 : memref<128x128xf32, #tpu.memory_space<hbm>>) target(%arg9 : memref<128x128xf32, #tpu.memory_space<vmem>>) target_semaphore(%run_scoped3A : memref<!tpu.dma_semaphore, #tpu.memory_space<semaphore_mem>>)
      tpu.wait_dma2 semaphore(%run_scoped3A : memref<!tpu.dma_semaphore, #tpu.memory_space<semaphore_mem>>) src(%arg5 : memref<128x128xf32, #tpu.memory_space<hbm>>) dst(%arg9 : memref<128x128xf32, #tpu.memory_space<vmem>>)
      tpu.yield
    }) : () -> ()
    %add3A = arith.constant 0 : i32
    %add3A_1 = arith.addi %mul3A_0, %add3A : i32
    "tpu.region"() ({
      %run_scoped3A = tpu.sem_alloc : memref<!tpu.dma_semaphore, #tpu.memory_space<semaphore_mem>>
      %dma_start3A = arith.constant 0 : i32
      %dma_start3A_65 = tpu.memref_slice %arg10[%add3A_1, %dma_start3A] : memref<10240x128xf32, #tpu.memory_space<vmem_shared>> -> memref<128x128xf32, #tpu.memory_space<vmem_shared>>
      %dma_start3A_66 = arith.constant 0 : i32
      %dma_start3A_67 = tpu.memref_slice %arg10[%add3A_1, %dma_start3A_66] : memref<10240x128xf32, #tpu.memory_space<vmem_shared>> -> memref<128x128xf32, #tpu.memory_space<vmem_shared>>
      tpu.enqueue_dma source(%arg9 : memref<128x128xf32, #tpu.memory_space<vmem>>) target(%dma_start3A_67 : memref<128x128xf32, #tpu.memory_space<vmem_shared>>) target_semaphore(%run_scoped3A : memref<!tpu.dma_semaphore, #tpu.memory_space<semaphore_mem>>)
      %dma_wait3A = arith.constant 0 : i32
      %dma_wait3A_68 = tpu.memref_slice %arg10[%add3A_1, %dma_wait3A] : memref<10240x128xf32, #tpu.memory_space<vmem_shared>> -> memref<128x128xf32, #tpu.memory_space<vmem_shared>>
      %dma_wait3A_69 = arith.constant 0 : i32
      %dma_wait3A_70 = tpu.memref_slice %arg10[%add3A_1, %dma_wait3A_69] : memref<10240x128xf32, #tpu.memory_space<vmem_shared>> -> memref<128x128xf32, #tpu.memory_space<vmem_shared>>
      tpu.wait_dma2 semaphore(%run_scoped3A : memref<!tpu.dma_semaphore, #tpu.memory_space<semaphore_mem>>) src(%arg9 : memref<128x128xf32, #tpu.memory_space<vmem>>) dst(%dma_wait3A_70 : memref<128x128xf32, #tpu.memory_space<vmem_shared>>)
      tpu.yield
    }) : () -> ()
    %add3A_2 = arith.constant 128 : i32
    %add3A_3 = arith.addi %mul3A_0, %add3A_2 : i32
    "tpu.region"() ({
      %run_scoped3A = tpu.sem_alloc : memref<!tpu.dma_semaphore, #tpu.memory_space<semaphore_mem>>
      %dma_start3A = arith.constant 0 : i32
      %dma_start3A_65 = tpu.memref_slice %arg10[%add3A_3, %dma_start3A] : memref<10240x128xf32, #tpu.memory_space<vmem_shared>> -> memref<128x128xf32, #tpu.memory_space<vmem_shared>>
      %dma_start3A_66 = arith.constant 0 : i32
      %dma_start3A_67 = tpu.memref_slice %arg10[%add3A_3, %dma_start3A_66] : memref<10240x128xf32, #tpu.memory_space<vmem_shared>> -> memref<128x128xf32, #tpu.memory_space<vmem_shared>>
      tpu.enqueue_dma source(%arg9 : memref<128x128xf32, #tpu.memory_space<vmem>>) target(%dma_start3A_67 : memref<128x128xf32, #tpu.memory_space<vmem_shared>>) target_semaphore(%run_scoped3A : memref<!tpu.dma_semaphore, #tpu.memory_space<semaphore_mem>>)
      %dma_wait3A = arith.constant 0 : i32
      %dma_wait3A_68 = tpu.memref_slice %arg10[%add3A_3, %dma_wait3A] : memref<10240x128xf32, #tpu.memory_space<vmem_shared>> -> memref<128x128xf32, #tpu.memory_space<vmem_shared>>
      %dma_wait3A_69 = arith.constant 0 : i32
      %dma_wait3A_70 = tpu.memref_slice %arg10[%add3A_3, %dma_wait3A_69] : memref<10240x128xf32, #tpu.memory_space<vmem_shared>> -> memref<128x128xf32, #tpu.memory_space<vmem_shared>>
      tpu.wait_dma2 semaphore(%run_scoped3A : memref<!tpu.dma_semaphore, #tpu.memory_space<semaphore_mem>>) src(%arg9 : memref<128x128xf32, #tpu.memory_space<vmem>>) dst(%dma_wait3A_70 : memref<128x128xf32, #tpu.memory_space<vmem_shared>>)
      tpu.yield
    }) : () -> ()
    %add3A_4 = arith.constant 256 : i32
    %add3A_5 = arith.addi %mul3A_0, %add3A_4 : i32
    "tpu.region"() ({
      %run_scoped3A = tpu.sem_alloc : memref<!tpu.dma_semaphore, #tpu.memory_space<semaphore_mem>>
      %dma_start3A = arith.constant 0 : i32
      %dma_start3A_65 = tpu.memref_slice %arg10[%add3A_5, %dma_start3A] : memref<10240x128xf32, #tpu.memory_space<vmem_shared>> -> memref<128x128xf32, #tpu.memory_space<vmem_shared>>
      %dma_start3A_66 = arith.constant 0 : i32
      %dma_start3A_67 = tpu.memref_slice %arg10[%add3A_5, %dma_start3A_66] : memref<10240x128xf32, #tpu.memory_space<vmem_shared>> -> memref<128x128xf32, #tpu.memory_space<vmem_shared>>
      tpu.enqueue_dma source(%arg9 : memref<128x128xf32, #tpu.memory_space<vmem>>) target(%dma_start3A_67 : memref<128x128xf32, #tpu.memory_space<vmem_shared>>) target_semaphore(%run_scoped3A : memref<!tpu.dma_semaphore, #tpu.memory_space<semaphore_mem>>)
      %dma_wait3A = arith.constant 0 : i32
      %dma_wait3A_68 = tpu.memref_slice %arg10[%add3A_5, %dma_wait3A] : memref<10240x128xf32, #tpu.memory_space<vmem_shared>> -> memref<128x128xf32, #tpu.memory_space<vmem_shared>>
      %dma_wait3A_69 = arith.constant 0 : i32
      %dma_wait3A_70 = tpu.memref_slice %arg10[%add3A_5, %dma_wait3A_69] : memref<10240x128xf32, #tpu.memory_space<vmem_shared>> -> memref<128x128xf32, #tpu.memory_space<vmem_shared>>
      tpu.wait_dma2 semaphore(%run_scoped3A : memref<!tpu.dma_semaphore, #tpu.memory_space<semaphore_mem>>) src(%arg9 : memref<128x128xf32, #tpu.memory_space<vmem>>) dst(%dma_wait3A_70 : memref<128x128xf32, #tpu.memory_space<vmem_shared>>)
      tpu.yield
    }) : () -> ()
    %add3A_6 = arith.constant 384 : i32
    %add3A_7 = arith.addi %mul3A_0, %add3A_6 : i32
    "tpu.region"() ({
      %run_scoped3A = tpu.sem_alloc : memref<!tpu.dma_semaphore, #tpu.memory_space<semaphore_mem>>
      %dma_start3A = arith.constant 0 : i32
      %dma_start3A_65 = tpu.memref_slice %arg10[%add3A_7, %dma_start3A] : memref<10240x128xf32, #tpu.memory_space<vmem_shared>> -> memref<128x128xf32, #tpu.memory_space<vmem_shared>>
      %dma_start3A_66 = arith.constant 0 : i32
      %dma_start3A_67 = tpu.memref_slice %arg10[%add3A_7, %dma_start3A_66] : memref<10240x128xf32, #tpu.memory_space<vmem_shared>> -> memref<128x128xf32, #tpu.memory_space<vmem_shared>>
      tpu.enqueue_dma source(%arg9 : memref<128x128xf32, #tpu.memory_space<vmem>>) target(%dma_start3A_67 : memref<128x128xf32, #tpu.memory_space<vmem_shared>>) target_semaphore(%run_scoped3A : memref<!tpu.dma_semaphore, #tpu.memory_space<semaphore_mem>>)
      %dma_wait3A = arith.constant 0 : i32
      %dma_wait3A_68 = tpu.memref_slice %arg10[%add3A_7, %dma_wait3A] : memref<10240x128xf32, #tpu.memory_space<vmem_shared>> -> memref<128x128xf32, #tpu.memory_space<vmem_shared>>
      %dma_wait3A_69 = arith.constant 0 : i32
      %dma_wait3A_70 = tpu.memref_slice %arg10[%add3A_7, %dma_wait3A_69] : memref<10240x128xf32, #tpu.memory_space<vmem_shared>> -> memref<128x128xf32, #tpu.memory_space<vmem_shared>>
      tpu.wait_dma2 semaphore(%run_scoped3A : memref<!tpu.dma_semaphore, #tpu.memory_space<semaphore_mem>>) src(%arg9 : memref<128x128xf32, #tpu.memory_space<vmem>>) dst(%dma_wait3A_70 : memref<128x128xf32, #tpu.memory_space<vmem_shared>>)
      tpu.yield
    }) : () -> ()
    %add3A_8 = arith.constant 512 : i32
    %add3A_9 = arith.addi %mul3A_0, %add3A_8 : i32
    "tpu.region"() ({
      %run_scoped3A = tpu.sem_alloc : memref<!tpu.dma_semaphore, #tpu.memory_space<semaphore_mem>>
      %dma_start3A = arith.constant 0 : i32
      %dma_start3A_65 = tpu.memref_slice %arg10[%add3A_9, %dma_start3A] : memref<10240x128xf32, #tpu.memory_space<vmem_shared>> -> memref<128x128xf32, #tpu.memory_space<vmem_shared>>
      %dma_start3A_66 = arith.constant 0 : i32
      %dma_start3A_67 = tpu.memref_slice %arg10[%add3A_9, %dma_start3A_66] : memref<10240x128xf32, #tpu.memory_space<vmem_shared>> -> memref<128x128xf32, #tpu.memory_space<vmem_shared>>
      tpu.enqueue_dma source(%arg9 : memref<128x128xf32, #tpu.memory_space<vmem>>) target(%dma_start3A_67 : memref<128x128xf32, #tpu.memory_space<vmem_shared>>) target_semaphore(%run_scoped3A : memref<!tpu.dma_semaphore, #tpu.memory_space<semaphore_mem>>)
      %dma_wait3A = arith.constant 0 : i32
      %dma_wait3A_68 = tpu.memref_slice %arg10[%add3A_9, %dma_wait3A] : memref<10240x128xf32, #tpu.memory_space<vmem_shared>> -> memref<128x128xf32, #tpu.memory_space<vmem_shared>>
      %dma_wait3A_69 = arith.constant 0 : i32
      %dma_wait3A_70 = tpu.memref_slice %arg10[%add3A_9, %dma_wait3A_69] : memref<10240x128xf32, #tpu.memory_space<vmem_shared>> -> memref<128x128xf32, #tpu.memory_space<vmem_shared>>
      tpu.wait_dma2 semaphore(%run_scoped3A : memref<!tpu.dma_semaphore, #tpu.memory_space<semaphore_mem>>) src(%arg9 : memref<128x128xf32, #tpu.memory_space<vmem>>) dst(%dma_wait3A_70 : memref<128x128xf32, #tpu.memory_space<vmem_shared>>)
      tpu.yield
    }) : () -> ()
    %barrier3A = arith.constant 0 : index
    tpu.barrier barrier_id(%barrier3A)
    %mul3A_10 = arith.constant 2 : i32
    %mul3A_11 = arith.muli %arg1, %mul3A_10 : i32
    %add3A_12 = arith.addi %mul3A_11, %arg0 : i32
    %sub3A = arith.constant 1250 : i32
    %sub3A_13 = arith.subi %sub3A, %add3A_12 : i32
    %add3A_14 = arith.constant 32 : i32
    %add3A_15 = arith.addi %sub3A_13, %add3A_14 : i32
    %sub3A_16 = arith.constant 1 : i32
    %sub3A_17 = arith.subi %add3A_15, %sub3A_16 : i32
    %jit3A = arith.constant 32 : i32
    %div3A = arith.divsi %sub3A_17, %jit3A : i32
    %sign3A = arith.constant 0 : i32
    %sign3A_18 = arith.cmpi sgt, %sub3A_17, %sign3A : i32
    %sign3A_19 = arith.extui %sign3A_18 : i1 to i32
    %sign3A_20 = arith.constant 0 : i32
    %sign3A_21 = arith.cmpi slt, %sub3A_17, %sign3A_20 : i32
    %sign3A_22 = arith.extui %sign3A_21 : i1 to i32
    %sign3A_23 = arith.subi %sign3A_19, %sign3A_22 : i32
    %sign3A_24 = arith.constant 0 : i32
    %sign3A_25 = arith.cmpi sgt, %jit3A, %sign3A_24 : i32
    %sign3A_26 = arith.extui %sign3A_25 : i1 to i32
    %sign3A_27 = arith.constant 0 : i32
    %sign3A_28 = arith.cmpi slt, %jit3A, %sign3A_27 : i32
    %sign3A_29 = arith.extui %sign3A_28 : i1 to i32
    %sign3A_30 = arith.subi %sign3A_26, %sign3A_29 : i32
    %ne3A = arith.cmpi ne, %sign3A_23, %sign3A_30 : i32
    %rem3A = arith.remsi %sub3A_17, %jit3A : i32
    %ne3A_31 = arith.constant 0 : i32
    %ne3A_32 = arith.cmpi ne, %rem3A, %ne3A_31 : i32
    %and3A = arith.andi %ne3A, %ne3A_32 : i1
    %sub3A_33 = arith.constant 1 : i32
    %sub3A_34 = arith.subi %div3A, %sub3A_33 : i32
    %select_n3A = arith.select %and3A, %sub3A_34, %div3A : i32
    %while3A = arith.constant 0 : i32
    %while3A_35 = arith.constant 0 : i32
    %while3A_36 = arith.subi %select_n3A, %while3A_35 : i32
    %while3A_37 = arith.addi %while3A_35, %while3A_36 : i32
    %while3A_38 = arith.constant 1 : i32
    %while3A_39 = arith.divsi %while3A_36, %while3A_38 : i32
    %while3A_40 = arith.muli %while3A_39, %while3A_38 : i32
    %while3A_41 = arith.addi %while3A_35, %while3A_40 : i32
    %while3A_42 = arith.constant 1 : i32
    scf.for %while3A_65 = %while3A_35 to %while3A_41 step %while3A_42  : i32 {
      %mul3A_66 = arith.constant 32 : i32
      %mul3A_67 = arith.muli %while3A_65, %mul3A_66 : i32
      %add3A_68 = arith.addi %mul3A_67, %add3A_12 : i32
      "tpu.region"() ({
        %run_scoped3A = tpu.sem_alloc : memref<!tpu.dma_semaphore, #tpu.memory_space<semaphore_mem>>
        %dma_start3A_73 = arith.constant 0 : i32
        %dma_start3A_74 = tpu.memref_slice %arg3[%add3A_68, %dma_start3A_73] : memref<1250x128xi32, #tpu.memory_space<hbm>> -> memref<1x128xi32, #tpu.memory_space<hbm>>
        %dma_start3A_75 = tpu.memref_squeeze %dma_start3A_74 : memref<1x128xi32, #tpu.memory_space<hbm>> -> memref<128xi32, #tpu.memory_space<hbm>>
        %dma_start3A_76 = arith.constant 0 : i32
        %dma_start3A_77 = tpu.memref_slice %arg3[%add3A_68, %dma_start3A_76] : memref<1250x128xi32, #tpu.memory_space<hbm>> -> memref<1x128xi32, #tpu.memory_space<hbm>>
        %dma_start3A_78 = tpu.memref_squeeze %dma_start3A_77 : memref<1x128xi32, #tpu.memory_space<hbm>> -> memref<128xi32, #tpu.memory_space<hbm>>
        tpu.enqueue_dma source(%dma_start3A_78 : memref<128xi32, #tpu.memory_space<hbm>>) target(%arg7 : memref<128xi32, #tpu.memory_space<vmem>>) target_semaphore(%run_scoped3A : memref<!tpu.dma_semaphore, #tpu.memory_space<semaphore_mem>>)
        %dma_wait3A_79 = arith.constant 0 : i32
        %dma_wait3A_80 = tpu.memref_slice %arg3[%add3A_68, %dma_wait3A_79] : memref<1250x128xi32, #tpu.memory_space<hbm>> -> memref<1x128xi32, #tpu.memory_space<hbm>>
        %dma_wait3A_81 = tpu.memref_squeeze %dma_wait3A_80 : memref<1x128xi32, #tpu.memory_space<hbm>> -> memref<128xi32, #tpu.memory_space<hbm>>
        %dma_wait3A_82 = arith.constant 0 : i32
        %dma_wait3A_83 = tpu.memref_slice %arg3[%add3A_68, %dma_wait3A_82] : memref<1250x128xi32, #tpu.memory_space<hbm>> -> memref<1x128xi32, #tpu.memory_space<hbm>>
        %dma_wait3A_84 = tpu.memref_squeeze %dma_wait3A_83 : memref<1x128xi32, #tpu.memory_space<hbm>> -> memref<128xi32, #tpu.memory_space<hbm>>
        tpu.wait_dma2 semaphore(%run_scoped3A : memref<!tpu.dma_semaphore, #tpu.memory_space<semaphore_mem>>) src(%dma_wait3A_84 : memref<128xi32, #tpu.memory_space<hbm>>) dst(%arg7 : memref<128xi32, #tpu.memory_space<vmem>>)
        tpu.yield
      }) : () -> ()
      "tpu.region"() ({
        %run_scoped3A = tpu.sem_alloc : memref<!tpu.dma_semaphore, #tpu.memory_space<semaphore_mem>>
        %dma_start3A_73 = arith.constant 0 : i32
        %dma_start3A_74 = tpu.memref_slice %arg4[%add3A_68, %dma_start3A_73] : memref<1250x128xi32, #tpu.memory_space<hbm>> -> memref<1x128xi32, #tpu.memory_space<hbm>>
        %dma_start3A_75 = tpu.memref_squeeze %dma_start3A_74 : memref<1x128xi32, #tpu.memory_space<hbm>> -> memref<128xi32, #tpu.memory_space<hbm>>
        %dma_start3A_76 = arith.constant 0 : i32
        %dma_start3A_77 = tpu.memref_slice %arg4[%add3A_68, %dma_start3A_76] : memref<1250x128xi32, #tpu.memory_space<hbm>> -> memref<1x128xi32, #tpu.memory_space<hbm>>
        %dma_start3A_78 = tpu.memref_squeeze %dma_start3A_77 : memref<1x128xi32, #tpu.memory_space<hbm>> -> memref<128xi32, #tpu.memory_space<hbm>>
        tpu.enqueue_dma source(%dma_start3A_78 : memref<128xi32, #tpu.memory_space<hbm>>) target(%arg8 : memref<128xi32, #tpu.memory_space<vmem>>) target_semaphore(%run_scoped3A : memref<!tpu.dma_semaphore, #tpu.memory_space<semaphore_mem>>)
        %dma_wait3A_79 = arith.constant 0 : i32
        %dma_wait3A_80 = tpu.memref_slice %arg4[%add3A_68, %dma_wait3A_79] : memref<1250x128xi32, #tpu.memory_space<hbm>> -> memref<1x128xi32, #tpu.memory_space<hbm>>
        %dma_wait3A_81 = tpu.memref_squeeze %dma_wait3A_80 : memref<1x128xi32, #tpu.memory_space<hbm>> -> memref<128xi32, #tpu.memory_space<hbm>>
        %dma_wait3A_82 = arith.constant 0 : i32
        %dma_wait3A_83 = tpu.memref_slice %arg4[%add3A_68, %dma_wait3A_82] : memref<1250x128xi32, #tpu.memory_space<hbm>> -> memref<1x128xi32, #tpu.memory_space<hbm>>
        %dma_wait3A_84 = tpu.memref_squeeze %dma_wait3A_83 : memref<1x128xi32, #tpu.memory_space<hbm>> -> memref<128xi32, #tpu.memory_space<hbm>>
        tpu.wait_dma2 semaphore(%run_scoped3A : memref<!tpu.dma_semaphore, #tpu.memory_space<semaphore_mem>>) src(%dma_wait3A_84 : memref<128xi32, #tpu.memory_space<hbm>>) dst(%arg8 : memref<128xi32, #tpu.memory_space<vmem>>)
        tpu.yield
      }) : () -> ()
      %dma_start3A = arith.constant 0 : i32
      %dma_start3A_69 = arith.constant 0 : i32
      %dma_start3A_70 = tpu.memref_slice %arg2[%dma_start3A, %dma_start3A_69] : memref<10000x128xf32, #tpu.memory_space<hbm>> -> memref<10000x128xf32, #tpu.memory_space<hbm>>
      tpu.enqueue_indirect_dma source(%dma_start3A_70 : memref<10000x128xf32, #tpu.memory_space<hbm>>) target(%arg9 : memref<128x128xf32, #tpu.memory_space<vmem>>) offsets(%arg7 : memref<128xi32, #tpu.memory_space<vmem>>) semaphore(%arg11 : memref<!tpu.dma_semaphore, #tpu.memory_space<semaphore_mem>>)
      %dma_wait3A = arith.constant 0 : i32
      %dma_wait3A_71 = arith.constant 0 : i32
      %dma_wait3A_72 = tpu.memref_slice %arg2[%dma_wait3A, %dma_wait3A_71] : memref<10000x128xf32, #tpu.memory_space<hbm>> -> memref<10000x128xf32, #tpu.memory_space<hbm>>
      tpu.wait_indirect_dma semaphore(%arg11 : memref<!tpu.dma_semaphore, #tpu.memory_space<semaphore_mem>>) src(%dma_wait3A_72 : memref<10000x128xf32, #tpu.memory_space<hbm>>) dst(%arg9 : memref<128x128xf32, #tpu.memory_space<vmem>>)
      "tpu.region"() ({
        %run_scoped3A = tpu.sem_alloc : memref<!tpu.dma_semaphore, #tpu.memory_space<semaphore_mem>>
        %dma_start3A_73 = arith.constant 0 : i32
        %dma_start3A_74 = arith.constant 0 : i32
        %dma_start3A_75 = tpu.memref_slice %arg10[%dma_start3A_73, %dma_start3A_74] : memref<10240x128xf32, #tpu.memory_space<vmem_shared>> -> memref<10240x128xf32, #tpu.memory_space<vmem_shared>>
        tpu.enqueue_indirect_dma source(%arg9 : memref<128x128xf32, #tpu.memory_space<vmem>>) target(%dma_start3A_75 : memref<10240x128xf32, #tpu.memory_space<vmem_shared>>) offsets(%arg8 : memref<128xi32, #tpu.memory_space<vmem>>) semaphore(%run_scoped3A : memref<!tpu.dma_semaphore, #tpu.memory_space<semaphore_mem>>) {add = true}
        %dma_wait3A_76 = arith.constant 0 : i32
        %dma_wait3A_77 = arith.constant 0 : i32
        %dma_wait3A_78 = tpu.memref_slice %arg10[%dma_wait3A_76, %dma_wait3A_77] : memref<10240x128xf32, #tpu.memory_space<vmem_shared>> -> memref<10240x128xf32, #tpu.memory_space<vmem_shared>>
        tpu.wait_indirect_dma semaphore(%run_scoped3A : memref<!tpu.dma_semaphore, #tpu.memory_space<semaphore_mem>>) src(%arg9 : memref<128x128xf32, #tpu.memory_space<vmem>>) dst(%dma_wait3A_78 : memref<10240x128xf32, #tpu.memory_space<vmem_shared>>)
        tpu.yield
      }) : () -> ()
    }
    %while3A_43 = arith.constant 1 : i32
    scf.for %while3A_65 = %while3A_41 to %while3A_37 step %while3A_43  : i32 {
      %mul3A_66 = arith.constant 32 : i32
      %mul3A_67 = arith.muli %while3A_65, %mul3A_66 : i32
      %add3A_68 = arith.addi %mul3A_67, %add3A_12 : i32
      "tpu.region"() ({
        %run_scoped3A = tpu.sem_alloc : memref<!tpu.dma_semaphore, #tpu.memory_space<semaphore_mem>>
        %dma_start3A_73 = arith.constant 0 : i32
        %dma_start3A_74 = tpu.memref_slice %arg3[%add3A_68, %dma_start3A_73] : memref<1250x128xi32, #tpu.memory_space<hbm>> -> memref<1x128xi32, #tpu.memory_space<hbm>>
        %dma_start3A_75 = tpu.memref_squeeze %dma_start3A_74 : memref<1x128xi32, #tpu.memory_space<hbm>> -> memref<128xi32, #tpu.memory_space<hbm>>
        %dma_start3A_76 = arith.constant 0 : i32
        %dma_start3A_77 = tpu.memref_slice %arg3[%add3A_68, %dma_start3A_76] : memref<1250x128xi32, #tpu.memory_space<hbm>> -> memref<1x128xi32, #tpu.memory_space<hbm>>
        %dma_start3A_78 = tpu.memref_squeeze %dma_start3A_77 : memref<1x128xi32, #tpu.memory_space<hbm>> -> memref<128xi32, #tpu.memory_space<hbm>>
        tpu.enqueue_dma source(%dma_start3A_78 : memref<128xi32, #tpu.memory_space<hbm>>) target(%arg7 : memref<128xi32, #tpu.memory_space<vmem>>) target_semaphore(%run_scoped3A : memref<!tpu.dma_semaphore, #tpu.memory_space<semaphore_mem>>)
        %dma_wait3A_79 = arith.constant 0 : i32
        %dma_wait3A_80 = tpu.memref_slice %arg3[%add3A_68, %dma_wait3A_79] : memref<1250x128xi32, #tpu.memory_space<hbm>> -> memref<1x128xi32, #tpu.memory_space<hbm>>
        %dma_wait3A_81 = tpu.memref_squeeze %dma_wait3A_80 : memref<1x128xi32, #tpu.memory_space<hbm>> -> memref<128xi32, #tpu.memory_space<hbm>>
        %dma_wait3A_82 = arith.constant 0 : i32
        %dma_wait3A_83 = tpu.memref_slice %arg3[%add3A_68, %dma_wait3A_82] : memref<1250x128xi32, #tpu.memory_space<hbm>> -> memref<1x128xi32, #tpu.memory_space<hbm>>
        %dma_wait3A_84 = tpu.memref_squeeze %dma_wait3A_83 : memref<1x128xi32, #tpu.memory_space<hbm>> -> memref<128xi32, #tpu.memory_space<hbm>>
        tpu.wait_dma2 semaphore(%run_scoped3A : memref<!tpu.dma_semaphore, #tpu.memory_space<semaphore_mem>>) src(%dma_wait3A_84 : memref<128xi32, #tpu.memory_space<hbm>>) dst(%arg7 : memref<128xi32, #tpu.memory_space<vmem>>)
        tpu.yield
      }) : () -> ()
      "tpu.region"() ({
        %run_scoped3A = tpu.sem_alloc : memref<!tpu.dma_semaphore, #tpu.memory_space<semaphore_mem>>
        %dma_start3A_73 = arith.constant 0 : i32
        %dma_start3A_74 = tpu.memref_slice %arg4[%add3A_68, %dma_start3A_73] : memref<1250x128xi32, #tpu.memory_space<hbm>> -> memref<1x128xi32, #tpu.memory_space<hbm>>
        %dma_start3A_75 = tpu.memref_squeeze %dma_start3A_74 : memref<1x128xi32, #tpu.memory_space<hbm>> -> memref<128xi32, #tpu.memory_space<hbm>>
        %dma_start3A_76 = arith.constant 0 : i32
        %dma_start3A_77 = tpu.memref_slice %arg4[%add3A_68, %dma_start3A_76] : memref<1250x128xi32, #tpu.memory_space<hbm>> -> memref<1x128xi32, #tpu.memory_space<hbm>>
        %dma_start3A_78 = tpu.memref_squeeze %dma_start3A_77 : memref<1x128xi32, #tpu.memory_space<hbm>> -> memref<128xi32, #tpu.memory_space<hbm>>
        tpu.enqueue_dma source(%dma_start3A_78 : memref<128xi32, #tpu.memory_space<hbm>>) target(%arg8 : memref<128xi32, #tpu.memory_space<vmem>>) target_semaphore(%run_scoped3A : memref<!tpu.dma_semaphore, #tpu.memory_space<semaphore_mem>>)
        %dma_wait3A_79 = arith.constant 0 : i32
        %dma_wait3A_80 = tpu.memref_slice %arg4[%add3A_68, %dma_wait3A_79] : memref<1250x128xi32, #tpu.memory_space<hbm>> -> memref<1x128xi32, #tpu.memory_space<hbm>>
        %dma_wait3A_81 = tpu.memref_squeeze %dma_wait3A_80 : memref<1x128xi32, #tpu.memory_space<hbm>> -> memref<128xi32, #tpu.memory_space<hbm>>
        %dma_wait3A_82 = arith.constant 0 : i32
        %dma_wait3A_83 = tpu.memref_slice %arg4[%add3A_68, %dma_wait3A_82] : memref<1250x128xi32, #tpu.memory_space<hbm>> -> memref<1x128xi32, #tpu.memory_space<hbm>>
        %dma_wait3A_84 = tpu.memref_squeeze %dma_wait3A_83 : memref<1x128xi32, #tpu.memory_space<hbm>> -> memref<128xi32, #tpu.memory_space<hbm>>
        tpu.wait_dma2 semaphore(%run_scoped3A : memref<!tpu.dma_semaphore, #tpu.memory_space<semaphore_mem>>) src(%dma_wait3A_84 : memref<128xi32, #tpu.memory_space<hbm>>) dst(%arg8 : memref<128xi32, #tpu.memory_space<vmem>>)
        tpu.yield
      }) : () -> ()
      %dma_start3A = arith.constant 0 : i32
      %dma_start3A_69 = arith.constant 0 : i32
      %dma_start3A_70 = tpu.memref_slice %arg2[%dma_start3A, %dma_start3A_69] : memref<10000x128xf32, #tpu.memory_space<hbm>> -> memref<10000x128xf32, #tpu.memory_space<hbm>>
      tpu.enqueue_indirect_dma source(%dma_start3A_70 : memref<10000x128xf32, #tpu.memory_space<hbm>>) target(%arg9 : memref<128x128xf32, #tpu.memory_space<vmem>>) offsets(%arg7 : memref<128xi32, #tpu.memory_space<vmem>>) semaphore(%arg11 : memref<!tpu.dma_semaphore, #tpu.memory_space<semaphore_mem>>)
      %dma_wait3A = arith.constant 0 : i32
      %dma_wait3A_71 = arith.constant 0 : i32
      %dma_wait3A_72 = tpu.memref_slice %arg2[%dma_wait3A, %dma_wait3A_71] : memref<10000x128xf32, #tpu.memory_space<hbm>> -> memref<10000x128xf32, #tpu.memory_space<hbm>>
      tpu.wait_indirect_dma semaphore(%arg11 : memref<!tpu.dma_semaphore, #tpu.memory_space<semaphore_mem>>) src(%dma_wait3A_72 : memref<10000x128xf32, #tpu.memory_space<hbm>>) dst(%arg9 : memref<128x128xf32, #tpu.memory_space<vmem>>)
      "tpu.region"() ({
        %run_scoped3A = tpu.sem_alloc : memref<!tpu.dma_semaphore, #tpu.memory_space<semaphore_mem>>
        %dma_start3A_73 = arith.constant 0 : i32
        %dma_start3A_74 = arith.constant 0 : i32
        %dma_start3A_75 = tpu.memref_slice %arg10[%dma_start3A_73, %dma_start3A_74] : memref<10240x128xf32, #tpu.memory_space<vmem_shared>> -> memref<10240x128xf32, #tpu.memory_space<vmem_shared>>
        tpu.enqueue_indirect_dma source(%arg9 : memref<128x128xf32, #tpu.memory_space<vmem>>) target(%dma_start3A_75 : memref<10240x128xf32, #tpu.memory_space<vmem_shared>>) offsets(%arg8 : memref<128xi32, #tpu.memory_space<vmem>>) semaphore(%run_scoped3A : memref<!tpu.dma_semaphore, #tpu.memory_space<semaphore_mem>>) {add = true}
        %dma_wait3A_76 = arith.constant 0 : i32
        %dma_wait3A_77 = arith.constant 0 : i32
        %dma_wait3A_78 = tpu.memref_slice %arg10[%dma_wait3A_76, %dma_wait3A_77] : memref<10240x128xf32, #tpu.memory_space<vmem_shared>> -> memref<10240x128xf32, #tpu.memory_space<vmem_shared>>
        tpu.wait_indirect_dma semaphore(%run_scoped3A : memref<!tpu.dma_semaphore, #tpu.memory_space<semaphore_mem>>) src(%arg9 : memref<128x128xf32, #tpu.memory_space<vmem>>) dst(%dma_wait3A_78 : memref<10240x128xf32, #tpu.memory_space<vmem_shared>>)
        tpu.yield
      }) : () -> ()
    }
    %barrier3A_44 = arith.constant 0 : index
    tpu.barrier barrier_id(%barrier3A_44)
    %add3A_45 = arith.constant 0 : i32
    %add3A_46 = arith.addi %mul3A_0, %add3A_45 : i32
    "tpu.region"() ({
      %run_scoped3A = tpu.sem_alloc : memref<!tpu.dma_semaphore, #tpu.memory_space<semaphore_mem>>
      %dma_start3A = arith.constant 0 : i32
      %dma_start3A_65 = tpu.memref_slice %arg10[%add3A_46, %dma_start3A] : memref<10240x128xf32, #tpu.memory_space<vmem_shared>> -> memref<128x128xf32, #tpu.memory_space<vmem_shared>>
      %dma_start3A_66 = arith.constant 0 : i32
      %dma_start3A_67 = tpu.memref_slice %arg10[%add3A_46, %dma_start3A_66] : memref<10240x128xf32, #tpu.memory_space<vmem_shared>> -> memref<128x128xf32, #tpu.memory_space<vmem_shared>>
      tpu.enqueue_dma source(%dma_start3A_67 : memref<128x128xf32, #tpu.memory_space<vmem_shared>>) target(%arg9 : memref<128x128xf32, #tpu.memory_space<vmem>>) target_semaphore(%run_scoped3A : memref<!tpu.dma_semaphore, #tpu.memory_space<semaphore_mem>>)
      %dma_wait3A = arith.constant 0 : i32
      %dma_wait3A_68 = tpu.memref_slice %arg10[%add3A_46, %dma_wait3A] : memref<10240x128xf32, #tpu.memory_space<vmem_shared>> -> memref<128x128xf32, #tpu.memory_space<vmem_shared>>
      %dma_wait3A_69 = arith.constant 0 : i32
      %dma_wait3A_70 = tpu.memref_slice %arg10[%add3A_46, %dma_wait3A_69] : memref<10240x128xf32, #tpu.memory_space<vmem_shared>> -> memref<128x128xf32, #tpu.memory_space<vmem_shared>>
      tpu.wait_dma2 semaphore(%run_scoped3A : memref<!tpu.dma_semaphore, #tpu.memory_space<semaphore_mem>>) src(%dma_wait3A_70 : memref<128x128xf32, #tpu.memory_space<vmem_shared>>) dst(%arg9 : memref<128x128xf32, #tpu.memory_space<vmem>>)
      tpu.yield
    }) : () -> ()
    %add3A_47 = arith.constant 0 : i32
    %add3A_48 = arith.addi %mul3A_0, %add3A_47 : i32
    "tpu.region"() ({
      %run_scoped3A = tpu.sem_alloc : memref<!tpu.dma_semaphore, #tpu.memory_space<semaphore_mem>>
      %dma_start3A = arith.constant 0 : i32
      %dma_start3A_65 = tpu.memref_slice %arg6[%arg0, %add3A_48, %dma_start3A] : memref<2x10240x128xf32, #tpu.memory_space<hbm>> -> memref<1x128x128xf32, #tpu.memory_space<hbm>>
      %dma_start3A_66 = tpu.memref_squeeze %dma_start3A_65 : memref<1x128x128xf32, #tpu.memory_space<hbm>> -> memref<128x128xf32, #tpu.memory_space<hbm>>
      %dma_start3A_67 = arith.constant 0 : i32
      %dma_start3A_68 = tpu.memref_slice %arg6[%arg0, %add3A_48, %dma_start3A_67] : memref<2x10240x128xf32, #tpu.memory_space<hbm>> -> memref<1x128x128xf32, #tpu.memory_space<hbm>>
      %dma_start3A_69 = tpu.memref_squeeze %dma_start3A_68 : memref<1x128x128xf32, #tpu.memory_space<hbm>> -> memref<128x128xf32, #tpu.memory_space<hbm>>
      tpu.enqueue_dma source(%arg9 : memref<128x128xf32, #tpu.memory_space<vmem>>) target(%dma_start3A_69 : memref<128x128xf32, #tpu.memory_space<hbm>>) target_semaphore(%run_scoped3A : memref<!tpu.dma_semaphore, #tpu.memory_space<semaphore_mem>>)
      %dma_wait3A = arith.constant 0 : i32
      %dma_wait3A_70 = tpu.memref_slice %arg6[%arg0, %add3A_48, %dma_wait3A] : memref<2x10240x128xf32, #tpu.memory_space<hbm>> -> memref<1x128x128xf32, #tpu.memory_space<hbm>>
      %dma_wait3A_71 = tpu.memref_squeeze %dma_wait3A_70 : memref<1x128x128xf32, #tpu.memory_space<hbm>> -> memref<128x128xf32, #tpu.memory_space<hbm>>
      %dma_wait3A_72 = arith.constant 0 : i32
      %dma_wait3A_73 = tpu.memref_slice %arg6[%arg0, %add3A_48, %dma_wait3A_72] : memref<2x10240x128xf32, #tpu.memory_space<hbm>> -> memref<1x128x128xf32, #tpu.memory_space<hbm>>
      %dma_wait3A_74 = tpu.memref_squeeze %dma_wait3A_73 : memref<1x128x128xf32, #tpu.memory_space<hbm>> -> memref<128x128xf32, #tpu.memory_space<hbm>>
      tpu.wait_dma2 semaphore(%run_scoped3A : memref<!tpu.dma_semaphore, #tpu.memory_space<semaphore_mem>>) src(%arg9 : memref<128x128xf32, #tpu.memory_space<vmem>>) dst(%dma_wait3A_74 : memref<128x128xf32, #tpu.memory_space<hbm>>)
      tpu.yield
    }) : () -> ()
    %add3A_49 = arith.constant 128 : i32
    %add3A_50 = arith.addi %mul3A_0, %add3A_49 : i32
    "tpu.region"() ({
      %run_scoped3A = tpu.sem_alloc : memref<!tpu.dma_semaphore, #tpu.memory_space<semaphore_mem>>
      %dma_start3A = arith.constant 0 : i32
      %dma_start3A_65 = tpu.memref_slice %arg10[%add3A_50, %dma_start3A] : memref<10240x128xf32, #tpu.memory_space<vmem_shared>> -> memref<128x128xf32, #tpu.memory_space<vmem_shared>>
      %dma_start3A_66 = arith.constant 0 : i32
      %dma_start3A_67 = tpu.memref_slice %arg10[%add3A_50, %dma_start3A_66] : memref<10240x128xf32, #tpu.memory_space<vmem_shared>> -> memref<128x128xf32, #tpu.memory_space<vmem_shared>>
      tpu.enqueue_dma source(%dma_start3A_67 : memref<128x128xf32, #tpu.memory_space<vmem_shared>>) target(%arg9 : memref<128x128xf32, #tpu.memory_space<vmem>>) target_semaphore(%run_scoped3A : memref<!tpu.dma_semaphore, #tpu.memory_space<semaphore_mem>>)
      %dma_wait3A = arith.constant 0 : i32
      %dma_wait3A_68 = tpu.memref_slice %arg10[%add3A_50, %dma_wait3A] : memref<10240x128xf32, #tpu.memory_space<vmem_shared>> -> memref<128x128xf32, #tpu.memory_space<vmem_shared>>
      %dma_wait3A_69 = arith.constant 0 : i32
      %dma_wait3A_70 = tpu.memref_slice %arg10[%add3A_50, %dma_wait3A_69] : memref<10240x128xf32, #tpu.memory_space<vmem_shared>> -> memref<128x128xf32, #tpu.memory_space<vmem_shared>>
      tpu.wait_dma2 semaphore(%run_scoped3A : memref<!tpu.dma_semaphore, #tpu.memory_space<semaphore_mem>>) src(%dma_wait3A_70 : memref<128x128xf32, #tpu.memory_space<vmem_shared>>) dst(%arg9 : memref<128x128xf32, #tpu.memory_space<vmem>>)
      tpu.yield
    }) : () -> ()
    %add3A_51 = arith.constant 128 : i32
    %add3A_52 = arith.addi %mul3A_0, %add3A_51 : i32
    "tpu.region"() ({
      %run_scoped3A = tpu.sem_alloc : memref<!tpu.dma_semaphore, #tpu.memory_space<semaphore_mem>>
      %dma_start3A = arith.constant 0 : i32
      %dma_start3A_65 = tpu.memref_slice %arg6[%arg0, %add3A_52, %dma_start3A] : memref<2x10240x128xf32, #tpu.memory_space<hbm>> -> memref<1x128x128xf32, #tpu.memory_space<hbm>>
      %dma_start3A_66 = tpu.memref_squeeze %dma_start3A_65 : memref<1x128x128xf32, #tpu.memory_space<hbm>> -> memref<128x128xf32, #tpu.memory_space<hbm>>
      %dma_start3A_67 = arith.constant 0 : i32
      %dma_start3A_68 = tpu.memref_slice %arg6[%arg0, %add3A_52, %dma_start3A_67] : memref<2x10240x128xf32, #tpu.memory_space<hbm>> -> memref<1x128x128xf32, #tpu.memory_space<hbm>>
      %dma_start3A_69 = tpu.memref_squeeze %dma_start3A_68 : memref<1x128x128xf32, #tpu.memory_space<hbm>> -> memref<128x128xf32, #tpu.memory_space<hbm>>
      tpu.enqueue_dma source(%arg9 : memref<128x128xf32, #tpu.memory_space<vmem>>) target(%dma_start3A_69 : memref<128x128xf32, #tpu.memory_space<hbm>>) target_semaphore(%run_scoped3A : memref<!tpu.dma_semaphore, #tpu.memory_space<semaphore_mem>>)
      %dma_wait3A = arith.constant 0 : i32
      %dma_wait3A_70 = tpu.memref_slice %arg6[%arg0, %add3A_52, %dma_wait3A] : memref<2x10240x128xf32, #tpu.memory_space<hbm>> -> memref<1x128x128xf32, #tpu.memory_space<hbm>>
      %dma_wait3A_71 = tpu.memref_squeeze %dma_wait3A_70 : memref<1x128x128xf32, #tpu.memory_space<hbm>> -> memref<128x128xf32, #tpu.memory_space<hbm>>
      %dma_wait3A_72 = arith.constant 0 : i32
      %dma_wait3A_73 = tpu.memref_slice %arg6[%arg0, %add3A_52, %dma_wait3A_72] : memref<2x10240x128xf32, #tpu.memory_space<hbm>> -> memref<1x128x128xf32, #tpu.memory_space<hbm>>
      %dma_wait3A_74 = tpu.memref_squeeze %dma_wait3A_73 : memref<1x128x128xf32, #tpu.memory_space<hbm>> -> memref<128x128xf32, #tpu.memory_space<hbm>>
      tpu.wait_dma2 semaphore(%run_scoped3A : memref<!tpu.dma_semaphore, #tpu.memory_space<semaphore_mem>>) src(%arg9 : memref<128x128xf32, #tpu.memory_space<vmem>>) dst(%dma_wait3A_74 : memref<128x128xf32, #tpu.memory_space<hbm>>)
      tpu.yield
    }) : () -> ()
    %add3A_53 = arith.constant 256 : i32
    %add3A_54 = arith.addi %mul3A_0, %add3A_53 : i32
    "tpu.region"() ({
      %run_scoped3A = tpu.sem_alloc : memref<!tpu.dma_semaphore, #tpu.memory_space<semaphore_mem>>
      %dma_start3A = arith.constant 0 : i32
      %dma_start3A_65 = tpu.memref_slice %arg10[%add3A_54, %dma_start3A] : memref<10240x128xf32, #tpu.memory_space<vmem_shared>> -> memref<128x128xf32, #tpu.memory_space<vmem_shared>>
      %dma_start3A_66 = arith.constant 0 : i32
      %dma_start3A_67 = tpu.memref_slice %arg10[%add3A_54, %dma_start3A_66] : memref<10240x128xf32, #tpu.memory_space<vmem_shared>> -> memref<128x128xf32, #tpu.memory_space<vmem_shared>>
      tpu.enqueue_dma source(%dma_start3A_67 : memref<128x128xf32, #tpu.memory_space<vmem_shared>>) target(%arg9 : memref<128x128xf32, #tpu.memory_space<vmem>>) target_semaphore(%run_scoped3A : memref<!tpu.dma_semaphore, #tpu.memory_space<semaphore_mem>>)
      %dma_wait3A = arith.constant 0 : i32
      %dma_wait3A_68 = tpu.memref_slice %arg10[%add3A_54, %dma_wait3A] : memref<10240x128xf32, #tpu.memory_space<vmem_shared>> -> memref<128x128xf32, #tpu.memory_space<vmem_shared>>
      %dma_wait3A_69 = arith.constant 0 : i32
      %dma_wait3A_70 = tpu.memref_slice %arg10[%add3A_54, %dma_wait3A_69] : memref<10240x128xf32, #tpu.memory_space<vmem_shared>> -> memref<128x128xf32, #tpu.memory_space<vmem_shared>>
      tpu.wait_dma2 semaphore(%run_scoped3A : memref<!tpu.dma_semaphore, #tpu.memory_space<semaphore_mem>>) src(%dma_wait3A_70 : memref<128x128xf32, #tpu.memory_space<vmem_shared>>) dst(%arg9 : memref<128x128xf32, #tpu.memory_space<vmem>>)
      tpu.yield
    }) : () -> ()
    %add3A_55 = arith.constant 256 : i32
    %add3A_56 = arith.addi %mul3A_0, %add3A_55 : i32
    "tpu.region"() ({
      %run_scoped3A = tpu.sem_alloc : memref<!tpu.dma_semaphore, #tpu.memory_space<semaphore_mem>>
      %dma_start3A = arith.constant 0 : i32
      %dma_start3A_65 = tpu.memref_slice %arg6[%arg0, %add3A_56, %dma_start3A] : memref<2x10240x128xf32, #tpu.memory_space<hbm>> -> memref<1x128x128xf32, #tpu.memory_space<hbm>>
      %dma_start3A_66 = tpu.memref_squeeze %dma_start3A_65 : memref<1x128x128xf32, #tpu.memory_space<hbm>> -> memref<128x128xf32, #tpu.memory_space<hbm>>
      %dma_start3A_67 = arith.constant 0 : i32
      %dma_start3A_68 = tpu.memref_slice %arg6[%arg0, %add3A_56, %dma_start3A_67] : memref<2x10240x128xf32, #tpu.memory_space<hbm>> -> memref<1x128x128xf32, #tpu.memory_space<hbm>>
      %dma_start3A_69 = tpu.memref_squeeze %dma_start3A_68 : memref<1x128x128xf32, #tpu.memory_space<hbm>> -> memref<128x128xf32, #tpu.memory_space<hbm>>
      tpu.enqueue_dma source(%arg9 : memref<128x128xf32, #tpu.memory_space<vmem>>) target(%dma_start3A_69 : memref<128x128xf32, #tpu.memory_space<hbm>>) target_semaphore(%run_scoped3A : memref<!tpu.dma_semaphore, #tpu.memory_space<semaphore_mem>>)
      %dma_wait3A = arith.constant 0 : i32
      %dma_wait3A_70 = tpu.memref_slice %arg6[%arg0, %add3A_56, %dma_wait3A] : memref<2x10240x128xf32, #tpu.memory_space<hbm>> -> memref<1x128x128xf32, #tpu.memory_space<hbm>>
      %dma_wait3A_71 = tpu.memref_squeeze %dma_wait3A_70 : memref<1x128x128xf32, #tpu.memory_space<hbm>> -> memref<128x128xf32, #tpu.memory_space<hbm>>
      %dma_wait3A_72 = arith.constant 0 : i32
      %dma_wait3A_73 = tpu.memref_slice %arg6[%arg0, %add3A_56, %dma_wait3A_72] : memref<2x10240x128xf32, #tpu.memory_space<hbm>> -> memref<1x128x128xf32, #tpu.memory_space<hbm>>
      %dma_wait3A_74 = tpu.memref_squeeze %dma_wait3A_73 : memref<1x128x128xf32, #tpu.memory_space<hbm>> -> memref<128x128xf32, #tpu.memory_space<hbm>>
      tpu.wait_dma2 semaphore(%run_scoped3A : memref<!tpu.dma_semaphore, #tpu.memory_space<semaphore_mem>>) src(%arg9 : memref<128x128xf32, #tpu.memory_space<vmem>>) dst(%dma_wait3A_74 : memref<128x128xf32, #tpu.memory_space<hbm>>)
      tpu.yield
    }) : () -> ()
    %add3A_57 = arith.constant 384 : i32
    %add3A_58 = arith.addi %mul3A_0, %add3A_57 : i32
    "tpu.region"() ({
      %run_scoped3A = tpu.sem_alloc : memref<!tpu.dma_semaphore, #tpu.memory_space<semaphore_mem>>
      %dma_start3A = arith.constant 0 : i32
      %dma_start3A_65 = tpu.memref_slice %arg10[%add3A_58, %dma_start3A] : memref<10240x128xf32, #tpu.memory_space<vmem_shared>> -> memref<128x128xf32, #tpu.memory_space<vmem_shared>>
      %dma_start3A_66 = arith.constant 0 : i32
      %dma_start3A_67 = tpu.memref_slice %arg10[%add3A_58, %dma_start3A_66] : memref<10240x128xf32, #tpu.memory_space<vmem_shared>> -> memref<128x128xf32, #tpu.memory_space<vmem_shared>>
      tpu.enqueue_dma source(%dma_start3A_67 : memref<128x128xf32, #tpu.memory_space<vmem_shared>>) target(%arg9 : memref<128x128xf32, #tpu.memory_space<vmem>>) target_semaphore(%run_scoped3A : memref<!tpu.dma_semaphore, #tpu.memory_space<semaphore_mem>>)
      %dma_wait3A = arith.constant 0 : i32
      %dma_wait3A_68 = tpu.memref_slice %arg10[%add3A_58, %dma_wait3A] : memref<10240x128xf32, #tpu.memory_space<vmem_shared>> -> memref<128x128xf32, #tpu.memory_space<vmem_shared>>
      %dma_wait3A_69 = arith.constant 0 : i32
      %dma_wait3A_70 = tpu.memref_slice %arg10[%add3A_58, %dma_wait3A_69] : memref<10240x128xf32, #tpu.memory_space<vmem_shared>> -> memref<128x128xf32, #tpu.memory_space<vmem_shared>>
      tpu.wait_dma2 semaphore(%run_scoped3A : memref<!tpu.dma_semaphore, #tpu.memory_space<semaphore_mem>>) src(%dma_wait3A_70 : memref<128x128xf32, #tpu.memory_space<vmem_shared>>) dst(%arg9 : memref<128x128xf32, #tpu.memory_space<vmem>>)
      tpu.yield
    }) : () -> ()
    %add3A_59 = arith.constant 384 : i32
    %add3A_60 = arith.addi %mul3A_0, %add3A_59 : i32
    "tpu.region"() ({
      %run_scoped3A = tpu.sem_alloc : memref<!tpu.dma_semaphore, #tpu.memory_space<semaphore_mem>>
      %dma_start3A = arith.constant 0 : i32
      %dma_start3A_65 = tpu.memref_slice %arg6[%arg0, %add3A_60, %dma_start3A] : memref<2x10240x128xf32, #tpu.memory_space<hbm>> -> memref<1x128x128xf32, #tpu.memory_space<hbm>>
      %dma_start3A_66 = tpu.memref_squeeze %dma_start3A_65 : memref<1x128x128xf32, #tpu.memory_space<hbm>> -> memref<128x128xf32, #tpu.memory_space<hbm>>
      %dma_start3A_67 = arith.constant 0 : i32
      %dma_start3A_68 = tpu.memref_slice %arg6[%arg0, %add3A_60, %dma_start3A_67] : memref<2x10240x128xf32, #tpu.memory_space<hbm>> -> memref<1x128x128xf32, #tpu.memory_space<hbm>>
      %dma_start3A_69 = tpu.memref_squeeze %dma_start3A_68 : memref<1x128x128xf32, #tpu.memory_space<hbm>> -> memref<128x128xf32, #tpu.memory_space<hbm>>
      tpu.enqueue_dma source(%arg9 : memref<128x128xf32, #tpu.memory_space<vmem>>) target(%dma_start3A_69 : memref<128x128xf32, #tpu.memory_space<hbm>>) target_semaphore(%run_scoped3A : memref<!tpu.dma_semaphore, #tpu.memory_space<semaphore_mem>>)
      %dma_wait3A = arith.constant 0 : i32
      %dma_wait3A_70 = tpu.memref_slice %arg6[%arg0, %add3A_60, %dma_wait3A] : memref<2x10240x128xf32, #tpu.memory_space<hbm>> -> memref<1x128x128xf32, #tpu.memory_space<hbm>>
      %dma_wait3A_71 = tpu.memref_squeeze %dma_wait3A_70 : memref<1x128x128xf32, #tpu.memory_space<hbm>> -> memref<128x128xf32, #tpu.memory_space<hbm>>
      %dma_wait3A_72 = arith.constant 0 : i32
      %dma_wait3A_73 = tpu.memref_slice %arg6[%arg0, %add3A_60, %dma_wait3A_72] : memref<2x10240x128xf32, #tpu.memory_space<hbm>> -> memref<1x128x128xf32, #tpu.memory_space<hbm>>
      %dma_wait3A_74 = tpu.memref_squeeze %dma_wait3A_73 : memref<1x128x128xf32, #tpu.memory_space<hbm>> -> memref<128x128xf32, #tpu.memory_space<hbm>>
      tpu.wait_dma2 semaphore(%run_scoped3A : memref<!tpu.dma_semaphore, #tpu.memory_space<semaphore_mem>>) src(%arg9 : memref<128x128xf32, #tpu.memory_space<vmem>>) dst(%dma_wait3A_74 : memref<128x128xf32, #tpu.memory_space<hbm>>)
      tpu.yield
    }) : () -> ()
    %add3A_61 = arith.constant 512 : i32
    %add3A_62 = arith.addi %mul3A_0, %add3A_61 : i32
    "tpu.region"() ({
      %run_scoped3A = tpu.sem_alloc : memref<!tpu.dma_semaphore, #tpu.memory_space<semaphore_mem>>
      %dma_start3A = arith.constant 0 : i32
      %dma_start3A_65 = tpu.memref_slice %arg10[%add3A_62, %dma_start3A] : memref<10240x128xf32, #tpu.memory_space<vmem_shared>> -> memref<128x128xf32, #tpu.memory_space<vmem_shared>>
      %dma_start3A_66 = arith.constant 0 : i32
      %dma_start3A_67 = tpu.memref_slice %arg10[%add3A_62, %dma_start3A_66] : memref<10240x128xf32, #tpu.memory_space<vmem_shared>> -> memref<128x128xf32, #tpu.memory_space<vmem_shared>>
      tpu.enqueue_dma source(%dma_start3A_67 : memref<128x128xf32, #tpu.memory_space<vmem_shared>>) target(%arg9 : memref<128x128xf32, #tpu.memory_space<vmem>>) target_semaphore(%run_scoped3A : memref<!tpu.dma_semaphore, #tpu.memory_space<semaphore_mem>>)
      %dma_wait3A = arith.constant 0 : i32
      %dma_wait3A_68 = tpu.memref_slice %arg10[%add3A_62, %dma_wait3A] : memref<10240x128xf32, #tpu.memory_space<vmem_shared>> -> memref<128x128xf32, #tpu.memory_space<vmem_shared>>
      %dma_wait3A_69 = arith.constant 0 : i32
      %dma_wait3A_70 = tpu.memref_slice %arg10[%add3A_62, %dma_wait3A_69] : memref<10240x128xf32, #tpu.memory_space<vmem_shared>> -> memref<128x128xf32, #tpu.memory_space<vmem_shared>>
      tpu.wait_dma2 semaphore(%run_scoped3A : memref<!tpu.dma_semaphore, #tpu.memory_space<semaphore_mem>>) src(%dma_wait3A_70 : memref<128x128xf32, #tpu.memory_space<vmem_shared>>) dst(%arg9 : memref<128x128xf32, #tpu.memory_space<vmem>>)
      tpu.yield
    }) : () -> ()
    %add3A_63 = arith.constant 512 : i32
    %add3A_64 = arith.addi %mul3A_0, %add3A_63 : i32
    "tpu.region"() ({
      %run_scoped3A = tpu.sem_alloc : memref<!tpu.dma_semaphore, #tpu.memory_space<semaphore_mem>>
      %dma_start3A = arith.constant 0 : i32
      %dma_start3A_65 = tpu.memref_slice %arg6[%arg0, %add3A_64, %dma_start3A] : memref<2x10240x128xf32, #tpu.memory_space<hbm>> -> memref<1x128x128xf32, #tpu.memory_space<hbm>>
      %dma_start3A_66 = tpu.memref_squeeze %dma_start3A_65 : memref<1x128x128xf32, #tpu.memory_space<hbm>> -> memref<128x128xf32, #tpu.memory_space<hbm>>
      %dma_start3A_67 = arith.constant 0 : i32
      %dma_start3A_68 = tpu.memref_slice %arg6[%arg0, %add3A_64, %dma_start3A_67] : memref<2x10240x128xf32, #tpu.memory_space<hbm>> -> memref<1x128x128xf32, #tpu.memory_space<hbm>>
      %dma_start3A_69 = tpu.memref_squeeze %dma_start3A_68 : memref<1x128x128xf32, #tpu.memory_space<hbm>> -> memref<128x128xf32, #tpu.memory_space<hbm>>
      tpu.enqueue_dma source(%arg9 : memref<128x128xf32, #tpu.memory_space<vmem>>) target(%dma_start3A_69 : memref<128x128xf32, #tpu.memory_space<hbm>>) target_semaphore(%run_scoped3A : memref<!tpu.dma_semaphore, #tpu.memory_space<semaphore_mem>>)
      %dma_wait3A = arith.constant 0 : i32
      %dma_wait3A_70 = tpu.memref_slice %arg6[%arg0, %add3A_64, %dma_wait3A] : memref<2x10240x128xf32, #tpu.memory_space<hbm>> -> memref<1x128x128xf32, #tpu.memory_space<hbm>>
      %dma_wait3A_71 = tpu.memref_squeeze %dma_wait3A_70 : memref<1x128x128xf32, #tpu.memory_space<hbm>> -> memref<128x128xf32, #tpu.memory_space<hbm>>
      %dma_wait3A_72 = arith.constant 0 : i32
      %dma_wait3A_73 = tpu.memref_slice %arg6[%arg0, %add3A_64, %dma_wait3A_72] : memref<2x10240x128xf32, #tpu.memory_space<hbm>> -> memref<1x128x128xf32, #tpu.memory_space<hbm>>
      %dma_wait3A_74 = tpu.memref_squeeze %dma_wait3A_73 : memref<1x128x128xf32, #tpu.memory_space<hbm>> -> memref<128x128xf32, #tpu.memory_space<hbm>>
      tpu.wait_dma2 semaphore(%run_scoped3A : memref<!tpu.dma_semaphore, #tpu.memory_space<semaphore_mem>>) src(%arg9 : memref<128x128xf32, #tpu.memory_space<vmem>>) dst(%dma_wait3A_74 : memref<128x128xf32, #tpu.memory_space<hbm>>)
      tpu.yield
    }) : () -> ()
    return
  }
}

#map = affine_map<(d0, d1) -> (0, 0)>
#map1 = affine_map<(d0, d1) -> (0, 0, 0)>
module attributes {stable_mosaic.version = 14 : i64} {
  func.func @_sc_counts(%arg0: i32, %arg1: i32, %arg2: memref<1250x128xi32, #tpu.memory_space<hbm>>, %arg3: memref<1250x128xi32, #tpu.memory_space<hbm>>, %arg4: memref<128x128xf32, #tpu.memory_space<hbm>>, %arg5: memref<128x128xf32, #tpu.memory_space<hbm>>, %arg6: memref<2x10240x128xf32, #tpu.memory_space<hbm>>, %arg7: memref<128xi32, #tpu.memory_space<vmem>>, %arg8: memref<128x128xf32, #tpu.memory_space<vmem>>, %arg9: memref<10240x128xf32, #tpu.memory_space<vmem_shared>>) attributes {dimension_semantics = [#tpu.dimension_semantics<core_parallel>, #tpu.dimension_semantics<subcore_parallel>], iteration_bounds = array<i64: 2, 16>, scalar_prefetch = 0 : i64, scratch_operands = 3 : i64, tpu.core_type = #tpu.core_type<sc_vector_subcore>, window_params = [{transform_indices = #map}, {transform_indices = #map}, {transform_indices = #map}, {transform_indices = #map}, {transform_indices = #map1}]} {
    %mul3A = arith.constant 640 : i32
    %mul3A_0 = arith.muli %arg1, %mul3A : i32
    "tpu.region"() ({
      %run_scoped3A = tpu.sem_alloc : memref<!tpu.dma_semaphore, #tpu.memory_space<semaphore_mem>>
      tpu.enqueue_dma source(%arg5 : memref<128x128xf32, #tpu.memory_space<hbm>>) target(%arg8 : memref<128x128xf32, #tpu.memory_space<vmem>>) target_semaphore(%run_scoped3A : memref<!tpu.dma_semaphore, #tpu.memory_space<semaphore_mem>>)
      tpu.wait_dma2 semaphore(%run_scoped3A : memref<!tpu.dma_semaphore, #tpu.memory_space<semaphore_mem>>) src(%arg5 : memref<128x128xf32, #tpu.memory_space<hbm>>) dst(%arg8 : memref<128x128xf32, #tpu.memory_space<vmem>>)
      tpu.yield
    }) : () -> ()
    %add3A = arith.constant 0 : i32
    %add3A_1 = arith.addi %mul3A_0, %add3A : i32
    "tpu.region"() ({
      %run_scoped3A = tpu.sem_alloc : memref<!tpu.dma_semaphore, #tpu.memory_space<semaphore_mem>>
      %dma_start3A = arith.constant 0 : i32
      %dma_start3A_38 = tpu.memref_slice %arg9[%add3A_1, %dma_start3A] : memref<10240x128xf32, #tpu.memory_space<vmem_shared>> -> memref<128x128xf32, #tpu.memory_space<vmem_shared>>
      %dma_start3A_39 = arith.constant 0 : i32
      %dma_start3A_40 = tpu.memref_slice %arg9[%add3A_1, %dma_start3A_39] : memref<10240x128xf32, #tpu.memory_space<vmem_shared>> -> memref<128x128xf32, #tpu.memory_space<vmem_shared>>
      tpu.enqueue_dma source(%arg8 : memref<128x128xf32, #tpu.memory_space<vmem>>) target(%dma_start3A_40 : memref<128x128xf32, #tpu.memory_space<vmem_shared>>) target_semaphore(%run_scoped3A : memref<!tpu.dma_semaphore, #tpu.memory_space<semaphore_mem>>)
      %dma_wait3A = arith.constant 0 : i32
      %dma_wait3A_41 = tpu.memref_slice %arg9[%add3A_1, %dma_wait3A] : memref<10240x128xf32, #tpu.memory_space<vmem_shared>> -> memref<128x128xf32, #tpu.memory_space<vmem_shared>>
      %dma_wait3A_42 = arith.constant 0 : i32
      %dma_wait3A_43 = tpu.memref_slice %arg9[%add3A_1, %dma_wait3A_42] : memref<10240x128xf32, #tpu.memory_space<vmem_shared>> -> memref<128x128xf32, #tpu.memory_space<vmem_shared>>
      tpu.wait_dma2 semaphore(%run_scoped3A : memref<!tpu.dma_semaphore, #tpu.memory_space<semaphore_mem>>) src(%arg8 : memref<128x128xf32, #tpu.memory_space<vmem>>) dst(%dma_wait3A_43 : memref<128x128xf32, #tpu.memory_space<vmem_shared>>)
      tpu.yield
    }) : () -> ()
    %add3A_2 = arith.constant 128 : i32
    %add3A_3 = arith.addi %mul3A_0, %add3A_2 : i32
    "tpu.region"() ({
      %run_scoped3A = tpu.sem_alloc : memref<!tpu.dma_semaphore, #tpu.memory_space<semaphore_mem>>
      %dma_start3A = arith.constant 0 : i32
      %dma_start3A_38 = tpu.memref_slice %arg9[%add3A_3, %dma_start3A] : memref<10240x128xf32, #tpu.memory_space<vmem_shared>> -> memref<128x128xf32, #tpu.memory_space<vmem_shared>>
      %dma_start3A_39 = arith.constant 0 : i32
      %dma_start3A_40 = tpu.memref_slice %arg9[%add3A_3, %dma_start3A_39] : memref<10240x128xf32, #tpu.memory_space<vmem_shared>> -> memref<128x128xf32, #tpu.memory_space<vmem_shared>>
      tpu.enqueue_dma source(%arg8 : memref<128x128xf32, #tpu.memory_space<vmem>>) target(%dma_start3A_40 : memref<128x128xf32, #tpu.memory_space<vmem_shared>>) target_semaphore(%run_scoped3A : memref<!tpu.dma_semaphore, #tpu.memory_space<semaphore_mem>>)
      %dma_wait3A = arith.constant 0 : i32
      %dma_wait3A_41 = tpu.memref_slice %arg9[%add3A_3, %dma_wait3A] : memref<10240x128xf32, #tpu.memory_space<vmem_shared>> -> memref<128x128xf32, #tpu.memory_space<vmem_shared>>
      %dma_wait3A_42 = arith.constant 0 : i32
      %dma_wait3A_43 = tpu.memref_slice %arg9[%add3A_3, %dma_wait3A_42] : memref<10240x128xf32, #tpu.memory_space<vmem_shared>> -> memref<128x128xf32, #tpu.memory_space<vmem_shared>>
      tpu.wait_dma2 semaphore(%run_scoped3A : memref<!tpu.dma_semaphore, #tpu.memory_space<semaphore_mem>>) src(%arg8 : memref<128x128xf32, #tpu.memory_space<vmem>>) dst(%dma_wait3A_43 : memref<128x128xf32, #tpu.memory_space<vmem_shared>>)
      tpu.yield
    }) : () -> ()
    %add3A_4 = arith.constant 256 : i32
    %add3A_5 = arith.addi %mul3A_0, %add3A_4 : i32
    "tpu.region"() ({
      %run_scoped3A = tpu.sem_alloc : memref<!tpu.dma_semaphore, #tpu.memory_space<semaphore_mem>>
      %dma_start3A = arith.constant 0 : i32
      %dma_start3A_38 = tpu.memref_slice %arg9[%add3A_5, %dma_start3A] : memref<10240x128xf32, #tpu.memory_space<vmem_shared>> -> memref<128x128xf32, #tpu.memory_space<vmem_shared>>
      %dma_start3A_39 = arith.constant 0 : i32
      %dma_start3A_40 = tpu.memref_slice %arg9[%add3A_5, %dma_start3A_39] : memref<10240x128xf32, #tpu.memory_space<vmem_shared>> -> memref<128x128xf32, #tpu.memory_space<vmem_shared>>
      tpu.enqueue_dma source(%arg8 : memref<128x128xf32, #tpu.memory_space<vmem>>) target(%dma_start3A_40 : memref<128x128xf32, #tpu.memory_space<vmem_shared>>) target_semaphore(%run_scoped3A : memref<!tpu.dma_semaphore, #tpu.memory_space<semaphore_mem>>)
      %dma_wait3A = arith.constant 0 : i32
      %dma_wait3A_41 = tpu.memref_slice %arg9[%add3A_5, %dma_wait3A] : memref<10240x128xf32, #tpu.memory_space<vmem_shared>> -> memref<128x128xf32, #tpu.memory_space<vmem_shared>>
      %dma_wait3A_42 = arith.constant 0 : i32
      %dma_wait3A_43 = tpu.memref_slice %arg9[%add3A_5, %dma_wait3A_42] : memref<10240x128xf32, #tpu.memory_space<vmem_shared>> -> memref<128x128xf32, #tpu.memory_space<vmem_shared>>
      tpu.wait_dma2 semaphore(%run_scoped3A : memref<!tpu.dma_semaphore, #tpu.memory_space<semaphore_mem>>) src(%arg8 : memref<128x128xf32, #tpu.memory_space<vmem>>) dst(%dma_wait3A_43 : memref<128x128xf32, #tpu.memory_space<vmem_shared>>)
      tpu.yield
    }) : () -> ()
    %add3A_6 = arith.constant 384 : i32
    %add3A_7 = arith.addi %mul3A_0, %add3A_6 : i32
    "tpu.region"() ({
      %run_scoped3A = tpu.sem_alloc : memref<!tpu.dma_semaphore, #tpu.memory_space<semaphore_mem>>
      %dma_start3A = arith.constant 0 : i32
      %dma_start3A_38 = tpu.memref_slice %arg9[%add3A_7, %dma_start3A] : memref<10240x128xf32, #tpu.memory_space<vmem_shared>> -> memref<128x128xf32, #tpu.memory_space<vmem_shared>>
      %dma_start3A_39 = arith.constant 0 : i32
      %dma_start3A_40 = tpu.memref_slice %arg9[%add3A_7, %dma_start3A_39] : memref<10240x128xf32, #tpu.memory_space<vmem_shared>> -> memref<128x128xf32, #tpu.memory_space<vmem_shared>>
      tpu.enqueue_dma source(%arg8 : memref<128x128xf32, #tpu.memory_space<vmem>>) target(%dma_start3A_40 : memref<128x128xf32, #tpu.memory_space<vmem_shared>>) target_semaphore(%run_scoped3A : memref<!tpu.dma_semaphore, #tpu.memory_space<semaphore_mem>>)
      %dma_wait3A = arith.constant 0 : i32
      %dma_wait3A_41 = tpu.memref_slice %arg9[%add3A_7, %dma_wait3A] : memref<10240x128xf32, #tpu.memory_space<vmem_shared>> -> memref<128x128xf32, #tpu.memory_space<vmem_shared>>
      %dma_wait3A_42 = arith.constant 0 : i32
      %dma_wait3A_43 = tpu.memref_slice %arg9[%add3A_7, %dma_wait3A_42] : memref<10240x128xf32, #tpu.memory_space<vmem_shared>> -> memref<128x128xf32, #tpu.memory_space<vmem_shared>>
      tpu.wait_dma2 semaphore(%run_scoped3A : memref<!tpu.dma_semaphore, #tpu.memory_space<semaphore_mem>>) src(%arg8 : memref<128x128xf32, #tpu.memory_space<vmem>>) dst(%dma_wait3A_43 : memref<128x128xf32, #tpu.memory_space<vmem_shared>>)
      tpu.yield
    }) : () -> ()
    %add3A_8 = arith.constant 512 : i32
    %add3A_9 = arith.addi %mul3A_0, %add3A_8 : i32
    "tpu.region"() ({
      %run_scoped3A = tpu.sem_alloc : memref<!tpu.dma_semaphore, #tpu.memory_space<semaphore_mem>>
      %dma_start3A = arith.constant 0 : i32
      %dma_start3A_38 = tpu.memref_slice %arg9[%add3A_9, %dma_start3A] : memref<10240x128xf32, #tpu.memory_space<vmem_shared>> -> memref<128x128xf32, #tpu.memory_space<vmem_shared>>
      %dma_start3A_39 = arith.constant 0 : i32
      %dma_start3A_40 = tpu.memref_slice %arg9[%add3A_9, %dma_start3A_39] : memref<10240x128xf32, #tpu.memory_space<vmem_shared>> -> memref<128x128xf32, #tpu.memory_space<vmem_shared>>
      tpu.enqueue_dma source(%arg8 : memref<128x128xf32, #tpu.memory_space<vmem>>) target(%dma_start3A_40 : memref<128x128xf32, #tpu.memory_space<vmem_shared>>) target_semaphore(%run_scoped3A : memref<!tpu.dma_semaphore, #tpu.memory_space<semaphore_mem>>)
      %dma_wait3A = arith.constant 0 : i32
      %dma_wait3A_41 = tpu.memref_slice %arg9[%add3A_9, %dma_wait3A] : memref<10240x128xf32, #tpu.memory_space<vmem_shared>> -> memref<128x128xf32, #tpu.memory_space<vmem_shared>>
      %dma_wait3A_42 = arith.constant 0 : i32
      %dma_wait3A_43 = tpu.memref_slice %arg9[%add3A_9, %dma_wait3A_42] : memref<10240x128xf32, #tpu.memory_space<vmem_shared>> -> memref<128x128xf32, #tpu.memory_space<vmem_shared>>
      tpu.wait_dma2 semaphore(%run_scoped3A : memref<!tpu.dma_semaphore, #tpu.memory_space<semaphore_mem>>) src(%arg8 : memref<128x128xf32, #tpu.memory_space<vmem>>) dst(%dma_wait3A_43 : memref<128x128xf32, #tpu.memory_space<vmem_shared>>)
      tpu.yield
    }) : () -> ()
    %barrier3A = arith.constant 0 : index
    tpu.barrier barrier_id(%barrier3A)
    "tpu.region"() ({
      %run_scoped3A = tpu.sem_alloc : memref<!tpu.dma_semaphore, #tpu.memory_space<semaphore_mem>>
      tpu.enqueue_dma source(%arg4 : memref<128x128xf32, #tpu.memory_space<hbm>>) target(%arg8 : memref<128x128xf32, #tpu.memory_space<vmem>>) target_semaphore(%run_scoped3A : memref<!tpu.dma_semaphore, #tpu.memory_space<semaphore_mem>>)
      tpu.wait_dma2 semaphore(%run_scoped3A : memref<!tpu.dma_semaphore, #tpu.memory_space<semaphore_mem>>) src(%arg4 : memref<128x128xf32, #tpu.memory_space<hbm>>) dst(%arg8 : memref<128x128xf32, #tpu.memory_space<vmem>>)
      tpu.yield
    }) : () -> ()
    %eq3A = arith.constant 0 : i32
    %eq3A_10 = arith.cmpi eq, %arg0, %eq3A : i32
    %convert_element_type3A = arith.extui %eq3A_10 : i1 to i32
    %cond3A = arith.constant 0 : i32
    %cond3A_11 = arith.cmpi ne, %convert_element_type3A, %cond3A : i32
    scf.if %cond3A_11 {
      %sub3A = arith.constant 1250 : i32
      %sub3A_38 = arith.subi %sub3A, %arg1 : i32
      %add3A_39 = arith.constant 16 : i32
      %add3A_40 = arith.addi %sub3A_38, %add3A_39 : i32
      %sub3A_41 = arith.constant 1 : i32
      %sub3A_42 = arith.subi %add3A_40, %sub3A_41 : i32
      %jit3A = arith.constant 16 : i32
      %div3A = arith.divsi %sub3A_42, %jit3A : i32
      %sign3A = arith.constant 0 : i32
      %sign3A_43 = arith.cmpi sgt, %sub3A_42, %sign3A : i32
      %sign3A_44 = arith.extui %sign3A_43 : i1 to i32
      %sign3A_45 = arith.constant 0 : i32
      %sign3A_46 = arith.cmpi slt, %sub3A_42, %sign3A_45 : i32
      %sign3A_47 = arith.extui %sign3A_46 : i1 to i32
      %sign3A_48 = arith.subi %sign3A_44, %sign3A_47 : i32
      %sign3A_49 = arith.constant 0 : i32
      %sign3A_50 = arith.cmpi sgt, %jit3A, %sign3A_49 : i32
      %sign3A_51 = arith.extui %sign3A_50 : i1 to i32
      %sign3A_52 = arith.constant 0 : i32
      %sign3A_53 = arith.cmpi slt, %jit3A, %sign3A_52 : i32
      %sign3A_54 = arith.extui %sign3A_53 : i1 to i32
      %sign3A_55 = arith.subi %sign3A_51, %sign3A_54 : i32
      %ne3A = arith.cmpi ne, %sign3A_48, %sign3A_55 : i32
      %rem3A = arith.remsi %sub3A_42, %jit3A : i32
      %ne3A_56 = arith.constant 0 : i32
      %ne3A_57 = arith.cmpi ne, %rem3A, %ne3A_56 : i32
      %and3A = arith.andi %ne3A, %ne3A_57 : i1
      %sub3A_58 = arith.constant 1 : i32
      %sub3A_59 = arith.subi %div3A, %sub3A_58 : i32
      %select_n3A = arith.select %and3A, %sub3A_59, %div3A : i32
      %while3A = arith.constant 0 : i32
      %while3A_60 = arith.constant 0 : i32
      %while3A_61 = arith.subi %select_n3A, %while3A_60 : i32
      %while3A_62 = arith.addi %while3A_60, %while3A_61 : i32
      %while3A_63 = arith.constant 1 : i32
      %while3A_64 = arith.divsi %while3A_61, %while3A_63 : i32
      %while3A_65 = arith.muli %while3A_64, %while3A_63 : i32
      %while3A_66 = arith.addi %while3A_60, %while3A_65 : i32
      %while3A_67 = arith.constant 1 : i32
      scf.for %while3A_69 = %while3A_60 to %while3A_66 step %while3A_67  : i32 {
        %mul3A_70 = arith.constant 16 : i32
        %mul3A_71 = arith.muli %while3A_69, %mul3A_70 : i32
        %add3A_72 = arith.addi %mul3A_71, %arg1 : i32
        "tpu.region"() ({
          %run_scoped3A = tpu.sem_alloc : memref<!tpu.dma_semaphore, #tpu.memory_space<semaphore_mem>>
          %dma_start3A = arith.constant 0 : i32
          %dma_start3A_73 = tpu.memref_slice %arg2[%add3A_72, %dma_start3A] : memref<1250x128xi32, #tpu.memory_space<hbm>> -> memref<1x128xi32, #tpu.memory_space<hbm>>
          %dma_start3A_74 = tpu.memref_squeeze %dma_start3A_73 : memref<1x128xi32, #tpu.memory_space<hbm>> -> memref<128xi32, #tpu.memory_space<hbm>>
          %dma_start3A_75 = arith.constant 0 : i32
          %dma_start3A_76 = tpu.memref_slice %arg2[%add3A_72, %dma_start3A_75] : memref<1250x128xi32, #tpu.memory_space<hbm>> -> memref<1x128xi32, #tpu.memory_space<hbm>>
          %dma_start3A_77 = tpu.memref_squeeze %dma_start3A_76 : memref<1x128xi32, #tpu.memory_space<hbm>> -> memref<128xi32, #tpu.memory_space<hbm>>
          tpu.enqueue_dma source(%dma_start3A_77 : memref<128xi32, #tpu.memory_space<hbm>>) target(%arg7 : memref<128xi32, #tpu.memory_space<vmem>>) target_semaphore(%run_scoped3A : memref<!tpu.dma_semaphore, #tpu.memory_space<semaphore_mem>>)
          %dma_wait3A = arith.constant 0 : i32
          %dma_wait3A_78 = tpu.memref_slice %arg2[%add3A_72, %dma_wait3A] : memref<1250x128xi32, #tpu.memory_space<hbm>> -> memref<1x128xi32, #tpu.memory_space<hbm>>
          %dma_wait3A_79 = tpu.memref_squeeze %dma_wait3A_78 : memref<1x128xi32, #tpu.memory_space<hbm>> -> memref<128xi32, #tpu.memory_space<hbm>>
          %dma_wait3A_80 = arith.constant 0 : i32
          %dma_wait3A_81 = tpu.memref_slice %arg2[%add3A_72, %dma_wait3A_80] : memref<1250x128xi32, #tpu.memory_space<hbm>> -> memref<1x128xi32, #tpu.memory_space<hbm>>
          %dma_wait3A_82 = tpu.memref_squeeze %dma_wait3A_81 : memref<1x128xi32, #tpu.memory_space<hbm>> -> memref<128xi32, #tpu.memory_space<hbm>>
          tpu.wait_dma2 semaphore(%run_scoped3A : memref<!tpu.dma_semaphore, #tpu.memory_space<semaphore_mem>>) src(%dma_wait3A_82 : memref<128xi32, #tpu.memory_space<hbm>>) dst(%arg7 : memref<128xi32, #tpu.memory_space<vmem>>)
          tpu.yield
        }) : () -> ()
        "tpu.region"() ({
          %run_scoped3A = tpu.sem_alloc : memref<!tpu.dma_semaphore, #tpu.memory_space<semaphore_mem>>
          %dma_start3A = arith.constant 0 : i32
          %dma_start3A_73 = arith.constant 0 : i32
          %dma_start3A_74 = tpu.memref_slice %arg9[%dma_start3A, %dma_start3A_73] : memref<10240x128xf32, #tpu.memory_space<vmem_shared>> -> memref<10240x128xf32, #tpu.memory_space<vmem_shared>>
          tpu.enqueue_indirect_dma source(%arg8 : memref<128x128xf32, #tpu.memory_space<vmem>>) target(%dma_start3A_74 : memref<10240x128xf32, #tpu.memory_space<vmem_shared>>) offsets(%arg7 : memref<128xi32, #tpu.memory_space<vmem>>) semaphore(%run_scoped3A : memref<!tpu.dma_semaphore, #tpu.memory_space<semaphore_mem>>) {add = true}
          %dma_wait3A = arith.constant 0 : i32
          %dma_wait3A_75 = arith.constant 0 : i32
          %dma_wait3A_76 = tpu.memref_slice %arg9[%dma_wait3A, %dma_wait3A_75] : memref<10240x128xf32, #tpu.memory_space<vmem_shared>> -> memref<10240x128xf32, #tpu.memory_space<vmem_shared>>
          tpu.wait_indirect_dma semaphore(%run_scoped3A : memref<!tpu.dma_semaphore, #tpu.memory_space<semaphore_mem>>) src(%arg8 : memref<128x128xf32, #tpu.memory_space<vmem>>) dst(%dma_wait3A_76 : memref<10240x128xf32, #tpu.memory_space<vmem_shared>>)
          tpu.yield
        }) : () -> ()
      }
      %while3A_68 = arith.constant 1 : i32
      scf.for %while3A_69 = %while3A_66 to %while3A_62 step %while3A_68  : i32 {
        %mul3A_70 = arith.constant 16 : i32
        %mul3A_71 = arith.muli %while3A_69, %mul3A_70 : i32
        %add3A_72 = arith.addi %mul3A_71, %arg1 : i32
        "tpu.region"() ({
          %run_scoped3A = tpu.sem_alloc : memref<!tpu.dma_semaphore, #tpu.memory_space<semaphore_mem>>
          %dma_start3A = arith.constant 0 : i32
          %dma_start3A_73 = tpu.memref_slice %arg2[%add3A_72, %dma_start3A] : memref<1250x128xi32, #tpu.memory_space<hbm>> -> memref<1x128xi32, #tpu.memory_space<hbm>>
          %dma_start3A_74 = tpu.memref_squeeze %dma_start3A_73 : memref<1x128xi32, #tpu.memory_space<hbm>> -> memref<128xi32, #tpu.memory_space<hbm>>
          %dma_start3A_75 = arith.constant 0 : i32
          %dma_start3A_76 = tpu.memref_slice %arg2[%add3A_72, %dma_start3A_75] : memref<1250x128xi32, #tpu.memory_space<hbm>> -> memref<1x128xi32, #tpu.memory_space<hbm>>
          %dma_start3A_77 = tpu.memref_squeeze %dma_start3A_76 : memref<1x128xi32, #tpu.memory_space<hbm>> -> memref<128xi32, #tpu.memory_space<hbm>>
          tpu.enqueue_dma source(%dma_start3A_77 : memref<128xi32, #tpu.memory_space<hbm>>) target(%arg7 : memref<128xi32, #tpu.memory_space<vmem>>) target_semaphore(%run_scoped3A : memref<!tpu.dma_semaphore, #tpu.memory_space<semaphore_mem>>)
          %dma_wait3A = arith.constant 0 : i32
          %dma_wait3A_78 = tpu.memref_slice %arg2[%add3A_72, %dma_wait3A] : memref<1250x128xi32, #tpu.memory_space<hbm>> -> memref<1x128xi32, #tpu.memory_space<hbm>>
          %dma_wait3A_79 = tpu.memref_squeeze %dma_wait3A_78 : memref<1x128xi32, #tpu.memory_space<hbm>> -> memref<128xi32, #tpu.memory_space<hbm>>
          %dma_wait3A_80 = arith.constant 0 : i32
          %dma_wait3A_81 = tpu.memref_slice %arg2[%add3A_72, %dma_wait3A_80] : memref<1250x128xi32, #tpu.memory_space<hbm>> -> memref<1x128xi32, #tpu.memory_space<hbm>>
          %dma_wait3A_82 = tpu.memref_squeeze %dma_wait3A_81 : memref<1x128xi32, #tpu.memory_space<hbm>> -> memref<128xi32, #tpu.memory_space<hbm>>
          tpu.wait_dma2 semaphore(%run_scoped3A : memref<!tpu.dma_semaphore, #tpu.memory_space<semaphore_mem>>) src(%dma_wait3A_82 : memref<128xi32, #tpu.memory_space<hbm>>) dst(%arg7 : memref<128xi32, #tpu.memory_space<vmem>>)
          tpu.yield
        }) : () -> ()
        "tpu.region"() ({
          %run_scoped3A = tpu.sem_alloc : memref<!tpu.dma_semaphore, #tpu.memory_space<semaphore_mem>>
          %dma_start3A = arith.constant 0 : i32
          %dma_start3A_73 = arith.constant 0 : i32
          %dma_start3A_74 = tpu.memref_slice %arg9[%dma_start3A, %dma_start3A_73] : memref<10240x128xf32, #tpu.memory_space<vmem_shared>> -> memref<10240x128xf32, #tpu.memory_space<vmem_shared>>
          tpu.enqueue_indirect_dma source(%arg8 : memref<128x128xf32, #tpu.memory_space<vmem>>) target(%dma_start3A_74 : memref<10240x128xf32, #tpu.memory_space<vmem_shared>>) offsets(%arg7 : memref<128xi32, #tpu.memory_space<vmem>>) semaphore(%run_scoped3A : memref<!tpu.dma_semaphore, #tpu.memory_space<semaphore_mem>>) {add = true}
          %dma_wait3A = arith.constant 0 : i32
          %dma_wait3A_75 = arith.constant 0 : i32
          %dma_wait3A_76 = tpu.memref_slice %arg9[%dma_wait3A, %dma_wait3A_75] : memref<10240x128xf32, #tpu.memory_space<vmem_shared>> -> memref<10240x128xf32, #tpu.memory_space<vmem_shared>>
          tpu.wait_indirect_dma semaphore(%run_scoped3A : memref<!tpu.dma_semaphore, #tpu.memory_space<semaphore_mem>>) src(%arg8 : memref<128x128xf32, #tpu.memory_space<vmem>>) dst(%dma_wait3A_76 : memref<10240x128xf32, #tpu.memory_space<vmem_shared>>)
          tpu.yield
        }) : () -> ()
      }
    } else {
    }
    %eq3A_12 = arith.constant 1 : i32
    %eq3A_13 = arith.cmpi eq, %arg0, %eq3A_12 : i32
    %convert_element_type3A_14 = arith.extui %eq3A_13 : i1 to i32
    %cond3A_15 = arith.constant 0 : i32
    %cond3A_16 = arith.cmpi ne, %convert_element_type3A_14, %cond3A_15 : i32
    scf.if %cond3A_16 {
      %sub3A = arith.constant 1250 : i32
      %sub3A_38 = arith.subi %sub3A, %arg1 : i32
      %add3A_39 = arith.constant 16 : i32
      %add3A_40 = arith.addi %sub3A_38, %add3A_39 : i32
      %sub3A_41 = arith.constant 1 : i32
      %sub3A_42 = arith.subi %add3A_40, %sub3A_41 : i32
      %jit3A = arith.constant 16 : i32
      %div3A = arith.divsi %sub3A_42, %jit3A : i32
      %sign3A = arith.constant 0 : i32
      %sign3A_43 = arith.cmpi sgt, %sub3A_42, %sign3A : i32
      %sign3A_44 = arith.extui %sign3A_43 : i1 to i32
      %sign3A_45 = arith.constant 0 : i32
      %sign3A_46 = arith.cmpi slt, %sub3A_42, %sign3A_45 : i32
      %sign3A_47 = arith.extui %sign3A_46 : i1 to i32
      %sign3A_48 = arith.subi %sign3A_44, %sign3A_47 : i32
      %sign3A_49 = arith.constant 0 : i32
      %sign3A_50 = arith.cmpi sgt, %jit3A, %sign3A_49 : i32
      %sign3A_51 = arith.extui %sign3A_50 : i1 to i32
      %sign3A_52 = arith.constant 0 : i32
      %sign3A_53 = arith.cmpi slt, %jit3A, %sign3A_52 : i32
      %sign3A_54 = arith.extui %sign3A_53 : i1 to i32
      %sign3A_55 = arith.subi %sign3A_51, %sign3A_54 : i32
      %ne3A = arith.cmpi ne, %sign3A_48, %sign3A_55 : i32
      %rem3A = arith.remsi %sub3A_42, %jit3A : i32
      %ne3A_56 = arith.constant 0 : i32
      %ne3A_57 = arith.cmpi ne, %rem3A, %ne3A_56 : i32
      %and3A = arith.andi %ne3A, %ne3A_57 : i1
      %sub3A_58 = arith.constant 1 : i32
      %sub3A_59 = arith.subi %div3A, %sub3A_58 : i32
      %select_n3A = arith.select %and3A, %sub3A_59, %div3A : i32
      %while3A = arith.constant 0 : i32
      %while3A_60 = arith.constant 0 : i32
      %while3A_61 = arith.subi %select_n3A, %while3A_60 : i32
      %while3A_62 = arith.addi %while3A_60, %while3A_61 : i32
      %while3A_63 = arith.constant 1 : i32
      %while3A_64 = arith.divsi %while3A_61, %while3A_63 : i32
      %while3A_65 = arith.muli %while3A_64, %while3A_63 : i32
      %while3A_66 = arith.addi %while3A_60, %while3A_65 : i32
      %while3A_67 = arith.constant 1 : i32
      scf.for %while3A_69 = %while3A_60 to %while3A_66 step %while3A_67  : i32 {
        %mul3A_70 = arith.constant 16 : i32
        %mul3A_71 = arith.muli %while3A_69, %mul3A_70 : i32
        %add3A_72 = arith.addi %mul3A_71, %arg1 : i32
        "tpu.region"() ({
          %run_scoped3A = tpu.sem_alloc : memref<!tpu.dma_semaphore, #tpu.memory_space<semaphore_mem>>
          %dma_start3A = arith.constant 0 : i32
          %dma_start3A_73 = tpu.memref_slice %arg3[%add3A_72, %dma_start3A] : memref<1250x128xi32, #tpu.memory_space<hbm>> -> memref<1x128xi32, #tpu.memory_space<hbm>>
          %dma_start3A_74 = tpu.memref_squeeze %dma_start3A_73 : memref<1x128xi32, #tpu.memory_space<hbm>> -> memref<128xi32, #tpu.memory_space<hbm>>
          %dma_start3A_75 = arith.constant 0 : i32
          %dma_start3A_76 = tpu.memref_slice %arg3[%add3A_72, %dma_start3A_75] : memref<1250x128xi32, #tpu.memory_space<hbm>> -> memref<1x128xi32, #tpu.memory_space<hbm>>
          %dma_start3A_77 = tpu.memref_squeeze %dma_start3A_76 : memref<1x128xi32, #tpu.memory_space<hbm>> -> memref<128xi32, #tpu.memory_space<hbm>>
          tpu.enqueue_dma source(%dma_start3A_77 : memref<128xi32, #tpu.memory_space<hbm>>) target(%arg7 : memref<128xi32, #tpu.memory_space<vmem>>) target_semaphore(%run_scoped3A : memref<!tpu.dma_semaphore, #tpu.memory_space<semaphore_mem>>)
          %dma_wait3A = arith.constant 0 : i32
          %dma_wait3A_78 = tpu.memref_slice %arg3[%add3A_72, %dma_wait3A] : memref<1250x128xi32, #tpu.memory_space<hbm>> -> memref<1x128xi32, #tpu.memory_space<hbm>>
          %dma_wait3A_79 = tpu.memref_squeeze %dma_wait3A_78 : memref<1x128xi32, #tpu.memory_space<hbm>> -> memref<128xi32, #tpu.memory_space<hbm>>
          %dma_wait3A_80 = arith.constant 0 : i32
          %dma_wait3A_81 = tpu.memref_slice %arg3[%add3A_72, %dma_wait3A_80] : memref<1250x128xi32, #tpu.memory_space<hbm>> -> memref<1x128xi32, #tpu.memory_space<hbm>>
          %dma_wait3A_82 = tpu.memref_squeeze %dma_wait3A_81 : memref<1x128xi32, #tpu.memory_space<hbm>> -> memref<128xi32, #tpu.memory_space<hbm>>
          tpu.wait_dma2 semaphore(%run_scoped3A : memref<!tpu.dma_semaphore, #tpu.memory_space<semaphore_mem>>) src(%dma_wait3A_82 : memref<128xi32, #tpu.memory_space<hbm>>) dst(%arg7 : memref<128xi32, #tpu.memory_space<vmem>>)
          tpu.yield
        }) : () -> ()
        "tpu.region"() ({
          %run_scoped3A = tpu.sem_alloc : memref<!tpu.dma_semaphore, #tpu.memory_space<semaphore_mem>>
          %dma_start3A = arith.constant 0 : i32
          %dma_start3A_73 = arith.constant 0 : i32
          %dma_start3A_74 = tpu.memref_slice %arg9[%dma_start3A, %dma_start3A_73] : memref<10240x128xf32, #tpu.memory_space<vmem_shared>> -> memref<10240x128xf32, #tpu.memory_space<vmem_shared>>
          tpu.enqueue_indirect_dma source(%arg8 : memref<128x128xf32, #tpu.memory_space<vmem>>) target(%dma_start3A_74 : memref<10240x128xf32, #tpu.memory_space<vmem_shared>>) offsets(%arg7 : memref<128xi32, #tpu.memory_space<vmem>>) semaphore(%run_scoped3A : memref<!tpu.dma_semaphore, #tpu.memory_space<semaphore_mem>>) {add = true}
          %dma_wait3A = arith.constant 0 : i32
          %dma_wait3A_75 = arith.constant 0 : i32
          %dma_wait3A_76 = tpu.memref_slice %arg9[%dma_wait3A, %dma_wait3A_75] : memref<10240x128xf32, #tpu.memory_space<vmem_shared>> -> memref<10240x128xf32, #tpu.memory_space<vmem_shared>>
          tpu.wait_indirect_dma semaphore(%run_scoped3A : memref<!tpu.dma_semaphore, #tpu.memory_space<semaphore_mem>>) src(%arg8 : memref<128x128xf32, #tpu.memory_space<vmem>>) dst(%dma_wait3A_76 : memref<10240x128xf32, #tpu.memory_space<vmem_shared>>)
          tpu.yield
        }) : () -> ()
      }
      %while3A_68 = arith.constant 1 : i32
      scf.for %while3A_69 = %while3A_66 to %while3A_62 step %while3A_68  : i32 {
        %mul3A_70 = arith.constant 16 : i32
        %mul3A_71 = arith.muli %while3A_69, %mul3A_70 : i32
        %add3A_72 = arith.addi %mul3A_71, %arg1 : i32
        "tpu.region"() ({
          %run_scoped3A = tpu.sem_alloc : memref<!tpu.dma_semaphore, #tpu.memory_space<semaphore_mem>>
          %dma_start3A = arith.constant 0 : i32
          %dma_start3A_73 = tpu.memref_slice %arg3[%add3A_72, %dma_start3A] : memref<1250x128xi32, #tpu.memory_space<hbm>> -> memref<1x128xi32, #tpu.memory_space<hbm>>
          %dma_start3A_74 = tpu.memref_squeeze %dma_start3A_73 : memref<1x128xi32, #tpu.memory_space<hbm>> -> memref<128xi32, #tpu.memory_space<hbm>>
          %dma_start3A_75 = arith.constant 0 : i32
          %dma_start3A_76 = tpu.memref_slice %arg3[%add3A_72, %dma_start3A_75] : memref<1250x128xi32, #tpu.memory_space<hbm>> -> memref<1x128xi32, #tpu.memory_space<hbm>>
          %dma_start3A_77 = tpu.memref_squeeze %dma_start3A_76 : memref<1x128xi32, #tpu.memory_space<hbm>> -> memref<128xi32, #tpu.memory_space<hbm>>
          tpu.enqueue_dma source(%dma_start3A_77 : memref<128xi32, #tpu.memory_space<hbm>>) target(%arg7 : memref<128xi32, #tpu.memory_space<vmem>>) target_semaphore(%run_scoped3A : memref<!tpu.dma_semaphore, #tpu.memory_space<semaphore_mem>>)
          %dma_wait3A = arith.constant 0 : i32
          %dma_wait3A_78 = tpu.memref_slice %arg3[%add3A_72, %dma_wait3A] : memref<1250x128xi32, #tpu.memory_space<hbm>> -> memref<1x128xi32, #tpu.memory_space<hbm>>
          %dma_wait3A_79 = tpu.memref_squeeze %dma_wait3A_78 : memref<1x128xi32, #tpu.memory_space<hbm>> -> memref<128xi32, #tpu.memory_space<hbm>>
          %dma_wait3A_80 = arith.constant 0 : i32
          %dma_wait3A_81 = tpu.memref_slice %arg3[%add3A_72, %dma_wait3A_80] : memref<1250x128xi32, #tpu.memory_space<hbm>> -> memref<1x128xi32, #tpu.memory_space<hbm>>
          %dma_wait3A_82 = tpu.memref_squeeze %dma_wait3A_81 : memref<1x128xi32, #tpu.memory_space<hbm>> -> memref<128xi32, #tpu.memory_space<hbm>>
          tpu.wait_dma2 semaphore(%run_scoped3A : memref<!tpu.dma_semaphore, #tpu.memory_space<semaphore_mem>>) src(%dma_wait3A_82 : memref<128xi32, #tpu.memory_space<hbm>>) dst(%arg7 : memref<128xi32, #tpu.memory_space<vmem>>)
          tpu.yield
        }) : () -> ()
        "tpu.region"() ({
          %run_scoped3A = tpu.sem_alloc : memref<!tpu.dma_semaphore, #tpu.memory_space<semaphore_mem>>
          %dma_start3A = arith.constant 0 : i32
          %dma_start3A_73 = arith.constant 0 : i32
          %dma_start3A_74 = tpu.memref_slice %arg9[%dma_start3A, %dma_start3A_73] : memref<10240x128xf32, #tpu.memory_space<vmem_shared>> -> memref<10240x128xf32, #tpu.memory_space<vmem_shared>>
          tpu.enqueue_indirect_dma source(%arg8 : memref<128x128xf32, #tpu.memory_space<vmem>>) target(%dma_start3A_74 : memref<10240x128xf32, #tpu.memory_space<vmem_shared>>) offsets(%arg7 : memref<128xi32, #tpu.memory_space<vmem>>) semaphore(%run_scoped3A : memref<!tpu.dma_semaphore, #tpu.memory_space<semaphore_mem>>) {add = true}
          %dma_wait3A = arith.constant 0 : i32
          %dma_wait3A_75 = arith.constant 0 : i32
          %dma_wait3A_76 = tpu.memref_slice %arg9[%dma_wait3A, %dma_wait3A_75] : memref<10240x128xf32, #tpu.memory_space<vmem_shared>> -> memref<10240x128xf32, #tpu.memory_space<vmem_shared>>
          tpu.wait_indirect_dma semaphore(%run_scoped3A : memref<!tpu.dma_semaphore, #tpu.memory_space<semaphore_mem>>) src(%arg8 : memref<128x128xf32, #tpu.memory_space<vmem>>) dst(%dma_wait3A_76 : memref<10240x128xf32, #tpu.memory_space<vmem_shared>>)
          tpu.yield
        }) : () -> ()
      }
    } else {
    }
    %barrier3A_17 = arith.constant 0 : index
    tpu.barrier barrier_id(%barrier3A_17)
    %add3A_18 = arith.constant 0 : i32
    %add3A_19 = arith.addi %mul3A_0, %add3A_18 : i32
    "tpu.region"() ({
      %run_scoped3A = tpu.sem_alloc : memref<!tpu.dma_semaphore, #tpu.memory_space<semaphore_mem>>
      %dma_start3A = arith.constant 0 : i32
      %dma_start3A_38 = tpu.memref_slice %arg9[%add3A_19, %dma_start3A] : memref<10240x128xf32, #tpu.memory_space<vmem_shared>> -> memref<128x128xf32, #tpu.memory_space<vmem_shared>>
      %dma_start3A_39 = arith.constant 0 : i32
      %dma_start3A_40 = tpu.memref_slice %arg9[%add3A_19, %dma_start3A_39] : memref<10240x128xf32, #tpu.memory_space<vmem_shared>> -> memref<128x128xf32, #tpu.memory_space<vmem_shared>>
      tpu.enqueue_dma source(%dma_start3A_40 : memref<128x128xf32, #tpu.memory_space<vmem_shared>>) target(%arg8 : memref<128x128xf32, #tpu.memory_space<vmem>>) target_semaphore(%run_scoped3A : memref<!tpu.dma_semaphore, #tpu.memory_space<semaphore_mem>>)
      %dma_wait3A = arith.constant 0 : i32
      %dma_wait3A_41 = tpu.memref_slice %arg9[%add3A_19, %dma_wait3A] : memref<10240x128xf32, #tpu.memory_space<vmem_shared>> -> memref<128x128xf32, #tpu.memory_space<vmem_shared>>
      %dma_wait3A_42 = arith.constant 0 : i32
      %dma_wait3A_43 = tpu.memref_slice %arg9[%add3A_19, %dma_wait3A_42] : memref<10240x128xf32, #tpu.memory_space<vmem_shared>> -> memref<128x128xf32, #tpu.memory_space<vmem_shared>>
      tpu.wait_dma2 semaphore(%run_scoped3A : memref<!tpu.dma_semaphore, #tpu.memory_space<semaphore_mem>>) src(%dma_wait3A_43 : memref<128x128xf32, #tpu.memory_space<vmem_shared>>) dst(%arg8 : memref<128x128xf32, #tpu.memory_space<vmem>>)
      tpu.yield
    }) : () -> ()
    %add3A_20 = arith.constant 0 : i32
    %add3A_21 = arith.addi %mul3A_0, %add3A_20 : i32
    "tpu.region"() ({
      %run_scoped3A = tpu.sem_alloc : memref<!tpu.dma_semaphore, #tpu.memory_space<semaphore_mem>>
      %dma_start3A = arith.constant 0 : i32
      %dma_start3A_38 = tpu.memref_slice %arg6[%arg0, %add3A_21, %dma_start3A] : memref<2x10240x128xf32, #tpu.memory_space<hbm>> -> memref<1x128x128xf32, #tpu.memory_space<hbm>>
      %dma_start3A_39 = tpu.memref_squeeze %dma_start3A_38 : memref<1x128x128xf32, #tpu.memory_space<hbm>> -> memref<128x128xf32, #tpu.memory_space<hbm>>
      %dma_start3A_40 = arith.constant 0 : i32
      %dma_start3A_41 = tpu.memref_slice %arg6[%arg0, %add3A_21, %dma_start3A_40] : memref<2x10240x128xf32, #tpu.memory_space<hbm>> -> memref<1x128x128xf32, #tpu.memory_space<hbm>>
      %dma_start3A_42 = tpu.memref_squeeze %dma_start3A_41 : memref<1x128x128xf32, #tpu.memory_space<hbm>> -> memref<128x128xf32, #tpu.memory_space<hbm>>
      tpu.enqueue_dma source(%arg8 : memref<128x128xf32, #tpu.memory_space<vmem>>) target(%dma_start3A_42 : memref<128x128xf32, #tpu.memory_space<hbm>>) target_semaphore(%run_scoped3A : memref<!tpu.dma_semaphore, #tpu.memory_space<semaphore_mem>>)
      %dma_wait3A = arith.constant 0 : i32
      %dma_wait3A_43 = tpu.memref_slice %arg6[%arg0, %add3A_21, %dma_wait3A] : memref<2x10240x128xf32, #tpu.memory_space<hbm>> -> memref<1x128x128xf32, #tpu.memory_space<hbm>>
      %dma_wait3A_44 = tpu.memref_squeeze %dma_wait3A_43 : memref<1x128x128xf32, #tpu.memory_space<hbm>> -> memref<128x128xf32, #tpu.memory_space<hbm>>
      %dma_wait3A_45 = arith.constant 0 : i32
      %dma_wait3A_46 = tpu.memref_slice %arg6[%arg0, %add3A_21, %dma_wait3A_45] : memref<2x10240x128xf32, #tpu.memory_space<hbm>> -> memref<1x128x128xf32, #tpu.memory_space<hbm>>
      %dma_wait3A_47 = tpu.memref_squeeze %dma_wait3A_46 : memref<1x128x128xf32, #tpu.memory_space<hbm>> -> memref<128x128xf32, #tpu.memory_space<hbm>>
      tpu.wait_dma2 semaphore(%run_scoped3A : memref<!tpu.dma_semaphore, #tpu.memory_space<semaphore_mem>>) src(%arg8 : memref<128x128xf32, #tpu.memory_space<vmem>>) dst(%dma_wait3A_47 : memref<128x128xf32, #tpu.memory_space<hbm>>)
      tpu.yield
    }) : () -> ()
    %add3A_22 = arith.constant 128 : i32
    %add3A_23 = arith.addi %mul3A_0, %add3A_22 : i32
    "tpu.region"() ({
      %run_scoped3A = tpu.sem_alloc : memref<!tpu.dma_semaphore, #tpu.memory_space<semaphore_mem>>
      %dma_start3A = arith.constant 0 : i32
      %dma_start3A_38 = tpu.memref_slice %arg9[%add3A_23, %dma_start3A] : memref<10240x128xf32, #tpu.memory_space<vmem_shared>> -> memref<128x128xf32, #tpu.memory_space<vmem_shared>>
      %dma_start3A_39 = arith.constant 0 : i32
      %dma_start3A_40 = tpu.memref_slice %arg9[%add3A_23, %dma_start3A_39] : memref<10240x128xf32, #tpu.memory_space<vmem_shared>> -> memref<128x128xf32, #tpu.memory_space<vmem_shared>>
      tpu.enqueue_dma source(%dma_start3A_40 : memref<128x128xf32, #tpu.memory_space<vmem_shared>>) target(%arg8 : memref<128x128xf32, #tpu.memory_space<vmem>>) target_semaphore(%run_scoped3A : memref<!tpu.dma_semaphore, #tpu.memory_space<semaphore_mem>>)
      %dma_wait3A = arith.constant 0 : i32
      %dma_wait3A_41 = tpu.memref_slice %arg9[%add3A_23, %dma_wait3A] : memref<10240x128xf32, #tpu.memory_space<vmem_shared>> -> memref<128x128xf32, #tpu.memory_space<vmem_shared>>
      %dma_wait3A_42 = arith.constant 0 : i32
      %dma_wait3A_43 = tpu.memref_slice %arg9[%add3A_23, %dma_wait3A_42] : memref<10240x128xf32, #tpu.memory_space<vmem_shared>> -> memref<128x128xf32, #tpu.memory_space<vmem_shared>>
      tpu.wait_dma2 semaphore(%run_scoped3A : memref<!tpu.dma_semaphore, #tpu.memory_space<semaphore_mem>>) src(%dma_wait3A_43 : memref<128x128xf32, #tpu.memory_space<vmem_shared>>) dst(%arg8 : memref<128x128xf32, #tpu.memory_space<vmem>>)
      tpu.yield
    }) : () -> ()
    %add3A_24 = arith.constant 128 : i32
    %add3A_25 = arith.addi %mul3A_0, %add3A_24 : i32
    "tpu.region"() ({
      %run_scoped3A = tpu.sem_alloc : memref<!tpu.dma_semaphore, #tpu.memory_space<semaphore_mem>>
      %dma_start3A = arith.constant 0 : i32
      %dma_start3A_38 = tpu.memref_slice %arg6[%arg0, %add3A_25, %dma_start3A] : memref<2x10240x128xf32, #tpu.memory_space<hbm>> -> memref<1x128x128xf32, #tpu.memory_space<hbm>>
      %dma_start3A_39 = tpu.memref_squeeze %dma_start3A_38 : memref<1x128x128xf32, #tpu.memory_space<hbm>> -> memref<128x128xf32, #tpu.memory_space<hbm>>
      %dma_start3A_40 = arith.constant 0 : i32
      %dma_start3A_41 = tpu.memref_slice %arg6[%arg0, %add3A_25, %dma_start3A_40] : memref<2x10240x128xf32, #tpu.memory_space<hbm>> -> memref<1x128x128xf32, #tpu.memory_space<hbm>>
      %dma_start3A_42 = tpu.memref_squeeze %dma_start3A_41 : memref<1x128x128xf32, #tpu.memory_space<hbm>> -> memref<128x128xf32, #tpu.memory_space<hbm>>
      tpu.enqueue_dma source(%arg8 : memref<128x128xf32, #tpu.memory_space<vmem>>) target(%dma_start3A_42 : memref<128x128xf32, #tpu.memory_space<hbm>>) target_semaphore(%run_scoped3A : memref<!tpu.dma_semaphore, #tpu.memory_space<semaphore_mem>>)
      %dma_wait3A = arith.constant 0 : i32
      %dma_wait3A_43 = tpu.memref_slice %arg6[%arg0, %add3A_25, %dma_wait3A] : memref<2x10240x128xf32, #tpu.memory_space<hbm>> -> memref<1x128x128xf32, #tpu.memory_space<hbm>>
      %dma_wait3A_44 = tpu.memref_squeeze %dma_wait3A_43 : memref<1x128x128xf32, #tpu.memory_space<hbm>> -> memref<128x128xf32, #tpu.memory_space<hbm>>
      %dma_wait3A_45 = arith.constant 0 : i32
      %dma_wait3A_46 = tpu.memref_slice %arg6[%arg0, %add3A_25, %dma_wait3A_45] : memref<2x10240x128xf32, #tpu.memory_space<hbm>> -> memref<1x128x128xf32, #tpu.memory_space<hbm>>
      %dma_wait3A_47 = tpu.memref_squeeze %dma_wait3A_46 : memref<1x128x128xf32, #tpu.memory_space<hbm>> -> memref<128x128xf32, #tpu.memory_space<hbm>>
      tpu.wait_dma2 semaphore(%run_scoped3A : memref<!tpu.dma_semaphore, #tpu.memory_space<semaphore_mem>>) src(%arg8 : memref<128x128xf32, #tpu.memory_space<vmem>>) dst(%dma_wait3A_47 : memref<128x128xf32, #tpu.memory_space<hbm>>)
      tpu.yield
    }) : () -> ()
    %add3A_26 = arith.constant 256 : i32
    %add3A_27 = arith.addi %mul3A_0, %add3A_26 : i32
    "tpu.region"() ({
      %run_scoped3A = tpu.sem_alloc : memref<!tpu.dma_semaphore, #tpu.memory_space<semaphore_mem>>
      %dma_start3A = arith.constant 0 : i32
      %dma_start3A_38 = tpu.memref_slice %arg9[%add3A_27, %dma_start3A] : memref<10240x128xf32, #tpu.memory_space<vmem_shared>> -> memref<128x128xf32, #tpu.memory_space<vmem_shared>>
      %dma_start3A_39 = arith.constant 0 : i32
      %dma_start3A_40 = tpu.memref_slice %arg9[%add3A_27, %dma_start3A_39] : memref<10240x128xf32, #tpu.memory_space<vmem_shared>> -> memref<128x128xf32, #tpu.memory_space<vmem_shared>>
      tpu.enqueue_dma source(%dma_start3A_40 : memref<128x128xf32, #tpu.memory_space<vmem_shared>>) target(%arg8 : memref<128x128xf32, #tpu.memory_space<vmem>>) target_semaphore(%run_scoped3A : memref<!tpu.dma_semaphore, #tpu.memory_space<semaphore_mem>>)
      %dma_wait3A = arith.constant 0 : i32
      %dma_wait3A_41 = tpu.memref_slice %arg9[%add3A_27, %dma_wait3A] : memref<10240x128xf32, #tpu.memory_space<vmem_shared>> -> memref<128x128xf32, #tpu.memory_space<vmem_shared>>
      %dma_wait3A_42 = arith.constant 0 : i32
      %dma_wait3A_43 = tpu.memref_slice %arg9[%add3A_27, %dma_wait3A_42] : memref<10240x128xf32, #tpu.memory_space<vmem_shared>> -> memref<128x128xf32, #tpu.memory_space<vmem_shared>>
      tpu.wait_dma2 semaphore(%run_scoped3A : memref<!tpu.dma_semaphore, #tpu.memory_space<semaphore_mem>>) src(%dma_wait3A_43 : memref<128x128xf32, #tpu.memory_space<vmem_shared>>) dst(%arg8 : memref<128x128xf32, #tpu.memory_space<vmem>>)
      tpu.yield
    }) : () -> ()
    %add3A_28 = arith.constant 256 : i32
    %add3A_29 = arith.addi %mul3A_0, %add3A_28 : i32
    "tpu.region"() ({
      %run_scoped3A = tpu.sem_alloc : memref<!tpu.dma_semaphore, #tpu.memory_space<semaphore_mem>>
      %dma_start3A = arith.constant 0 : i32
      %dma_start3A_38 = tpu.memref_slice %arg6[%arg0, %add3A_29, %dma_start3A] : memref<2x10240x128xf32, #tpu.memory_space<hbm>> -> memref<1x128x128xf32, #tpu.memory_space<hbm>>
      %dma_start3A_39 = tpu.memref_squeeze %dma_start3A_38 : memref<1x128x128xf32, #tpu.memory_space<hbm>> -> memref<128x128xf32, #tpu.memory_space<hbm>>
      %dma_start3A_40 = arith.constant 0 : i32
      %dma_start3A_41 = tpu.memref_slice %arg6[%arg0, %add3A_29, %dma_start3A_40] : memref<2x10240x128xf32, #tpu.memory_space<hbm>> -> memref<1x128x128xf32, #tpu.memory_space<hbm>>
      %dma_start3A_42 = tpu.memref_squeeze %dma_start3A_41 : memref<1x128x128xf32, #tpu.memory_space<hbm>> -> memref<128x128xf32, #tpu.memory_space<hbm>>
      tpu.enqueue_dma source(%arg8 : memref<128x128xf32, #tpu.memory_space<vmem>>) target(%dma_start3A_42 : memref<128x128xf32, #tpu.memory_space<hbm>>) target_semaphore(%run_scoped3A : memref<!tpu.dma_semaphore, #tpu.memory_space<semaphore_mem>>)
      %dma_wait3A = arith.constant 0 : i32
      %dma_wait3A_43 = tpu.memref_slice %arg6[%arg0, %add3A_29, %dma_wait3A] : memref<2x10240x128xf32, #tpu.memory_space<hbm>> -> memref<1x128x128xf32, #tpu.memory_space<hbm>>
      %dma_wait3A_44 = tpu.memref_squeeze %dma_wait3A_43 : memref<1x128x128xf32, #tpu.memory_space<hbm>> -> memref<128x128xf32, #tpu.memory_space<hbm>>
      %dma_wait3A_45 = arith.constant 0 : i32
      %dma_wait3A_46 = tpu.memref_slice %arg6[%arg0, %add3A_29, %dma_wait3A_45] : memref<2x10240x128xf32, #tpu.memory_space<hbm>> -> memref<1x128x128xf32, #tpu.memory_space<hbm>>
      %dma_wait3A_47 = tpu.memref_squeeze %dma_wait3A_46 : memref<1x128x128xf32, #tpu.memory_space<hbm>> -> memref<128x128xf32, #tpu.memory_space<hbm>>
      tpu.wait_dma2 semaphore(%run_scoped3A : memref<!tpu.dma_semaphore, #tpu.memory_space<semaphore_mem>>) src(%arg8 : memref<128x128xf32, #tpu.memory_space<vmem>>) dst(%dma_wait3A_47 : memref<128x128xf32, #tpu.memory_space<hbm>>)
      tpu.yield
    }) : () -> ()
    %add3A_30 = arith.constant 384 : i32
    %add3A_31 = arith.addi %mul3A_0, %add3A_30 : i32
    "tpu.region"() ({
      %run_scoped3A = tpu.sem_alloc : memref<!tpu.dma_semaphore, #tpu.memory_space<semaphore_mem>>
      %dma_start3A = arith.constant 0 : i32
      %dma_start3A_38 = tpu.memref_slice %arg9[%add3A_31, %dma_start3A] : memref<10240x128xf32, #tpu.memory_space<vmem_shared>> -> memref<128x128xf32, #tpu.memory_space<vmem_shared>>
      %dma_start3A_39 = arith.constant 0 : i32
      %dma_start3A_40 = tpu.memref_slice %arg9[%add3A_31, %dma_start3A_39] : memref<10240x128xf32, #tpu.memory_space<vmem_shared>> -> memref<128x128xf32, #tpu.memory_space<vmem_shared>>
      tpu.enqueue_dma source(%dma_start3A_40 : memref<128x128xf32, #tpu.memory_space<vmem_shared>>) target(%arg8 : memref<128x128xf32, #tpu.memory_space<vmem>>) target_semaphore(%run_scoped3A : memref<!tpu.dma_semaphore, #tpu.memory_space<semaphore_mem>>)
      %dma_wait3A = arith.constant 0 : i32
      %dma_wait3A_41 = tpu.memref_slice %arg9[%add3A_31, %dma_wait3A] : memref<10240x128xf32, #tpu.memory_space<vmem_shared>> -> memref<128x128xf32, #tpu.memory_space<vmem_shared>>
      %dma_wait3A_42 = arith.constant 0 : i32
      %dma_wait3A_43 = tpu.memref_slice %arg9[%add3A_31, %dma_wait3A_42] : memref<10240x128xf32, #tpu.memory_space<vmem_shared>> -> memref<128x128xf32, #tpu.memory_space<vmem_shared>>
      tpu.wait_dma2 semaphore(%run_scoped3A : memref<!tpu.dma_semaphore, #tpu.memory_space<semaphore_mem>>) src(%dma_wait3A_43 : memref<128x128xf32, #tpu.memory_space<vmem_shared>>) dst(%arg8 : memref<128x128xf32, #tpu.memory_space<vmem>>)
      tpu.yield
    }) : () -> ()
    %add3A_32 = arith.constant 384 : i32
    %add3A_33 = arith.addi %mul3A_0, %add3A_32 : i32
    "tpu.region"() ({
      %run_scoped3A = tpu.sem_alloc : memref<!tpu.dma_semaphore, #tpu.memory_space<semaphore_mem>>
      %dma_start3A = arith.constant 0 : i32
      %dma_start3A_38 = tpu.memref_slice %arg6[%arg0, %add3A_33, %dma_start3A] : memref<2x10240x128xf32, #tpu.memory_space<hbm>> -> memref<1x128x128xf32, #tpu.memory_space<hbm>>
      %dma_start3A_39 = tpu.memref_squeeze %dma_start3A_38 : memref<1x128x128xf32, #tpu.memory_space<hbm>> -> memref<128x128xf32, #tpu.memory_space<hbm>>
      %dma_start3A_40 = arith.constant 0 : i32
      %dma_start3A_41 = tpu.memref_slice %arg6[%arg0, %add3A_33, %dma_start3A_40] : memref<2x10240x128xf32, #tpu.memory_space<hbm>> -> memref<1x128x128xf32, #tpu.memory_space<hbm>>
      %dma_start3A_42 = tpu.memref_squeeze %dma_start3A_41 : memref<1x128x128xf32, #tpu.memory_space<hbm>> -> memref<128x128xf32, #tpu.memory_space<hbm>>
      tpu.enqueue_dma source(%arg8 : memref<128x128xf32, #tpu.memory_space<vmem>>) target(%dma_start3A_42 : memref<128x128xf32, #tpu.memory_space<hbm>>) target_semaphore(%run_scoped3A : memref<!tpu.dma_semaphore, #tpu.memory_space<semaphore_mem>>)
      %dma_wait3A = arith.constant 0 : i32
      %dma_wait3A_43 = tpu.memref_slice %arg6[%arg0, %add3A_33, %dma_wait3A] : memref<2x10240x128xf32, #tpu.memory_space<hbm>> -> memref<1x128x128xf32, #tpu.memory_space<hbm>>
      %dma_wait3A_44 = tpu.memref_squeeze %dma_wait3A_43 : memref<1x128x128xf32, #tpu.memory_space<hbm>> -> memref<128x128xf32, #tpu.memory_space<hbm>>
      %dma_wait3A_45 = arith.constant 0 : i32
      %dma_wait3A_46 = tpu.memref_slice %arg6[%arg0, %add3A_33, %dma_wait3A_45] : memref<2x10240x128xf32, #tpu.memory_space<hbm>> -> memref<1x128x128xf32, #tpu.memory_space<hbm>>
      %dma_wait3A_47 = tpu.memref_squeeze %dma_wait3A_46 : memref<1x128x128xf32, #tpu.memory_space<hbm>> -> memref<128x128xf32, #tpu.memory_space<hbm>>
      tpu.wait_dma2 semaphore(%run_scoped3A : memref<!tpu.dma_semaphore, #tpu.memory_space<semaphore_mem>>) src(%arg8 : memref<128x128xf32, #tpu.memory_space<vmem>>) dst(%dma_wait3A_47 : memref<128x128xf32, #tpu.memory_space<hbm>>)
      tpu.yield
    }) : () -> ()
    %add3A_34 = arith.constant 512 : i32
    %add3A_35 = arith.addi %mul3A_0, %add3A_34 : i32
    "tpu.region"() ({
      %run_scoped3A = tpu.sem_alloc : memref<!tpu.dma_semaphore, #tpu.memory_space<semaphore_mem>>
      %dma_start3A = arith.constant 0 : i32
      %dma_start3A_38 = tpu.memref_slice %arg9[%add3A_35, %dma_start3A] : memref<10240x128xf32, #tpu.memory_space<vmem_shared>> -> memref<128x128xf32, #tpu.memory_space<vmem_shared>>
      %dma_start3A_39 = arith.constant 0 : i32
      %dma_start3A_40 = tpu.memref_slice %arg9[%add3A_35, %dma_start3A_39] : memref<10240x128xf32, #tpu.memory_space<vmem_shared>> -> memref<128x128xf32, #tpu.memory_space<vmem_shared>>
      tpu.enqueue_dma source(%dma_start3A_40 : memref<128x128xf32, #tpu.memory_space<vmem_shared>>) target(%arg8 : memref<128x128xf32, #tpu.memory_space<vmem>>) target_semaphore(%run_scoped3A : memref<!tpu.dma_semaphore, #tpu.memory_space<semaphore_mem>>)
      %dma_wait3A = arith.constant 0 : i32
      %dma_wait3A_41 = tpu.memref_slice %arg9[%add3A_35, %dma_wait3A] : memref<10240x128xf32, #tpu.memory_space<vmem_shared>> -> memref<128x128xf32, #tpu.memory_space<vmem_shared>>
      %dma_wait3A_42 = arith.constant 0 : i32
      %dma_wait3A_43 = tpu.memref_slice %arg9[%add3A_35, %dma_wait3A_42] : memref<10240x128xf32, #tpu.memory_space<vmem_shared>> -> memref<128x128xf32, #tpu.memory_space<vmem_shared>>
      tpu.wait_dma2 semaphore(%run_scoped3A : memref<!tpu.dma_semaphore, #tpu.memory_space<semaphore_mem>>) src(%dma_wait3A_43 : memref<128x128xf32, #tpu.memory_space<vmem_shared>>) dst(%arg8 : memref<128x128xf32, #tpu.memory_space<vmem>>)
      tpu.yield
    }) : () -> ()
    %add3A_36 = arith.constant 512 : i32
    %add3A_37 = arith.addi %mul3A_0, %add3A_36 : i32
    "tpu.region"() ({
      %run_scoped3A = tpu.sem_alloc : memref<!tpu.dma_semaphore, #tpu.memory_space<semaphore_mem>>
      %dma_start3A = arith.constant 0 : i32
      %dma_start3A_38 = tpu.memref_slice %arg6[%arg0, %add3A_37, %dma_start3A] : memref<2x10240x128xf32, #tpu.memory_space<hbm>> -> memref<1x128x128xf32, #tpu.memory_space<hbm>>
      %dma_start3A_39 = tpu.memref_squeeze %dma_start3A_38 : memref<1x128x128xf32, #tpu.memory_space<hbm>> -> memref<128x128xf32, #tpu.memory_space<hbm>>
      %dma_start3A_40 = arith.constant 0 : i32
      %dma_start3A_41 = tpu.memref_slice %arg6[%arg0, %add3A_37, %dma_start3A_40] : memref<2x10240x128xf32, #tpu.memory_space<hbm>> -> memref<1x128x128xf32, #tpu.memory_space<hbm>>
      %dma_start3A_42 = tpu.memref_squeeze %dma_start3A_41 : memref<1x128x128xf32, #tpu.memory_space<hbm>> -> memref<128x128xf32, #tpu.memory_space<hbm>>
      tpu.enqueue_dma source(%arg8 : memref<128x128xf32, #tpu.memory_space<vmem>>) target(%dma_start3A_42 : memref<128x128xf32, #tpu.memory_space<hbm>>) target_semaphore(%run_scoped3A : memref<!tpu.dma_semaphore, #tpu.memory_space<semaphore_mem>>)
      %dma_wait3A = arith.constant 0 : i32
      %dma_wait3A_43 = tpu.memref_slice %arg6[%arg0, %add3A_37, %dma_wait3A] : memref<2x10240x128xf32, #tpu.memory_space<hbm>> -> memref<1x128x128xf32, #tpu.memory_space<hbm>>
      %dma_wait3A_44 = tpu.memref_squeeze %dma_wait3A_43 : memref<1x128x128xf32, #tpu.memory_space<hbm>> -> memref<128x128xf32, #tpu.memory_space<hbm>>
      %dma_wait3A_45 = arith.constant 0 : i32
      %dma_wait3A_46 = tpu.memref_slice %arg6[%arg0, %add3A_37, %dma_wait3A_45] : memref<2x10240x128xf32, #tpu.memory_space<hbm>> -> memref<1x128x128xf32, #tpu.memory_space<hbm>>
      %dma_wait3A_47 = tpu.memref_squeeze %dma_wait3A_46 : memref<1x128x128xf32, #tpu.memory_space<hbm>> -> memref<128x128xf32, #tpu.memory_space<hbm>>
      tpu.wait_dma2 semaphore(%run_scoped3A : memref<!tpu.dma_semaphore, #tpu.memory_space<semaphore_mem>>) src(%arg8 : memref<128x128xf32, #tpu.memory_space<vmem>>) dst(%dma_wait3A_47 : memref<128x128xf32, #tpu.memory_space<hbm>>)
      tpu.yield
    }) : () -> ()
    return
  }
}

#map = affine_map<(d0, d1) -> (0, 0)>
#map1 = affine_map<(d0, d1) -> (0, 0, 0)>
module attributes {stable_mosaic.version = 14 : i64} {
  func.func @_sc_agg(%arg0: i32, %arg1: i32, %arg2: memref<10000x128xf32, #tpu.memory_space<hbm>>, %arg3: memref<1250x128xi32, #tpu.memory_space<hbm>>, %arg4: memref<1250x128xi32, #tpu.memory_space<hbm>>, %arg5: memref<128x128xf32, #tpu.memory_space<hbm>>, %arg6: memref<2x10240x128xf32, #tpu.memory_space<hbm>>, %arg7: memref<128xi32, #tpu.memory_space<vmem>>, %arg8: memref<128xi32, #tpu.memory_space<vmem>>, %arg9: memref<128x128xf32, #tpu.memory_space<vmem>>, %arg10: memref<10240x128xf32, #tpu.memory_space<vmem_shared>>, %arg11: memref<!tpu.dma_semaphore, #tpu.memory_space<semaphore_mem>>) attributes {dimension_semantics = [#tpu.dimension_semantics<core_parallel>, #tpu.dimension_semantics<subcore_parallel>], iteration_bounds = array<i64: 2, 16>, scalar_prefetch = 0 : i64, scratch_operands = 5 : i64, tpu.core_type = #tpu.core_type<sc_vector_subcore>, window_params = [{transform_indices = #map}, {transform_indices = #map}, {transform_indices = #map}, {transform_indices = #map}, {transform_indices = #map1}]} {
    %mul3A = arith.constant 640 : i32
    %mul3A_0 = arith.muli %arg1, %mul3A : i32
    "tpu.region"() ({
      %run_scoped3A = tpu.sem_alloc : memref<!tpu.dma_semaphore, #tpu.memory_space<semaphore_mem>>
      tpu.enqueue_dma source(%arg5 : memref<128x128xf32, #tpu.memory_space<hbm>>) target(%arg9 : memref<128x128xf32, #tpu.memory_space<vmem>>) target_semaphore(%run_scoped3A : memref<!tpu.dma_semaphore, #tpu.memory_space<semaphore_mem>>)
      tpu.wait_dma2 semaphore(%run_scoped3A : memref<!tpu.dma_semaphore, #tpu.memory_space<semaphore_mem>>) src(%arg5 : memref<128x128xf32, #tpu.memory_space<hbm>>) dst(%arg9 : memref<128x128xf32, #tpu.memory_space<vmem>>)
      tpu.yield
    }) : () -> ()
    %add3A = arith.constant 0 : i32
    %add3A_1 = arith.addi %mul3A_0, %add3A : i32
    "tpu.region"() ({
      %run_scoped3A = tpu.sem_alloc : memref<!tpu.dma_semaphore, #tpu.memory_space<semaphore_mem>>
      %dma_start3A = arith.constant 0 : i32
      %dma_start3A_65 = tpu.memref_slice %arg10[%add3A_1, %dma_start3A] : memref<10240x128xf32, #tpu.memory_space<vmem_shared>> -> memref<128x128xf32, #tpu.memory_space<vmem_shared>>
      %dma_start3A_66 = arith.constant 0 : i32
      %dma_start3A_67 = tpu.memref_slice %arg10[%add3A_1, %dma_start3A_66] : memref<10240x128xf32, #tpu.memory_space<vmem_shared>> -> memref<128x128xf32, #tpu.memory_space<vmem_shared>>
      tpu.enqueue_dma source(%arg9 : memref<128x128xf32, #tpu.memory_space<vmem>>) target(%dma_start3A_67 : memref<128x128xf32, #tpu.memory_space<vmem_shared>>) target_semaphore(%run_scoped3A : memref<!tpu.dma_semaphore, #tpu.memory_space<semaphore_mem>>)
      %dma_wait3A = arith.constant 0 : i32
      %dma_wait3A_68 = tpu.memref_slice %arg10[%add3A_1, %dma_wait3A] : memref<10240x128xf32, #tpu.memory_space<vmem_shared>> -> memref<128x128xf32, #tpu.memory_space<vmem_shared>>
      %dma_wait3A_69 = arith.constant 0 : i32
      %dma_wait3A_70 = tpu.memref_slice %arg10[%add3A_1, %dma_wait3A_69] : memref<10240x128xf32, #tpu.memory_space<vmem_shared>> -> memref<128x128xf32, #tpu.memory_space<vmem_shared>>
      tpu.wait_dma2 semaphore(%run_scoped3A : memref<!tpu.dma_semaphore, #tpu.memory_space<semaphore_mem>>) src(%arg9 : memref<128x128xf32, #tpu.memory_space<vmem>>) dst(%dma_wait3A_70 : memref<128x128xf32, #tpu.memory_space<vmem_shared>>)
      tpu.yield
    }) : () -> ()
    %add3A_2 = arith.constant 128 : i32
    %add3A_3 = arith.addi %mul3A_0, %add3A_2 : i32
    "tpu.region"() ({
      %run_scoped3A = tpu.sem_alloc : memref<!tpu.dma_semaphore, #tpu.memory_space<semaphore_mem>>
      %dma_start3A = arith.constant 0 : i32
      %dma_start3A_65 = tpu.memref_slice %arg10[%add3A_3, %dma_start3A] : memref<10240x128xf32, #tpu.memory_space<vmem_shared>> -> memref<128x128xf32, #tpu.memory_space<vmem_shared>>
      %dma_start3A_66 = arith.constant 0 : i32
      %dma_start3A_67 = tpu.memref_slice %arg10[%add3A_3, %dma_start3A_66] : memref<10240x128xf32, #tpu.memory_space<vmem_shared>> -> memref<128x128xf32, #tpu.memory_space<vmem_shared>>
      tpu.enqueue_dma source(%arg9 : memref<128x128xf32, #tpu.memory_space<vmem>>) target(%dma_start3A_67 : memref<128x128xf32, #tpu.memory_space<vmem_shared>>) target_semaphore(%run_scoped3A : memref<!tpu.dma_semaphore, #tpu.memory_space<semaphore_mem>>)
      %dma_wait3A = arith.constant 0 : i32
      %dma_wait3A_68 = tpu.memref_slice %arg10[%add3A_3, %dma_wait3A] : memref<10240x128xf32, #tpu.memory_space<vmem_shared>> -> memref<128x128xf32, #tpu.memory_space<vmem_shared>>
      %dma_wait3A_69 = arith.constant 0 : i32
      %dma_wait3A_70 = tpu.memref_slice %arg10[%add3A_3, %dma_wait3A_69] : memref<10240x128xf32, #tpu.memory_space<vmem_shared>> -> memref<128x128xf32, #tpu.memory_space<vmem_shared>>
      tpu.wait_dma2 semaphore(%run_scoped3A : memref<!tpu.dma_semaphore, #tpu.memory_space<semaphore_mem>>) src(%arg9 : memref<128x128xf32, #tpu.memory_space<vmem>>) dst(%dma_wait3A_70 : memref<128x128xf32, #tpu.memory_space<vmem_shared>>)
      tpu.yield
    }) : () -> ()
    %add3A_4 = arith.constant 256 : i32
    %add3A_5 = arith.addi %mul3A_0, %add3A_4 : i32
    "tpu.region"() ({
      %run_scoped3A = tpu.sem_alloc : memref<!tpu.dma_semaphore, #tpu.memory_space<semaphore_mem>>
      %dma_start3A = arith.constant 0 : i32
      %dma_start3A_65 = tpu.memref_slice %arg10[%add3A_5, %dma_start3A] : memref<10240x128xf32, #tpu.memory_space<vmem_shared>> -> memref<128x128xf32, #tpu.memory_space<vmem_shared>>
      %dma_start3A_66 = arith.constant 0 : i32
      %dma_start3A_67 = tpu.memref_slice %arg10[%add3A_5, %dma_start3A_66] : memref<10240x128xf32, #tpu.memory_space<vmem_shared>> -> memref<128x128xf32, #tpu.memory_space<vmem_shared>>
      tpu.enqueue_dma source(%arg9 : memref<128x128xf32, #tpu.memory_space<vmem>>) target(%dma_start3A_67 : memref<128x128xf32, #tpu.memory_space<vmem_shared>>) target_semaphore(%run_scoped3A : memref<!tpu.dma_semaphore, #tpu.memory_space<semaphore_mem>>)
      %dma_wait3A = arith.constant 0 : i32
      %dma_wait3A_68 = tpu.memref_slice %arg10[%add3A_5, %dma_wait3A] : memref<10240x128xf32, #tpu.memory_space<vmem_shared>> -> memref<128x128xf32, #tpu.memory_space<vmem_shared>>
      %dma_wait3A_69 = arith.constant 0 : i32
      %dma_wait3A_70 = tpu.memref_slice %arg10[%add3A_5, %dma_wait3A_69] : memref<10240x128xf32, #tpu.memory_space<vmem_shared>> -> memref<128x128xf32, #tpu.memory_space<vmem_shared>>
      tpu.wait_dma2 semaphore(%run_scoped3A : memref<!tpu.dma_semaphore, #tpu.memory_space<semaphore_mem>>) src(%arg9 : memref<128x128xf32, #tpu.memory_space<vmem>>) dst(%dma_wait3A_70 : memref<128x128xf32, #tpu.memory_space<vmem_shared>>)
      tpu.yield
    }) : () -> ()
    %add3A_6 = arith.constant 384 : i32
    %add3A_7 = arith.addi %mul3A_0, %add3A_6 : i32
    "tpu.region"() ({
      %run_scoped3A = tpu.sem_alloc : memref<!tpu.dma_semaphore, #tpu.memory_space<semaphore_mem>>
      %dma_start3A = arith.constant 0 : i32
      %dma_start3A_65 = tpu.memref_slice %arg10[%add3A_7, %dma_start3A] : memref<10240x128xf32, #tpu.memory_space<vmem_shared>> -> memref<128x128xf32, #tpu.memory_space<vmem_shared>>
      %dma_start3A_66 = arith.constant 0 : i32
      %dma_start3A_67 = tpu.memref_slice %arg10[%add3A_7, %dma_start3A_66] : memref<10240x128xf32, #tpu.memory_space<vmem_shared>> -> memref<128x128xf32, #tpu.memory_space<vmem_shared>>
      tpu.enqueue_dma source(%arg9 : memref<128x128xf32, #tpu.memory_space<vmem>>) target(%dma_start3A_67 : memref<128x128xf32, #tpu.memory_space<vmem_shared>>) target_semaphore(%run_scoped3A : memref<!tpu.dma_semaphore, #tpu.memory_space<semaphore_mem>>)
      %dma_wait3A = arith.constant 0 : i32
      %dma_wait3A_68 = tpu.memref_slice %arg10[%add3A_7, %dma_wait3A] : memref<10240x128xf32, #tpu.memory_space<vmem_shared>> -> memref<128x128xf32, #tpu.memory_space<vmem_shared>>
      %dma_wait3A_69 = arith.constant 0 : i32
      %dma_wait3A_70 = tpu.memref_slice %arg10[%add3A_7, %dma_wait3A_69] : memref<10240x128xf32, #tpu.memory_space<vmem_shared>> -> memref<128x128xf32, #tpu.memory_space<vmem_shared>>
      tpu.wait_dma2 semaphore(%run_scoped3A : memref<!tpu.dma_semaphore, #tpu.memory_space<semaphore_mem>>) src(%arg9 : memref<128x128xf32, #tpu.memory_space<vmem>>) dst(%dma_wait3A_70 : memref<128x128xf32, #tpu.memory_space<vmem_shared>>)
      tpu.yield
    }) : () -> ()
    %add3A_8 = arith.constant 512 : i32
    %add3A_9 = arith.addi %mul3A_0, %add3A_8 : i32
    "tpu.region"() ({
      %run_scoped3A = tpu.sem_alloc : memref<!tpu.dma_semaphore, #tpu.memory_space<semaphore_mem>>
      %dma_start3A = arith.constant 0 : i32
      %dma_start3A_65 = tpu.memref_slice %arg10[%add3A_9, %dma_start3A] : memref<10240x128xf32, #tpu.memory_space<vmem_shared>> -> memref<128x128xf32, #tpu.memory_space<vmem_shared>>
      %dma_start3A_66 = arith.constant 0 : i32
      %dma_start3A_67 = tpu.memref_slice %arg10[%add3A_9, %dma_start3A_66] : memref<10240x128xf32, #tpu.memory_space<vmem_shared>> -> memref<128x128xf32, #tpu.memory_space<vmem_shared>>
      tpu.enqueue_dma source(%arg9 : memref<128x128xf32, #tpu.memory_space<vmem>>) target(%dma_start3A_67 : memref<128x128xf32, #tpu.memory_space<vmem_shared>>) target_semaphore(%run_scoped3A : memref<!tpu.dma_semaphore, #tpu.memory_space<semaphore_mem>>)
      %dma_wait3A = arith.constant 0 : i32
      %dma_wait3A_68 = tpu.memref_slice %arg10[%add3A_9, %dma_wait3A] : memref<10240x128xf32, #tpu.memory_space<vmem_shared>> -> memref<128x128xf32, #tpu.memory_space<vmem_shared>>
      %dma_wait3A_69 = arith.constant 0 : i32
      %dma_wait3A_70 = tpu.memref_slice %arg10[%add3A_9, %dma_wait3A_69] : memref<10240x128xf32, #tpu.memory_space<vmem_shared>> -> memref<128x128xf32, #tpu.memory_space<vmem_shared>>
      tpu.wait_dma2 semaphore(%run_scoped3A : memref<!tpu.dma_semaphore, #tpu.memory_space<semaphore_mem>>) src(%arg9 : memref<128x128xf32, #tpu.memory_space<vmem>>) dst(%dma_wait3A_70 : memref<128x128xf32, #tpu.memory_space<vmem_shared>>)
      tpu.yield
    }) : () -> ()
    %barrier3A = arith.constant 0 : index
    tpu.barrier barrier_id(%barrier3A)
    %mul3A_10 = arith.constant 2 : i32
    %mul3A_11 = arith.muli %arg1, %mul3A_10 : i32
    %add3A_12 = arith.addi %mul3A_11, %arg0 : i32
    %sub3A = arith.constant 1250 : i32
    %sub3A_13 = arith.subi %sub3A, %add3A_12 : i32
    %add3A_14 = arith.constant 32 : i32
    %add3A_15 = arith.addi %sub3A_13, %add3A_14 : i32
    %sub3A_16 = arith.constant 1 : i32
    %sub3A_17 = arith.subi %add3A_15, %sub3A_16 : i32
    %jit3A = arith.constant 32 : i32
    %div3A = arith.divsi %sub3A_17, %jit3A : i32
    %sign3A = arith.constant 0 : i32
    %sign3A_18 = arith.cmpi sgt, %sub3A_17, %sign3A : i32
    %sign3A_19 = arith.extui %sign3A_18 : i1 to i32
    %sign3A_20 = arith.constant 0 : i32
    %sign3A_21 = arith.cmpi slt, %sub3A_17, %sign3A_20 : i32
    %sign3A_22 = arith.extui %sign3A_21 : i1 to i32
    %sign3A_23 = arith.subi %sign3A_19, %sign3A_22 : i32
    %sign3A_24 = arith.constant 0 : i32
    %sign3A_25 = arith.cmpi sgt, %jit3A, %sign3A_24 : i32
    %sign3A_26 = arith.extui %sign3A_25 : i1 to i32
    %sign3A_27 = arith.constant 0 : i32
    %sign3A_28 = arith.cmpi slt, %jit3A, %sign3A_27 : i32
    %sign3A_29 = arith.extui %sign3A_28 : i1 to i32
    %sign3A_30 = arith.subi %sign3A_26, %sign3A_29 : i32
    %ne3A = arith.cmpi ne, %sign3A_23, %sign3A_30 : i32
    %rem3A = arith.remsi %sub3A_17, %jit3A : i32
    %ne3A_31 = arith.constant 0 : i32
    %ne3A_32 = arith.cmpi ne, %rem3A, %ne3A_31 : i32
    %and3A = arith.andi %ne3A, %ne3A_32 : i1
    %sub3A_33 = arith.constant 1 : i32
    %sub3A_34 = arith.subi %div3A, %sub3A_33 : i32
    %select_n3A = arith.select %and3A, %sub3A_34, %div3A : i32
    %while3A = arith.constant 0 : i32
    %while3A_35 = arith.constant 0 : i32
    %while3A_36 = arith.subi %select_n3A, %while3A_35 : i32
    %while3A_37 = arith.addi %while3A_35, %while3A_36 : i32
    %while3A_38 = arith.constant 1 : i32
    %while3A_39 = arith.divsi %while3A_36, %while3A_38 : i32
    %while3A_40 = arith.muli %while3A_39, %while3A_38 : i32
    %while3A_41 = arith.addi %while3A_35, %while3A_40 : i32
    %while3A_42 = arith.constant 1 : i32
    scf.for %while3A_65 = %while3A_35 to %while3A_41 step %while3A_42  : i32 {
      %mul3A_66 = arith.constant 32 : i32
      %mul3A_67 = arith.muli %while3A_65, %mul3A_66 : i32
      %add3A_68 = arith.addi %mul3A_67, %add3A_12 : i32
      "tpu.region"() ({
        %run_scoped3A = tpu.sem_alloc : memref<!tpu.dma_semaphore, #tpu.memory_space<semaphore_mem>>
        %dma_start3A_73 = arith.constant 0 : i32
        %dma_start3A_74 = tpu.memref_slice %arg3[%add3A_68, %dma_start3A_73] : memref<1250x128xi32, #tpu.memory_space<hbm>> -> memref<1x128xi32, #tpu.memory_space<hbm>>
        %dma_start3A_75 = tpu.memref_squeeze %dma_start3A_74 : memref<1x128xi32, #tpu.memory_space<hbm>> -> memref<128xi32, #tpu.memory_space<hbm>>
        %dma_start3A_76 = arith.constant 0 : i32
        %dma_start3A_77 = tpu.memref_slice %arg3[%add3A_68, %dma_start3A_76] : memref<1250x128xi32, #tpu.memory_space<hbm>> -> memref<1x128xi32, #tpu.memory_space<hbm>>
        %dma_start3A_78 = tpu.memref_squeeze %dma_start3A_77 : memref<1x128xi32, #tpu.memory_space<hbm>> -> memref<128xi32, #tpu.memory_space<hbm>>
        tpu.enqueue_dma source(%dma_start3A_78 : memref<128xi32, #tpu.memory_space<hbm>>) target(%arg7 : memref<128xi32, #tpu.memory_space<vmem>>) target_semaphore(%run_scoped3A : memref<!tpu.dma_semaphore, #tpu.memory_space<semaphore_mem>>)
        %dma_wait3A_79 = arith.constant 0 : i32
        %dma_wait3A_80 = tpu.memref_slice %arg3[%add3A_68, %dma_wait3A_79] : memref<1250x128xi32, #tpu.memory_space<hbm>> -> memref<1x128xi32, #tpu.memory_space<hbm>>
        %dma_wait3A_81 = tpu.memref_squeeze %dma_wait3A_80 : memref<1x128xi32, #tpu.memory_space<hbm>> -> memref<128xi32, #tpu.memory_space<hbm>>
        %dma_wait3A_82 = arith.constant 0 : i32
        %dma_wait3A_83 = tpu.memref_slice %arg3[%add3A_68, %dma_wait3A_82] : memref<1250x128xi32, #tpu.memory_space<hbm>> -> memref<1x128xi32, #tpu.memory_space<hbm>>
        %dma_wait3A_84 = tpu.memref_squeeze %dma_wait3A_83 : memref<1x128xi32, #tpu.memory_space<hbm>> -> memref<128xi32, #tpu.memory_space<hbm>>
        tpu.wait_dma2 semaphore(%run_scoped3A : memref<!tpu.dma_semaphore, #tpu.memory_space<semaphore_mem>>) src(%dma_wait3A_84 : memref<128xi32, #tpu.memory_space<hbm>>) dst(%arg7 : memref<128xi32, #tpu.memory_space<vmem>>)
        tpu.yield
      }) : () -> ()
      "tpu.region"() ({
        %run_scoped3A = tpu.sem_alloc : memref<!tpu.dma_semaphore, #tpu.memory_space<semaphore_mem>>
        %dma_start3A_73 = arith.constant 0 : i32
        %dma_start3A_74 = tpu.memref_slice %arg4[%add3A_68, %dma_start3A_73] : memref<1250x128xi32, #tpu.memory_space<hbm>> -> memref<1x128xi32, #tpu.memory_space<hbm>>
        %dma_start3A_75 = tpu.memref_squeeze %dma_start3A_74 : memref<1x128xi32, #tpu.memory_space<hbm>> -> memref<128xi32, #tpu.memory_space<hbm>>
        %dma_start3A_76 = arith.constant 0 : i32
        %dma_start3A_77 = tpu.memref_slice %arg4[%add3A_68, %dma_start3A_76] : memref<1250x128xi32, #tpu.memory_space<hbm>> -> memref<1x128xi32, #tpu.memory_space<hbm>>
        %dma_start3A_78 = tpu.memref_squeeze %dma_start3A_77 : memref<1x128xi32, #tpu.memory_space<hbm>> -> memref<128xi32, #tpu.memory_space<hbm>>
        tpu.enqueue_dma source(%dma_start3A_78 : memref<128xi32, #tpu.memory_space<hbm>>) target(%arg8 : memref<128xi32, #tpu.memory_space<vmem>>) target_semaphore(%run_scoped3A : memref<!tpu.dma_semaphore, #tpu.memory_space<semaphore_mem>>)
        %dma_wait3A_79 = arith.constant 0 : i32
        %dma_wait3A_80 = tpu.memref_slice %arg4[%add3A_68, %dma_wait3A_79] : memref<1250x128xi32, #tpu.memory_space<hbm>> -> memref<1x128xi32, #tpu.memory_space<hbm>>
        %dma_wait3A_81 = tpu.memref_squeeze %dma_wait3A_80 : memref<1x128xi32, #tpu.memory_space<hbm>> -> memref<128xi32, #tpu.memory_space<hbm>>
        %dma_wait3A_82 = arith.constant 0 : i32
        %dma_wait3A_83 = tpu.memref_slice %arg4[%add3A_68, %dma_wait3A_82] : memref<1250x128xi32, #tpu.memory_space<hbm>> -> memref<1x128xi32, #tpu.memory_space<hbm>>
        %dma_wait3A_84 = tpu.memref_squeeze %dma_wait3A_83 : memref<1x128xi32, #tpu.memory_space<hbm>> -> memref<128xi32, #tpu.memory_space<hbm>>
        tpu.wait_dma2 semaphore(%run_scoped3A : memref<!tpu.dma_semaphore, #tpu.memory_space<semaphore_mem>>) src(%dma_wait3A_84 : memref<128xi32, #tpu.memory_space<hbm>>) dst(%arg8 : memref<128xi32, #tpu.memory_space<vmem>>)
        tpu.yield
      }) : () -> ()
      %dma_start3A = arith.constant 0 : i32
      %dma_start3A_69 = arith.constant 0 : i32
      %dma_start3A_70 = tpu.memref_slice %arg2[%dma_start3A, %dma_start3A_69] : memref<10000x128xf32, #tpu.memory_space<hbm>> -> memref<10000x128xf32, #tpu.memory_space<hbm>>
      tpu.enqueue_indirect_dma source(%dma_start3A_70 : memref<10000x128xf32, #tpu.memory_space<hbm>>) target(%arg9 : memref<128x128xf32, #tpu.memory_space<vmem>>) offsets(%arg7 : memref<128xi32, #tpu.memory_space<vmem>>) semaphore(%arg11 : memref<!tpu.dma_semaphore, #tpu.memory_space<semaphore_mem>>)
      %dma_wait3A = arith.constant 0 : i32
      %dma_wait3A_71 = arith.constant 0 : i32
      %dma_wait3A_72 = tpu.memref_slice %arg2[%dma_wait3A, %dma_wait3A_71] : memref<10000x128xf32, #tpu.memory_space<hbm>> -> memref<10000x128xf32, #tpu.memory_space<hbm>>
      tpu.wait_indirect_dma semaphore(%arg11 : memref<!tpu.dma_semaphore, #tpu.memory_space<semaphore_mem>>) src(%dma_wait3A_72 : memref<10000x128xf32, #tpu.memory_space<hbm>>) dst(%arg9 : memref<128x128xf32, #tpu.memory_space<vmem>>)
      "tpu.region"() ({
        %run_scoped3A = tpu.sem_alloc : memref<!tpu.dma_semaphore, #tpu.memory_space<semaphore_mem>>
        %dma_start3A_73 = arith.constant 0 : i32
        %dma_start3A_74 = arith.constant 0 : i32
        %dma_start3A_75 = tpu.memref_slice %arg10[%dma_start3A_73, %dma_start3A_74] : memref<10240x128xf32, #tpu.memory_space<vmem_shared>> -> memref<10240x128xf32, #tpu.memory_space<vmem_shared>>
        tpu.enqueue_indirect_dma source(%arg9 : memref<128x128xf32, #tpu.memory_space<vmem>>) target(%dma_start3A_75 : memref<10240x128xf32, #tpu.memory_space<vmem_shared>>) offsets(%arg8 : memref<128xi32, #tpu.memory_space<vmem>>) semaphore(%run_scoped3A : memref<!tpu.dma_semaphore, #tpu.memory_space<semaphore_mem>>) {add = true}
        %dma_wait3A_76 = arith.constant 0 : i32
        %dma_wait3A_77 = arith.constant 0 : i32
        %dma_wait3A_78 = tpu.memref_slice %arg10[%dma_wait3A_76, %dma_wait3A_77] : memref<10240x128xf32, #tpu.memory_space<vmem_shared>> -> memref<10240x128xf32, #tpu.memory_space<vmem_shared>>
        tpu.wait_indirect_dma semaphore(%run_scoped3A : memref<!tpu.dma_semaphore, #tpu.memory_space<semaphore_mem>>) src(%arg9 : memref<128x128xf32, #tpu.memory_space<vmem>>) dst(%dma_wait3A_78 : memref<10240x128xf32, #tpu.memory_space<vmem_shared>>)
        tpu.yield
      }) : () -> ()
    }
    %while3A_43 = arith.constant 1 : i32
    scf.for %while3A_65 = %while3A_41 to %while3A_37 step %while3A_43  : i32 {
      %mul3A_66 = arith.constant 32 : i32
      %mul3A_67 = arith.muli %while3A_65, %mul3A_66 : i32
      %add3A_68 = arith.addi %mul3A_67, %add3A_12 : i32
      "tpu.region"() ({
        %run_scoped3A = tpu.sem_alloc : memref<!tpu.dma_semaphore, #tpu.memory_space<semaphore_mem>>
        %dma_start3A_73 = arith.constant 0 : i32
        %dma_start3A_74 = tpu.memref_slice %arg3[%add3A_68, %dma_start3A_73] : memref<1250x128xi32, #tpu.memory_space<hbm>> -> memref<1x128xi32, #tpu.memory_space<hbm>>
        %dma_start3A_75 = tpu.memref_squeeze %dma_start3A_74 : memref<1x128xi32, #tpu.memory_space<hbm>> -> memref<128xi32, #tpu.memory_space<hbm>>
        %dma_start3A_76 = arith.constant 0 : i32
        %dma_start3A_77 = tpu.memref_slice %arg3[%add3A_68, %dma_start3A_76] : memref<1250x128xi32, #tpu.memory_space<hbm>> -> memref<1x128xi32, #tpu.memory_space<hbm>>
        %dma_start3A_78 = tpu.memref_squeeze %dma_start3A_77 : memref<1x128xi32, #tpu.memory_space<hbm>> -> memref<128xi32, #tpu.memory_space<hbm>>
        tpu.enqueue_dma source(%dma_start3A_78 : memref<128xi32, #tpu.memory_space<hbm>>) target(%arg7 : memref<128xi32, #tpu.memory_space<vmem>>) target_semaphore(%run_scoped3A : memref<!tpu.dma_semaphore, #tpu.memory_space<semaphore_mem>>)
        %dma_wait3A_79 = arith.constant 0 : i32
        %dma_wait3A_80 = tpu.memref_slice %arg3[%add3A_68, %dma_wait3A_79] : memref<1250x128xi32, #tpu.memory_space<hbm>> -> memref<1x128xi32, #tpu.memory_space<hbm>>
        %dma_wait3A_81 = tpu.memref_squeeze %dma_wait3A_80 : memref<1x128xi32, #tpu.memory_space<hbm>> -> memref<128xi32, #tpu.memory_space<hbm>>
        %dma_wait3A_82 = arith.constant 0 : i32
        %dma_wait3A_83 = tpu.memref_slice %arg3[%add3A_68, %dma_wait3A_82] : memref<1250x128xi32, #tpu.memory_space<hbm>> -> memref<1x128xi32, #tpu.memory_space<hbm>>
        %dma_wait3A_84 = tpu.memref_squeeze %dma_wait3A_83 : memref<1x128xi32, #tpu.memory_space<hbm>> -> memref<128xi32, #tpu.memory_space<hbm>>
        tpu.wait_dma2 semaphore(%run_scoped3A : memref<!tpu.dma_semaphore, #tpu.memory_space<semaphore_mem>>) src(%dma_wait3A_84 : memref<128xi32, #tpu.memory_space<hbm>>) dst(%arg7 : memref<128xi32, #tpu.memory_space<vmem>>)
        tpu.yield
      }) : () -> ()
      "tpu.region"() ({
        %run_scoped3A = tpu.sem_alloc : memref<!tpu.dma_semaphore, #tpu.memory_space<semaphore_mem>>
        %dma_start3A_73 = arith.constant 0 : i32
        %dma_start3A_74 = tpu.memref_slice %arg4[%add3A_68, %dma_start3A_73] : memref<1250x128xi32, #tpu.memory_space<hbm>> -> memref<1x128xi32, #tpu.memory_space<hbm>>
        %dma_start3A_75 = tpu.memref_squeeze %dma_start3A_74 : memref<1x128xi32, #tpu.memory_space<hbm>> -> memref<128xi32, #tpu.memory_space<hbm>>
        %dma_start3A_76 = arith.constant 0 : i32
        %dma_start3A_77 = tpu.memref_slice %arg4[%add3A_68, %dma_start3A_76] : memref<1250x128xi32, #tpu.memory_space<hbm>> -> memref<1x128xi32, #tpu.memory_space<hbm>>
        %dma_start3A_78 = tpu.memref_squeeze %dma_start3A_77 : memref<1x128xi32, #tpu.memory_space<hbm>> -> memref<128xi32, #tpu.memory_space<hbm>>
        tpu.enqueue_dma source(%dma_start3A_78 : memref<128xi32, #tpu.memory_space<hbm>>) target(%arg8 : memref<128xi32, #tpu.memory_space<vmem>>) target_semaphore(%run_scoped3A : memref<!tpu.dma_semaphore, #tpu.memory_space<semaphore_mem>>)
        %dma_wait3A_79 = arith.constant 0 : i32
        %dma_wait3A_80 = tpu.memref_slice %arg4[%add3A_68, %dma_wait3A_79] : memref<1250x128xi32, #tpu.memory_space<hbm>> -> memref<1x128xi32, #tpu.memory_space<hbm>>
        %dma_wait3A_81 = tpu.memref_squeeze %dma_wait3A_80 : memref<1x128xi32, #tpu.memory_space<hbm>> -> memref<128xi32, #tpu.memory_space<hbm>>
        %dma_wait3A_82 = arith.constant 0 : i32
        %dma_wait3A_83 = tpu.memref_slice %arg4[%add3A_68, %dma_wait3A_82] : memref<1250x128xi32, #tpu.memory_space<hbm>> -> memref<1x128xi32, #tpu.memory_space<hbm>>
        %dma_wait3A_84 = tpu.memref_squeeze %dma_wait3A_83 : memref<1x128xi32, #tpu.memory_space<hbm>> -> memref<128xi32, #tpu.memory_space<hbm>>
        tpu.wait_dma2 semaphore(%run_scoped3A : memref<!tpu.dma_semaphore, #tpu.memory_space<semaphore_mem>>) src(%dma_wait3A_84 : memref<128xi32, #tpu.memory_space<hbm>>) dst(%arg8 : memref<128xi32, #tpu.memory_space<vmem>>)
        tpu.yield
      }) : () -> ()
      %dma_start3A = arith.constant 0 : i32
      %dma_start3A_69 = arith.constant 0 : i32
      %dma_start3A_70 = tpu.memref_slice %arg2[%dma_start3A, %dma_start3A_69] : memref<10000x128xf32, #tpu.memory_space<hbm>> -> memref<10000x128xf32, #tpu.memory_space<hbm>>
      tpu.enqueue_indirect_dma source(%dma_start3A_70 : memref<10000x128xf32, #tpu.memory_space<hbm>>) target(%arg9 : memref<128x128xf32, #tpu.memory_space<vmem>>) offsets(%arg7 : memref<128xi32, #tpu.memory_space<vmem>>) semaphore(%arg11 : memref<!tpu.dma_semaphore, #tpu.memory_space<semaphore_mem>>)
      %dma_wait3A = arith.constant 0 : i32
      %dma_wait3A_71 = arith.constant 0 : i32
      %dma_wait3A_72 = tpu.memref_slice %arg2[%dma_wait3A, %dma_wait3A_71] : memref<10000x128xf32, #tpu.memory_space<hbm>> -> memref<10000x128xf32, #tpu.memory_space<hbm>>
      tpu.wait_indirect_dma semaphore(%arg11 : memref<!tpu.dma_semaphore, #tpu.memory_space<semaphore_mem>>) src(%dma_wait3A_72 : memref<10000x128xf32, #tpu.memory_space<hbm>>) dst(%arg9 : memref<128x128xf32, #tpu.memory_space<vmem>>)
      "tpu.region"() ({
        %run_scoped3A = tpu.sem_alloc : memref<!tpu.dma_semaphore, #tpu.memory_space<semaphore_mem>>
        %dma_start3A_73 = arith.constant 0 : i32
        %dma_start3A_74 = arith.constant 0 : i32
        %dma_start3A_75 = tpu.memref_slice %arg10[%dma_start3A_73, %dma_start3A_74] : memref<10240x128xf32, #tpu.memory_space<vmem_shared>> -> memref<10240x128xf32, #tpu.memory_space<vmem_shared>>
        tpu.enqueue_indirect_dma source(%arg9 : memref<128x128xf32, #tpu.memory_space<vmem>>) target(%dma_start3A_75 : memref<10240x128xf32, #tpu.memory_space<vmem_shared>>) offsets(%arg8 : memref<128xi32, #tpu.memory_space<vmem>>) semaphore(%run_scoped3A : memref<!tpu.dma_semaphore, #tpu.memory_space<semaphore_mem>>) {add = true}
        %dma_wait3A_76 = arith.constant 0 : i32
        %dma_wait3A_77 = arith.constant 0 : i32
        %dma_wait3A_78 = tpu.memref_slice %arg10[%dma_wait3A_76, %dma_wait3A_77] : memref<10240x128xf32, #tpu.memory_space<vmem_shared>> -> memref<10240x128xf32, #tpu.memory_space<vmem_shared>>
        tpu.wait_indirect_dma semaphore(%run_scoped3A : memref<!tpu.dma_semaphore, #tpu.memory_space<semaphore_mem>>) src(%arg9 : memref<128x128xf32, #tpu.memory_space<vmem>>) dst(%dma_wait3A_78 : memref<10240x128xf32, #tpu.memory_space<vmem_shared>>)
        tpu.yield
      }) : () -> ()
    }
    %barrier3A_44 = arith.constant 0 : index
    tpu.barrier barrier_id(%barrier3A_44)
    %add3A_45 = arith.constant 0 : i32
    %add3A_46 = arith.addi %mul3A_0, %add3A_45 : i32
    "tpu.region"() ({
      %run_scoped3A = tpu.sem_alloc : memref<!tpu.dma_semaphore, #tpu.memory_space<semaphore_mem>>
      %dma_start3A = arith.constant 0 : i32
      %dma_start3A_65 = tpu.memref_slice %arg10[%add3A_46, %dma_start3A] : memref<10240x128xf32, #tpu.memory_space<vmem_shared>> -> memref<128x128xf32, #tpu.memory_space<vmem_shared>>
      %dma_start3A_66 = arith.constant 0 : i32
      %dma_start3A_67 = tpu.memref_slice %arg10[%add3A_46, %dma_start3A_66] : memref<10240x128xf32, #tpu.memory_space<vmem_shared>> -> memref<128x128xf32, #tpu.memory_space<vmem_shared>>
      tpu.enqueue_dma source(%dma_start3A_67 : memref<128x128xf32, #tpu.memory_space<vmem_shared>>) target(%arg9 : memref<128x128xf32, #tpu.memory_space<vmem>>) target_semaphore(%run_scoped3A : memref<!tpu.dma_semaphore, #tpu.memory_space<semaphore_mem>>)
      %dma_wait3A = arith.constant 0 : i32
      %dma_wait3A_68 = tpu.memref_slice %arg10[%add3A_46, %dma_wait3A] : memref<10240x128xf32, #tpu.memory_space<vmem_shared>> -> memref<128x128xf32, #tpu.memory_space<vmem_shared>>
      %dma_wait3A_69 = arith.constant 0 : i32
      %dma_wait3A_70 = tpu.memref_slice %arg10[%add3A_46, %dma_wait3A_69] : memref<10240x128xf32, #tpu.memory_space<vmem_shared>> -> memref<128x128xf32, #tpu.memory_space<vmem_shared>>
      tpu.wait_dma2 semaphore(%run_scoped3A : memref<!tpu.dma_semaphore, #tpu.memory_space<semaphore_mem>>) src(%dma_wait3A_70 : memref<128x128xf32, #tpu.memory_space<vmem_shared>>) dst(%arg9 : memref<128x128xf32, #tpu.memory_space<vmem>>)
      tpu.yield
    }) : () -> ()
    %add3A_47 = arith.constant 0 : i32
    %add3A_48 = arith.addi %mul3A_0, %add3A_47 : i32
    "tpu.region"() ({
      %run_scoped3A = tpu.sem_alloc : memref<!tpu.dma_semaphore, #tpu.memory_space<semaphore_mem>>
      %dma_start3A = arith.constant 0 : i32
      %dma_start3A_65 = tpu.memref_slice %arg6[%arg0, %add3A_48, %dma_start3A] : memref<2x10240x128xf32, #tpu.memory_space<hbm>> -> memref<1x128x128xf32, #tpu.memory_space<hbm>>
      %dma_start3A_66 = tpu.memref_squeeze %dma_start3A_65 : memref<1x128x128xf32, #tpu.memory_space<hbm>> -> memref<128x128xf32, #tpu.memory_space<hbm>>
      %dma_start3A_67 = arith.constant 0 : i32
      %dma_start3A_68 = tpu.memref_slice %arg6[%arg0, %add3A_48, %dma_start3A_67] : memref<2x10240x128xf32, #tpu.memory_space<hbm>> -> memref<1x128x128xf32, #tpu.memory_space<hbm>>
      %dma_start3A_69 = tpu.memref_squeeze %dma_start3A_68 : memref<1x128x128xf32, #tpu.memory_space<hbm>> -> memref<128x128xf32, #tpu.memory_space<hbm>>
      tpu.enqueue_dma source(%arg9 : memref<128x128xf32, #tpu.memory_space<vmem>>) target(%dma_start3A_69 : memref<128x128xf32, #tpu.memory_space<hbm>>) target_semaphore(%run_scoped3A : memref<!tpu.dma_semaphore, #tpu.memory_space<semaphore_mem>>)
      %dma_wait3A = arith.constant 0 : i32
      %dma_wait3A_70 = tpu.memref_slice %arg6[%arg0, %add3A_48, %dma_wait3A] : memref<2x10240x128xf32, #tpu.memory_space<hbm>> -> memref<1x128x128xf32, #tpu.memory_space<hbm>>
      %dma_wait3A_71 = tpu.memref_squeeze %dma_wait3A_70 : memref<1x128x128xf32, #tpu.memory_space<hbm>> -> memref<128x128xf32, #tpu.memory_space<hbm>>
      %dma_wait3A_72 = arith.constant 0 : i32
      %dma_wait3A_73 = tpu.memref_slice %arg6[%arg0, %add3A_48, %dma_wait3A_72] : memref<2x10240x128xf32, #tpu.memory_space<hbm>> -> memref<1x128x128xf32, #tpu.memory_space<hbm>>
      %dma_wait3A_74 = tpu.memref_squeeze %dma_wait3A_73 : memref<1x128x128xf32, #tpu.memory_space<hbm>> -> memref<128x128xf32, #tpu.memory_space<hbm>>
      tpu.wait_dma2 semaphore(%run_scoped3A : memref<!tpu.dma_semaphore, #tpu.memory_space<semaphore_mem>>) src(%arg9 : memref<128x128xf32, #tpu.memory_space<vmem>>) dst(%dma_wait3A_74 : memref<128x128xf32, #tpu.memory_space<hbm>>)
      tpu.yield
    }) : () -> ()
    %add3A_49 = arith.constant 128 : i32
    %add3A_50 = arith.addi %mul3A_0, %add3A_49 : i32
    "tpu.region"() ({
      %run_scoped3A = tpu.sem_alloc : memref<!tpu.dma_semaphore, #tpu.memory_space<semaphore_mem>>
      %dma_start3A = arith.constant 0 : i32
      %dma_start3A_65 = tpu.memref_slice %arg10[%add3A_50, %dma_start3A] : memref<10240x128xf32, #tpu.memory_space<vmem_shared>> -> memref<128x128xf32, #tpu.memory_space<vmem_shared>>
      %dma_start3A_66 = arith.constant 0 : i32
      %dma_start3A_67 = tpu.memref_slice %arg10[%add3A_50, %dma_start3A_66] : memref<10240x128xf32, #tpu.memory_space<vmem_shared>> -> memref<128x128xf32, #tpu.memory_space<vmem_shared>>
      tpu.enqueue_dma source(%dma_start3A_67 : memref<128x128xf32, #tpu.memory_space<vmem_shared>>) target(%arg9 : memref<128x128xf32, #tpu.memory_space<vmem>>) target_semaphore(%run_scoped3A : memref<!tpu.dma_semaphore, #tpu.memory_space<semaphore_mem>>)
      %dma_wait3A = arith.constant 0 : i32
      %dma_wait3A_68 = tpu.memref_slice %arg10[%add3A_50, %dma_wait3A] : memref<10240x128xf32, #tpu.memory_space<vmem_shared>> -> memref<128x128xf32, #tpu.memory_space<vmem_shared>>
      %dma_wait3A_69 = arith.constant 0 : i32
      %dma_wait3A_70 = tpu.memref_slice %arg10[%add3A_50, %dma_wait3A_69] : memref<10240x128xf32, #tpu.memory_space<vmem_shared>> -> memref<128x128xf32, #tpu.memory_space<vmem_shared>>
      tpu.wait_dma2 semaphore(%run_scoped3A : memref<!tpu.dma_semaphore, #tpu.memory_space<semaphore_mem>>) src(%dma_wait3A_70 : memref<128x128xf32, #tpu.memory_space<vmem_shared>>) dst(%arg9 : memref<128x128xf32, #tpu.memory_space<vmem>>)
      tpu.yield
    }) : () -> ()
    %add3A_51 = arith.constant 128 : i32
    %add3A_52 = arith.addi %mul3A_0, %add3A_51 : i32
    "tpu.region"() ({
      %run_scoped3A = tpu.sem_alloc : memref<!tpu.dma_semaphore, #tpu.memory_space<semaphore_mem>>
      %dma_start3A = arith.constant 0 : i32
      %dma_start3A_65 = tpu.memref_slice %arg6[%arg0, %add3A_52, %dma_start3A] : memref<2x10240x128xf32, #tpu.memory_space<hbm>> -> memref<1x128x128xf32, #tpu.memory_space<hbm>>
      %dma_start3A_66 = tpu.memref_squeeze %dma_start3A_65 : memref<1x128x128xf32, #tpu.memory_space<hbm>> -> memref<128x128xf32, #tpu.memory_space<hbm>>
      %dma_start3A_67 = arith.constant 0 : i32
      %dma_start3A_68 = tpu.memref_slice %arg6[%arg0, %add3A_52, %dma_start3A_67] : memref<2x10240x128xf32, #tpu.memory_space<hbm>> -> memref<1x128x128xf32, #tpu.memory_space<hbm>>
      %dma_start3A_69 = tpu.memref_squeeze %dma_start3A_68 : memref<1x128x128xf32, #tpu.memory_space<hbm>> -> memref<128x128xf32, #tpu.memory_space<hbm>>
      tpu.enqueue_dma source(%arg9 : memref<128x128xf32, #tpu.memory_space<vmem>>) target(%dma_start3A_69 : memref<128x128xf32, #tpu.memory_space<hbm>>) target_semaphore(%run_scoped3A : memref<!tpu.dma_semaphore, #tpu.memory_space<semaphore_mem>>)
      %dma_wait3A = arith.constant 0 : i32
      %dma_wait3A_70 = tpu.memref_slice %arg6[%arg0, %add3A_52, %dma_wait3A] : memref<2x10240x128xf32, #tpu.memory_space<hbm>> -> memref<1x128x128xf32, #tpu.memory_space<hbm>>
      %dma_wait3A_71 = tpu.memref_squeeze %dma_wait3A_70 : memref<1x128x128xf32, #tpu.memory_space<hbm>> -> memref<128x128xf32, #tpu.memory_space<hbm>>
      %dma_wait3A_72 = arith.constant 0 : i32
      %dma_wait3A_73 = tpu.memref_slice %arg6[%arg0, %add3A_52, %dma_wait3A_72] : memref<2x10240x128xf32, #tpu.memory_space<hbm>> -> memref<1x128x128xf32, #tpu.memory_space<hbm>>
      %dma_wait3A_74 = tpu.memref_squeeze %dma_wait3A_73 : memref<1x128x128xf32, #tpu.memory_space<hbm>> -> memref<128x128xf32, #tpu.memory_space<hbm>>
      tpu.wait_dma2 semaphore(%run_scoped3A : memref<!tpu.dma_semaphore, #tpu.memory_space<semaphore_mem>>) src(%arg9 : memref<128x128xf32, #tpu.memory_space<vmem>>) dst(%dma_wait3A_74 : memref<128x128xf32, #tpu.memory_space<hbm>>)
      tpu.yield
    }) : () -> ()
    %add3A_53 = arith.constant 256 : i32
    %add3A_54 = arith.addi %mul3A_0, %add3A_53 : i32
    "tpu.region"() ({
      %run_scoped3A = tpu.sem_alloc : memref<!tpu.dma_semaphore, #tpu.memory_space<semaphore_mem>>
      %dma_start3A = arith.constant 0 : i32
      %dma_start3A_65 = tpu.memref_slice %arg10[%add3A_54, %dma_start3A] : memref<10240x128xf32, #tpu.memory_space<vmem_shared>> -> memref<128x128xf32, #tpu.memory_space<vmem_shared>>
      %dma_start3A_66 = arith.constant 0 : i32
      %dma_start3A_67 = tpu.memref_slice %arg10[%add3A_54, %dma_start3A_66] : memref<10240x128xf32, #tpu.memory_space<vmem_shared>> -> memref<128x128xf32, #tpu.memory_space<vmem_shared>>
      tpu.enqueue_dma source(%dma_start3A_67 : memref<128x128xf32, #tpu.memory_space<vmem_shared>>) target(%arg9 : memref<128x128xf32, #tpu.memory_space<vmem>>) target_semaphore(%run_scoped3A : memref<!tpu.dma_semaphore, #tpu.memory_space<semaphore_mem>>)
      %dma_wait3A = arith.constant 0 : i32
      %dma_wait3A_68 = tpu.memref_slice %arg10[%add3A_54, %dma_wait3A] : memref<10240x128xf32, #tpu.memory_space<vmem_shared>> -> memref<128x128xf32, #tpu.memory_space<vmem_shared>>
      %dma_wait3A_69 = arith.constant 0 : i32
      %dma_wait3A_70 = tpu.memref_slice %arg10[%add3A_54, %dma_wait3A_69] : memref<10240x128xf32, #tpu.memory_space<vmem_shared>> -> memref<128x128xf32, #tpu.memory_space<vmem_shared>>
      tpu.wait_dma2 semaphore(%run_scoped3A : memref<!tpu.dma_semaphore, #tpu.memory_space<semaphore_mem>>) src(%dma_wait3A_70 : memref<128x128xf32, #tpu.memory_space<vmem_shared>>) dst(%arg9 : memref<128x128xf32, #tpu.memory_space<vmem>>)
      tpu.yield
    }) : () -> ()
    %add3A_55 = arith.constant 256 : i32
    %add3A_56 = arith.addi %mul3A_0, %add3A_55 : i32
    "tpu.region"() ({
      %run_scoped3A = tpu.sem_alloc : memref<!tpu.dma_semaphore, #tpu.memory_space<semaphore_mem>>
      %dma_start3A = arith.constant 0 : i32
      %dma_start3A_65 = tpu.memref_slice %arg6[%arg0, %add3A_56, %dma_start3A] : memref<2x10240x128xf32, #tpu.memory_space<hbm>> -> memref<1x128x128xf32, #tpu.memory_space<hbm>>
      %dma_start3A_66 = tpu.memref_squeeze %dma_start3A_65 : memref<1x128x128xf32, #tpu.memory_space<hbm>> -> memref<128x128xf32, #tpu.memory_space<hbm>>
      %dma_start3A_67 = arith.constant 0 : i32
      %dma_start3A_68 = tpu.memref_slice %arg6[%arg0, %add3A_56, %dma_start3A_67] : memref<2x10240x128xf32, #tpu.memory_space<hbm>> -> memref<1x128x128xf32, #tpu.memory_space<hbm>>
      %dma_start3A_69 = tpu.memref_squeeze %dma_start3A_68 : memref<1x128x128xf32, #tpu.memory_space<hbm>> -> memref<128x128xf32, #tpu.memory_space<hbm>>
      tpu.enqueue_dma source(%arg9 : memref<128x128xf32, #tpu.memory_space<vmem>>) target(%dma_start3A_69 : memref<128x128xf32, #tpu.memory_space<hbm>>) target_semaphore(%run_scoped3A : memref<!tpu.dma_semaphore, #tpu.memory_space<semaphore_mem>>)
      %dma_wait3A = arith.constant 0 : i32
      %dma_wait3A_70 = tpu.memref_slice %arg6[%arg0, %add3A_56, %dma_wait3A] : memref<2x10240x128xf32, #tpu.memory_space<hbm>> -> memref<1x128x128xf32, #tpu.memory_space<hbm>>
      %dma_wait3A_71 = tpu.memref_squeeze %dma_wait3A_70 : memref<1x128x128xf32, #tpu.memory_space<hbm>> -> memref<128x128xf32, #tpu.memory_space<hbm>>
      %dma_wait3A_72 = arith.constant 0 : i32
      %dma_wait3A_73 = tpu.memref_slice %arg6[%arg0, %add3A_56, %dma_wait3A_72] : memref<2x10240x128xf32, #tpu.memory_space<hbm>> -> memref<1x128x128xf32, #tpu.memory_space<hbm>>
      %dma_wait3A_74 = tpu.memref_squeeze %dma_wait3A_73 : memref<1x128x128xf32, #tpu.memory_space<hbm>> -> memref<128x128xf32, #tpu.memory_space<hbm>>
      tpu.wait_dma2 semaphore(%run_scoped3A : memref<!tpu.dma_semaphore, #tpu.memory_space<semaphore_mem>>) src(%arg9 : memref<128x128xf32, #tpu.memory_space<vmem>>) dst(%dma_wait3A_74 : memref<128x128xf32, #tpu.memory_space<hbm>>)
      tpu.yield
    }) : () -> ()
    %add3A_57 = arith.constant 384 : i32
    %add3A_58 = arith.addi %mul3A_0, %add3A_57 : i32
    "tpu.region"() ({
      %run_scoped3A = tpu.sem_alloc : memref<!tpu.dma_semaphore, #tpu.memory_space<semaphore_mem>>
      %dma_start3A = arith.constant 0 : i32
      %dma_start3A_65 = tpu.memref_slice %arg10[%add3A_58, %dma_start3A] : memref<10240x128xf32, #tpu.memory_space<vmem_shared>> -> memref<128x128xf32, #tpu.memory_space<vmem_shared>>
      %dma_start3A_66 = arith.constant 0 : i32
      %dma_start3A_67 = tpu.memref_slice %arg10[%add3A_58, %dma_start3A_66] : memref<10240x128xf32, #tpu.memory_space<vmem_shared>> -> memref<128x128xf32, #tpu.memory_space<vmem_shared>>
      tpu.enqueue_dma source(%dma_start3A_67 : memref<128x128xf32, #tpu.memory_space<vmem_shared>>) target(%arg9 : memref<128x128xf32, #tpu.memory_space<vmem>>) target_semaphore(%run_scoped3A : memref<!tpu.dma_semaphore, #tpu.memory_space<semaphore_mem>>)
      %dma_wait3A = arith.constant 0 : i32
      %dma_wait3A_68 = tpu.memref_slice %arg10[%add3A_58, %dma_wait3A] : memref<10240x128xf32, #tpu.memory_space<vmem_shared>> -> memref<128x128xf32, #tpu.memory_space<vmem_shared>>
      %dma_wait3A_69 = arith.constant 0 : i32
      %dma_wait3A_70 = tpu.memref_slice %arg10[%add3A_58, %dma_wait3A_69] : memref<10240x128xf32, #tpu.memory_space<vmem_shared>> -> memref<128x128xf32, #tpu.memory_space<vmem_shared>>
      tpu.wait_dma2 semaphore(%run_scoped3A : memref<!tpu.dma_semaphore, #tpu.memory_space<semaphore_mem>>) src(%dma_wait3A_70 : memref<128x128xf32, #tpu.memory_space<vmem_shared>>) dst(%arg9 : memref<128x128xf32, #tpu.memory_space<vmem>>)
      tpu.yield
    }) : () -> ()
    %add3A_59 = arith.constant 384 : i32
    %add3A_60 = arith.addi %mul3A_0, %add3A_59 : i32
    "tpu.region"() ({
      %run_scoped3A = tpu.sem_alloc : memref<!tpu.dma_semaphore, #tpu.memory_space<semaphore_mem>>
      %dma_start3A = arith.constant 0 : i32
      %dma_start3A_65 = tpu.memref_slice %arg6[%arg0, %add3A_60, %dma_start3A] : memref<2x10240x128xf32, #tpu.memory_space<hbm>> -> memref<1x128x128xf32, #tpu.memory_space<hbm>>
      %dma_start3A_66 = tpu.memref_squeeze %dma_start3A_65 : memref<1x128x128xf32, #tpu.memory_space<hbm>> -> memref<128x128xf32, #tpu.memory_space<hbm>>
      %dma_start3A_67 = arith.constant 0 : i32
      %dma_start3A_68 = tpu.memref_slice %arg6[%arg0, %add3A_60, %dma_start3A_67] : memref<2x10240x128xf32, #tpu.memory_space<hbm>> -> memref<1x128x128xf32, #tpu.memory_space<hbm>>
      %dma_start3A_69 = tpu.memref_squeeze %dma_start3A_68 : memref<1x128x128xf32, #tpu.memory_space<hbm>> -> memref<128x128xf32, #tpu.memory_space<hbm>>
      tpu.enqueue_dma source(%arg9 : memref<128x128xf32, #tpu.memory_space<vmem>>) target(%dma_start3A_69 : memref<128x128xf32, #tpu.memory_space<hbm>>) target_semaphore(%run_scoped3A : memref<!tpu.dma_semaphore, #tpu.memory_space<semaphore_mem>>)
      %dma_wait3A = arith.constant 0 : i32
      %dma_wait3A_70 = tpu.memref_slice %arg6[%arg0, %add3A_60, %dma_wait3A] : memref<2x10240x128xf32, #tpu.memory_space<hbm>> -> memref<1x128x128xf32, #tpu.memory_space<hbm>>
      %dma_wait3A_71 = tpu.memref_squeeze %dma_wait3A_70 : memref<1x128x128xf32, #tpu.memory_space<hbm>> -> memref<128x128xf32, #tpu.memory_space<hbm>>
      %dma_wait3A_72 = arith.constant 0 : i32
      %dma_wait3A_73 = tpu.memref_slice %arg6[%arg0, %add3A_60, %dma_wait3A_72] : memref<2x10240x128xf32, #tpu.memory_space<hbm>> -> memref<1x128x128xf32, #tpu.memory_space<hbm>>
      %dma_wait3A_74 = tpu.memref_squeeze %dma_wait3A_73 : memref<1x128x128xf32, #tpu.memory_space<hbm>> -> memref<128x128xf32, #tpu.memory_space<hbm>>
      tpu.wait_dma2 semaphore(%run_scoped3A : memref<!tpu.dma_semaphore, #tpu.memory_space<semaphore_mem>>) src(%arg9 : memref<128x128xf32, #tpu.memory_space<vmem>>) dst(%dma_wait3A_74 : memref<128x128xf32, #tpu.memory_space<hbm>>)
      tpu.yield
    }) : () -> ()
    %add3A_61 = arith.constant 512 : i32
    %add3A_62 = arith.addi %mul3A_0, %add3A_61 : i32
    "tpu.region"() ({
      %run_scoped3A = tpu.sem_alloc : memref<!tpu.dma_semaphore, #tpu.memory_space<semaphore_mem>>
      %dma_start3A = arith.constant 0 : i32
      %dma_start3A_65 = tpu.memref_slice %arg10[%add3A_62, %dma_start3A] : memref<10240x128xf32, #tpu.memory_space<vmem_shared>> -> memref<128x128xf32, #tpu.memory_space<vmem_shared>>
      %dma_start3A_66 = arith.constant 0 : i32
      %dma_start3A_67 = tpu.memref_slice %arg10[%add3A_62, %dma_start3A_66] : memref<10240x128xf32, #tpu.memory_space<vmem_shared>> -> memref<128x128xf32, #tpu.memory_space<vmem_shared>>
      tpu.enqueue_dma source(%dma_start3A_67 : memref<128x128xf32, #tpu.memory_space<vmem_shared>>) target(%arg9 : memref<128x128xf32, #tpu.memory_space<vmem>>) target_semaphore(%run_scoped3A : memref<!tpu.dma_semaphore, #tpu.memory_space<semaphore_mem>>)
      %dma_wait3A = arith.constant 0 : i32
      %dma_wait3A_68 = tpu.memref_slice %arg10[%add3A_62, %dma_wait3A] : memref<10240x128xf32, #tpu.memory_space<vmem_shared>> -> memref<128x128xf32, #tpu.memory_space<vmem_shared>>
      %dma_wait3A_69 = arith.constant 0 : i32
      %dma_wait3A_70 = tpu.memref_slice %arg10[%add3A_62, %dma_wait3A_69] : memref<10240x128xf32, #tpu.memory_space<vmem_shared>> -> memref<128x128xf32, #tpu.memory_space<vmem_shared>>
      tpu.wait_dma2 semaphore(%run_scoped3A : memref<!tpu.dma_semaphore, #tpu.memory_space<semaphore_mem>>) src(%dma_wait3A_70 : memref<128x128xf32, #tpu.memory_space<vmem_shared>>) dst(%arg9 : memref<128x128xf32, #tpu.memory_space<vmem>>)
      tpu.yield
    }) : () -> ()
    %add3A_63 = arith.constant 512 : i32
    %add3A_64 = arith.addi %mul3A_0, %add3A_63 : i32
    "tpu.region"() ({
      %run_scoped3A = tpu.sem_alloc : memref<!tpu.dma_semaphore, #tpu.memory_space<semaphore_mem>>
      %dma_start3A = arith.constant 0 : i32
      %dma_start3A_65 = tpu.memref_slice %arg6[%arg0, %add3A_64, %dma_start3A] : memref<2x10240x128xf32, #tpu.memory_space<hbm>> -> memref<1x128x128xf32, #tpu.memory_space<hbm>>
      %dma_start3A_66 = tpu.memref_squeeze %dma_start3A_65 : memref<1x128x128xf32, #tpu.memory_space<hbm>> -> memref<128x128xf32, #tpu.memory_space<hbm>>
      %dma_start3A_67 = arith.constant 0 : i32
      %dma_start3A_68 = tpu.memref_slice %arg6[%arg0, %add3A_64, %dma_start3A_67] : memref<2x10240x128xf32, #tpu.memory_space<hbm>> -> memref<1x128x128xf32, #tpu.memory_space<hbm>>
      %dma_start3A_69 = tpu.memref_squeeze %dma_start3A_68 : memref<1x128x128xf32, #tpu.memory_space<hbm>> -> memref<128x128xf32, #tpu.memory_space<hbm>>
      tpu.enqueue_dma source(%arg9 : memref<128x128xf32, #tpu.memory_space<vmem>>) target(%dma_start3A_69 : memref<128x128xf32, #tpu.memory_space<hbm>>) target_semaphore(%run_scoped3A : memref<!tpu.dma_semaphore, #tpu.memory_space<semaphore_mem>>)
      %dma_wait3A = arith.constant 0 : i32
      %dma_wait3A_70 = tpu.memref_slice %arg6[%arg0, %add3A_64, %dma_wait3A] : memref<2x10240x128xf32, #tpu.memory_space<hbm>> -> memref<1x128x128xf32, #tpu.memory_space<hbm>>
      %dma_wait3A_71 = tpu.memref_squeeze %dma_wait3A_70 : memref<1x128x128xf32, #tpu.memory_space<hbm>> -> memref<128x128xf32, #tpu.memory_space<hbm>>
      %dma_wait3A_72 = arith.constant 0 : i32
      %dma_wait3A_73 = tpu.memref_slice %arg6[%arg0, %add3A_64, %dma_wait3A_72] : memref<2x10240x128xf32, #tpu.memory_space<hbm>> -> memref<1x128x128xf32, #tpu.memory_space<hbm>>
      %dma_wait3A_74 = tpu.memref_squeeze %dma_wait3A_73 : memref<1x128x128xf32, #tpu.memory_space<hbm>> -> memref<128x128xf32, #tpu.memory_space<hbm>>
      tpu.wait_dma2 semaphore(%run_scoped3A : memref<!tpu.dma_semaphore, #tpu.memory_space<semaphore_mem>>) src(%arg9 : memref<128x128xf32, #tpu.memory_space<vmem>>) dst(%dma_wait3A_74 : memref<128x128xf32, #tpu.memory_space<hbm>>)
      tpu.yield
    }) : () -> ()
    return
  }
}

module attributes {stable_mosaic.version = 14 : i64} {
  func.func @body(%arg0: i32, %arg1: memref<2x2000x128xf32, #tpu.memory_space<vmem>>, %arg2: memref<1x2000x128xf32, #tpu.memory_space<vmem>>, %arg3: memref<2000x128xf32, #tpu.memory_space<vmem>>, %arg4: memref<128x128xf32, #tpu.memory_space<vmem>>, %arg5: memref<1x128xf32, #tpu.memory_space<vmem>>, %arg6: memref<128x128xf32, #tpu.memory_space<vmem>>, %arg7: memref<2000x128xf32, #tpu.memory_space<vmem>>) attributes {dimension_semantics = [#tpu.dimension_semantics<arbitrary>], iteration_bounds = array<i64: 5>, scalar_prefetch = 0 : i64, scratch_operands = 0 : i64, tpu.core_type = #tpu.core_type<tc>, window_params = [{transform_indices = @transform_0, window_bounds = array<i64: 2, 2000, 128>}, {transform_indices = @transform_1, window_bounds = array<i64: 1, 2000, 128>}, {transform_indices = @transform_2, window_bounds = array<i64: 2000, 128>}, {pipeline_mode = #tpu.pipeline_mode<synchronous>, transform_indices = @transform_3, window_bounds = array<i64: 128, 128>}, {pipeline_mode = #tpu.pipeline_mode<synchronous>, transform_indices = @transform_4, window_bounds = array<i64: 1, 128>}, {pipeline_mode = #tpu.pipeline_mode<synchronous>, transform_indices = @transform_5, window_bounds = array<i64: 128, 128>}, {transform_indices = @transform_6, window_bounds = array<i64: 2000, 128>}]} {
    %get3A = arith.constant 0 : index
    %get3A_0 = arith.constant 0 : index
    %get3A_1 = arith.constant 0 : index
    %get3A_2 = vector.load %arg1[%get3A, %get3A_0, %get3A_1] : memref<2x2000x128xf32, #tpu.memory_space<vmem>>, vector<1x2000x128xf32>
    %get3A_3 = vector.shape_cast %get3A_2 : vector<1x2000x128xf32> to vector<2000x128xf32>
    %get3A_4 = arith.constant 1 : index
    %get3A_5 = arith.constant 0 : index
    %get3A_6 = arith.constant 0 : index
    %get3A_7 = vector.load %arg1[%get3A_4, %get3A_5, %get3A_6] : memref<2x2000x128xf32, #tpu.memory_space<vmem>>, vector<1x2000x128xf32>
    %get3A_8 = vector.shape_cast %get3A_7 : vector<1x2000x128xf32> to vector<2000x128xf32>
    %add3A = arith.addf %get3A_3, %get3A_8 : vector<2000x128xf32>
    %get3A_9 = arith.constant 0 : index
    %get3A_10 = arith.constant 0 : index
    %get3A_11 = arith.constant 0 : index
    %get3A_12 = vector.load %arg2[%get3A_9, %get3A_10, %get3A_11] : memref<1x2000x128xf32, #tpu.memory_space<vmem>>, vector<1x2000x1xf32>
    %get3A_13 = vector.shape_cast %get3A_12 : vector<1x2000x1xf32> to vector<2000x1xf32>
    %max3A = arith.constant 1.000000e+00 : f32
    %max3A_14 = vector.broadcast %max3A : f32 to vector<2000x1xf32>
    %max3A_15 = arith.maximumf %get3A_13, %max3A_14 : vector<2000x1xf32>
    %div3A = vector.broadcast %max3A_15 : vector<2000x1xf32> to vector<2000x128xf32>
    %div3A_16 = arith.divf %add3A, %div3A : vector<2000x128xf32>
    %get3A_17 = arith.constant 0 : index
    %get3A_18 = arith.constant 0 : index
    %get3A_19 = vector.load %arg4[%get3A_17, %get3A_18] : memref<128x128xf32, #tpu.memory_space<vmem>>, vector<128x128xf32>
    %dot_general3A = arith.constant dense<0.000000e+00> : vector<2000x128xf32>
    %dot_general3A_20 = tpu.matmul %div3A_16, %get3A_19, %dot_general3A {dimension_numbers = #tpu.dot_dimension_numbers<[1], [0], [0], [1], [0, 0, 1, 1], [], []>, transpose_lhs_hint = false} : vector<2000x128xf32>, vector<128x128xf32>, vector<2000x128xf32> -> vector<2000x128xf32>
    %get3A_21 = arith.constant 0 : index
    %get3A_22 = arith.constant 0 : index
    %get3A_23 = vector.load %arg3[%get3A_21, %get3A_22] : memref<2000x128xf32, #tpu.memory_space<vmem>>, vector<2000x128xf32>
    %get3A_24 = arith.constant 0 : index
    %get3A_25 = arith.constant 0 : index
    %get3A_26 = vector.load %arg6[%get3A_24, %get3A_25] : memref<128x128xf32, #tpu.memory_space<vmem>>, vector<128x128xf32>
    %dot_general3A_27 = arith.constant dense<0.000000e+00> : vector<2000x128xf32>
    %dot_general3A_28 = tpu.matmul %get3A_23, %get3A_26, %dot_general3A_27 {dimension_numbers = #tpu.dot_dimension_numbers<[1], [0], [0], [1], [0, 0, 1, 1], [], []>, transpose_lhs_hint = false} : vector<2000x128xf32>, vector<128x128xf32>, vector<2000x128xf32> -> vector<2000x128xf32>
    %add3A_29 = arith.addf %dot_general3A_20, %dot_general3A_28 : vector<2000x128xf32>
    %get3A_30 = arith.constant 0 : index
    %get3A_31 = arith.constant 0 : index
    %get3A_32 = vector.load %arg5[%get3A_30, %get3A_31] : memref<1x128xf32, #tpu.memory_space<vmem>>, vector<1x128xf32>
    %add3A_33 = vector.broadcast %get3A_32 : vector<1x128xf32> to vector<2000x128xf32>
    %add3A_34 = arith.addf %add3A_29, %add3A_33 : vector<2000x128xf32>
    %ge3A = arith.constant 0.000000e+00 : f32
    %ge3A_35 = vector.broadcast %ge3A : f32 to vector<2000x128xf32>
    %ge3A_36 = arith.cmpf oge, %add3A_34, %ge3A_35 : vector<2000x128xf32>
    %mul3A = arith.constant 0.00999999977 : f32
    %mul3A_37 = vector.broadcast %mul3A : f32 to vector<2000x128xf32>
    %mul3A_38 = arith.mulf %mul3A_37, %add3A_34 : vector<2000x128xf32>
    %select_n3A = arith.select %ge3A_36, %add3A_34, %mul3A_38 : vector<2000x128xi1>, vector<2000x128xf32>
    %swap3A = arith.constant 0 : index
    %swap3A_39 = arith.constant 0 : index
    %swap3A_40 = vector.load %arg7[%swap3A, %swap3A_39] : memref<2000x128xf32, #tpu.memory_space<vmem>>, vector<2000x128xf32>
    tpu.vector_store %arg7[%swap3A, %swap3A_39], %select_n3A {strides = array<i32>} : memref<2000x128xf32, #tpu.memory_space<vmem>>, vector<2000x128xf32>,
    return
  }
  func.func @transform_0(%arg0: i32) -> (i32, i32, i32) {
    %c0_i32 = arith.constant 0 : i32
    %c0_i32_0 = arith.constant 0 : i32
    %c0_i32_1 = arith.constant 0 : i32
    return %c0_i32, %arg0, %c0_i32_0 : i32, i32, i32
  }
  func.func @transform_1(%arg0: i32) -> (i32, i32, i32) {
    %c1_i32 = arith.constant 1 : i32
    %c0_i32 = arith.constant 0 : i32
    %c0_i32_0 = arith.constant 0 : i32
    return %c1_i32, %arg0, %c0_i32 : i32, i32, i32
  }
  func.func @transform_2(%arg0: i32) -> (i32, i32) {
    %c0_i32 = arith.constant 0 : i32
    %c0_i32_0 = arith.constant 0 : i32
    return %arg0, %c0_i32 : i32, i32
  }
  func.func @transform_3(%arg0: i32) -> (i32, i32) {
    %c0_i32 = arith.constant 0 : i32
    %c0_i32_0 = arith.constant 0 : i32
    %c0_i32_1 = arith.constant 0 : i32
    return %c0_i32, %c0_i32_0 : i32, i32
  }
  func.func @transform_4(%arg0: i32) -> (i32, i32) {
    %c0_i32 = arith.constant 0 : i32
    %c0_i32_0 = arith.constant 0 : i32
    %c0_i32_1 = arith.constant 0 : i32
    return %c0_i32, %c0_i32_0 : i32, i32
  }
  func.func @transform_5(%arg0: i32) -> (i32, i32) {
    %c0_i32 = arith.constant 0 : i32
    %c0_i32_0 = arith.constant 0 : i32
    %c0_i32_1 = arith.constant 0 : i32
    return %c0_i32, %c0_i32_0 : i32, i32
  }
  func.func @transform_6(%arg0: i32) -> (i32, i32) {
    %c0_i32 = arith.constant 0 : i32
    %c0_i32_0 = arith.constant 0 : i32
    return %arg0, %c0_i32 : i32, i32
  }
}

module attributes {stable_mosaic.version = 14 : i64} {
  func.func @body(%arg0: i32, %arg1: memref<2x2000x128xf32, #tpu.memory_space<vmem>>, %arg2: memref<1x2000x128xf32, #tpu.memory_space<vmem>>, %arg3: memref<2000x128xf32, #tpu.memory_space<vmem>>, %arg4: memref<128x128xf32, #tpu.memory_space<vmem>>, %arg5: memref<1x128xf32, #tpu.memory_space<vmem>>, %arg6: memref<128x128xf32, #tpu.memory_space<vmem>>, %arg7: memref<2000x128xf32, #tpu.memory_space<vmem>>) attributes {dimension_semantics = [#tpu.dimension_semantics<arbitrary>], iteration_bounds = array<i64: 5>, scalar_prefetch = 0 : i64, scratch_operands = 0 : i64, tpu.core_type = #tpu.core_type<tc>, window_params = [{transform_indices = @transform_0, window_bounds = array<i64: 2, 2000, 128>}, {transform_indices = @transform_1, window_bounds = array<i64: 1, 2000, 128>}, {transform_indices = @transform_2, window_bounds = array<i64: 2000, 128>}, {pipeline_mode = #tpu.pipeline_mode<synchronous>, transform_indices = @transform_3, window_bounds = array<i64: 128, 128>}, {pipeline_mode = #tpu.pipeline_mode<synchronous>, transform_indices = @transform_4, window_bounds = array<i64: 1, 128>}, {pipeline_mode = #tpu.pipeline_mode<synchronous>, transform_indices = @transform_5, window_bounds = array<i64: 128, 128>}, {transform_indices = @transform_6, window_bounds = array<i64: 2000, 128>}]} {
    %get3A = arith.constant 0 : index
    %get3A_0 = arith.constant 0 : index
    %get3A_1 = arith.constant 0 : index
    %get3A_2 = vector.load %arg1[%get3A, %get3A_0, %get3A_1] : memref<2x2000x128xf32, #tpu.memory_space<vmem>>, vector<1x2000x128xf32>
    %get3A_3 = vector.shape_cast %get3A_2 : vector<1x2000x128xf32> to vector<2000x128xf32>
    %get3A_4 = arith.constant 1 : index
    %get3A_5 = arith.constant 0 : index
    %get3A_6 = arith.constant 0 : index
    %get3A_7 = vector.load %arg1[%get3A_4, %get3A_5, %get3A_6] : memref<2x2000x128xf32, #tpu.memory_space<vmem>>, vector<1x2000x128xf32>
    %get3A_8 = vector.shape_cast %get3A_7 : vector<1x2000x128xf32> to vector<2000x128xf32>
    %add3A = arith.addf %get3A_3, %get3A_8 : vector<2000x128xf32>
    %get3A_9 = arith.constant 0 : index
    %get3A_10 = arith.constant 0 : index
    %get3A_11 = arith.constant 0 : index
    %get3A_12 = vector.load %arg2[%get3A_9, %get3A_10, %get3A_11] : memref<1x2000x128xf32, #tpu.memory_space<vmem>>, vector<1x2000x1xf32>
    %get3A_13 = vector.shape_cast %get3A_12 : vector<1x2000x1xf32> to vector<2000x1xf32>
    %max3A = arith.constant 1.000000e+00 : f32
    %max3A_14 = vector.broadcast %max3A : f32 to vector<2000x1xf32>
    %max3A_15 = arith.maximumf %get3A_13, %max3A_14 : vector<2000x1xf32>
    %div3A = vector.broadcast %max3A_15 : vector<2000x1xf32> to vector<2000x128xf32>
    %div3A_16 = arith.divf %add3A, %div3A : vector<2000x128xf32>
    %get3A_17 = arith.constant 0 : index
    %get3A_18 = arith.constant 0 : index
    %get3A_19 = vector.load %arg4[%get3A_17, %get3A_18] : memref<128x128xf32, #tpu.memory_space<vmem>>, vector<128x128xf32>
    %dot_general3A = arith.constant dense<0.000000e+00> : vector<2000x128xf32>
    %dot_general3A_20 = tpu.matmul %div3A_16, %get3A_19, %dot_general3A {dimension_numbers = #tpu.dot_dimension_numbers<[1], [0], [0], [1], [0, 0, 1, 1], [], []>, transpose_lhs_hint = false} : vector<2000x128xf32>, vector<128x128xf32>, vector<2000x128xf32> -> vector<2000x128xf32>
    %get3A_21 = arith.constant 0 : index
    %get3A_22 = arith.constant 0 : index
    %get3A_23 = vector.load %arg3[%get3A_21, %get3A_22] : memref<2000x128xf32, #tpu.memory_space<vmem>>, vector<2000x128xf32>
    %get3A_24 = arith.constant 0 : index
    %get3A_25 = arith.constant 0 : index
    %get3A_26 = vector.load %arg6[%get3A_24, %get3A_25] : memref<128x128xf32, #tpu.memory_space<vmem>>, vector<128x128xf32>
    %dot_general3A_27 = arith.constant dense<0.000000e+00> : vector<2000x128xf32>
    %dot_general3A_28 = tpu.matmul %get3A_23, %get3A_26, %dot_general3A_27 {dimension_numbers = #tpu.dot_dimension_numbers<[1], [0], [0], [1], [0, 0, 1, 1], [], []>, transpose_lhs_hint = false} : vector<2000x128xf32>, vector<128x128xf32>, vector<2000x128xf32> -> vector<2000x128xf32>
    %add3A_29 = arith.addf %dot_general3A_20, %dot_general3A_28 : vector<2000x128xf32>
    %get3A_30 = arith.constant 0 : index
    %get3A_31 = arith.constant 0 : index
    %get3A_32 = vector.load %arg5[%get3A_30, %get3A_31] : memref<1x128xf32, #tpu.memory_space<vmem>>, vector<1x128xf32>
    %add3A_33 = vector.broadcast %get3A_32 : vector<1x128xf32> to vector<2000x128xf32>
    %add3A_34 = arith.addf %add3A_29, %add3A_33 : vector<2000x128xf32>
    %ge3A = arith.constant 0.000000e+00 : f32
    %ge3A_35 = vector.broadcast %ge3A : f32 to vector<2000x128xf32>
    %ge3A_36 = arith.cmpf oge, %add3A_34, %ge3A_35 : vector<2000x128xf32>
    %mul3A = arith.constant 0.00999999977 : f32
    %mul3A_37 = vector.broadcast %mul3A : f32 to vector<2000x128xf32>
    %mul3A_38 = arith.mulf %mul3A_37, %add3A_34 : vector<2000x128xf32>
    %select_n3A = arith.select %ge3A_36, %add3A_34, %mul3A_38 : vector<2000x128xi1>, vector<2000x128xf32>
    %swap3A = arith.constant 0 : index
    %swap3A_39 = arith.constant 0 : index
    %swap3A_40 = vector.load %arg7[%swap3A, %swap3A_39] : memref<2000x128xf32, #tpu.memory_space<vmem>>, vector<2000x128xf32>
    tpu.vector_store %arg7[%swap3A, %swap3A_39], %select_n3A {strides = array<i32>} : memref<2000x128xf32, #tpu.memory_space<vmem>>, vector<2000x128xf32>,
    return
  }
  func.func @transform_0(%arg0: i32) -> (i32, i32, i32) {
    %c0_i32 = arith.constant 0 : i32
    %c0_i32_0 = arith.constant 0 : i32
    %c0_i32_1 = arith.constant 0 : i32
    return %c0_i32, %arg0, %c0_i32_0 : i32, i32, i32
  }
  func.func @transform_1(%arg0: i32) -> (i32, i32, i32) {
    %c0_i32 = arith.constant 0 : i32
    %c0_i32_0 = arith.constant 0 : i32
    %c0_i32_1 = arith.constant 0 : i32
    return %c0_i32, %arg0, %c0_i32_0 : i32, i32, i32
  }
  func.func @transform_2(%arg0: i32) -> (i32, i32) {
    %c0_i32 = arith.constant 0 : i32
    %c0_i32_0 = arith.constant 0 : i32
    return %arg0, %c0_i32 : i32, i32
  }
  func.func @transform_3(%arg0: i32) -> (i32, i32) {
    %c0_i32 = arith.constant 0 : i32
    %c0_i32_0 = arith.constant 0 : i32
    %c0_i32_1 = arith.constant 0 : i32
    return %c0_i32, %c0_i32_0 : i32, i32
  }
  func.func @transform_4(%arg0: i32) -> (i32, i32) {
    %c0_i32 = arith.constant 0 : i32
    %c0_i32_0 = arith.constant 0 : i32
    %c0_i32_1 = arith.constant 0 : i32
    return %c0_i32, %c0_i32_0 : i32, i32
  }
  func.func @transform_5(%arg0: i32) -> (i32, i32) {
    %c0_i32 = arith.constant 0 : i32
    %c0_i32_0 = arith.constant 0 : i32
    %c0_i32_1 = arith.constant 0 : i32
    return %c0_i32, %c0_i32_0 : i32, i32
  }
  func.func @transform_6(%arg0: i32) -> (i32, i32) {
    %c0_i32 = arith.constant 0 : i32
    %c0_i32_0 = arith.constant 0 : i32
    return %arg0, %c0_i32 : i32, i32
  }
}

module attributes {stable_mosaic.version = 14 : i64} {
  func.func @_final_tc_body(%arg0: i32, %arg1: memref<2x2000x128xf32, #tpu.memory_space<vmem>>, %arg2: memref<1x2000x128xf32, #tpu.memory_space<vmem>>, %arg3: memref<2000x128xf32, #tpu.memory_space<vmem>>, %arg4: memref<128x128xf32, #tpu.memory_space<vmem>>, %arg5: memref<1x128xf32, #tpu.memory_space<vmem>>, %arg6: memref<128x128xf32, #tpu.memory_space<vmem>>, %arg7: memref<128x64xf32, #tpu.memory_space<vmem>>, %arg8: memref<1x64xf32, #tpu.memory_space<vmem>>, %arg9: memref<2000x128xf32, #tpu.memory_space<vmem>>, %arg10: memref<2000x64xf32, #tpu.memory_space<vmem>>) attributes {dimension_semantics = [#tpu.dimension_semantics<arbitrary>], iteration_bounds = array<i64: 5>, scalar_prefetch = 0 : i64, scratch_operands = 0 : i64, tpu.core_type = #tpu.core_type<tc>, window_params = [{transform_indices = @transform_0, window_bounds = array<i64: 2, 2000, 128>}, {transform_indices = @transform_1, window_bounds = array<i64: 1, 2000, 128>}, {transform_indices = @transform_2, window_bounds = array<i64: 2000, 128>}, {pipeline_mode = #tpu.pipeline_mode<synchronous>, transform_indices = @transform_3, window_bounds = array<i64: 128, 128>}, {pipeline_mode = #tpu.pipeline_mode<synchronous>, transform_indices = @transform_4, window_bounds = array<i64: 1, 128>}, {pipeline_mode = #tpu.pipeline_mode<synchronous>, transform_indices = @transform_5, window_bounds = array<i64: 128, 128>}, {pipeline_mode = #tpu.pipeline_mode<synchronous>, transform_indices = @transform_6, window_bounds = array<i64: 128, 64>}, {pipeline_mode = #tpu.pipeline_mode<synchronous>, transform_indices = @transform_7, window_bounds = array<i64: 1, 64>}, {transform_indices = @transform_8, window_bounds = array<i64: 2000, 128>}, {transform_indices = @transform_9, window_bounds = array<i64: 2000, 64>}]} {
    %get3A = arith.constant 0 : index
    %get3A_0 = arith.constant 0 : index
    %get3A_1 = arith.constant 0 : index
    %get3A_2 = vector.load %arg1[%get3A, %get3A_0, %get3A_1] : memref<2x2000x128xf32, #tpu.memory_space<vmem>>, vector<1x2000x128xf32>
    %get3A_3 = vector.shape_cast %get3A_2 : vector<1x2000x128xf32> to vector<2000x128xf32>
    %get3A_4 = arith.constant 1 : index
    %get3A_5 = arith.constant 0 : index
    %get3A_6 = arith.constant 0 : index
    %get3A_7 = vector.load %arg1[%get3A_4, %get3A_5, %get3A_6] : memref<2x2000x128xf32, #tpu.memory_space<vmem>>, vector<1x2000x128xf32>
    %get3A_8 = vector.shape_cast %get3A_7 : vector<1x2000x128xf32> to vector<2000x128xf32>
    %add3A = arith.addf %get3A_3, %get3A_8 : vector<2000x128xf32>
    %get3A_9 = arith.constant 0 : index
    %get3A_10 = arith.constant 0 : index
    %get3A_11 = arith.constant 0 : index
    %get3A_12 = vector.load %arg2[%get3A_9, %get3A_10, %get3A_11] : memref<1x2000x128xf32, #tpu.memory_space<vmem>>, vector<1x2000x1xf32>
    %get3A_13 = vector.shape_cast %get3A_12 : vector<1x2000x1xf32> to vector<2000x1xf32>
    %max3A = arith.constant 1.000000e+00 : f32
    %max3A_14 = vector.broadcast %max3A : f32 to vector<2000x1xf32>
    %max3A_15 = arith.maximumf %get3A_13, %max3A_14 : vector<2000x1xf32>
    %div3A = vector.broadcast %max3A_15 : vector<2000x1xf32> to vector<2000x128xf32>
    %div3A_16 = arith.divf %add3A, %div3A : vector<2000x128xf32>
    %get3A_17 = arith.constant 0 : index
    %get3A_18 = arith.constant 0 : index
    %get3A_19 = vector.load %arg4[%get3A_17, %get3A_18] : memref<128x128xf32, #tpu.memory_space<vmem>>, vector<128x128xf32>
    %dot_general3A = arith.constant dense<0.000000e+00> : vector<2000x128xf32>
    %dot_general3A_20 = tpu.matmul %div3A_16, %get3A_19, %dot_general3A {dimension_numbers = #tpu.dot_dimension_numbers<[1], [0], [0], [1], [0, 0, 1, 1], [], []>, transpose_lhs_hint = false} : vector<2000x128xf32>, vector<128x128xf32>, vector<2000x128xf32> -> vector<2000x128xf32>
    %get3A_21 = arith.constant 0 : index
    %get3A_22 = arith.constant 0 : index
    %get3A_23 = vector.load %arg3[%get3A_21, %get3A_22] : memref<2000x128xf32, #tpu.memory_space<vmem>>, vector<2000x128xf32>
    %get3A_24 = arith.constant 0 : index
    %get3A_25 = arith.constant 0 : index
    %get3A_26 = vector.load %arg6[%get3A_24, %get3A_25] : memref<128x128xf32, #tpu.memory_space<vmem>>, vector<128x128xf32>
    %dot_general3A_27 = arith.constant dense<0.000000e+00> : vector<2000x128xf32>
    %dot_general3A_28 = tpu.matmul %get3A_23, %get3A_26, %dot_general3A_27 {dimension_numbers = #tpu.dot_dimension_numbers<[1], [0], [0], [1], [0, 0, 1, 1], [], []>, transpose_lhs_hint = false} : vector<2000x128xf32>, vector<128x128xf32>, vector<2000x128xf32> -> vector<2000x128xf32>
    %add3A_29 = arith.addf %dot_general3A_20, %dot_general3A_28 : vector<2000x128xf32>
    %get3A_30 = arith.constant 0 : index
    %get3A_31 = arith.constant 0 : index
    %get3A_32 = vector.load %arg5[%get3A_30, %get3A_31] : memref<1x128xf32, #tpu.memory_space<vmem>>, vector<1x128xf32>
    %add3A_33 = vector.broadcast %get3A_32 : vector<1x128xf32> to vector<2000x128xf32>
    %add3A_34 = arith.addf %add3A_29, %add3A_33 : vector<2000x128xf32>
    %ge3A = arith.constant 0.000000e+00 : f32
    %ge3A_35 = vector.broadcast %ge3A : f32 to vector<2000x128xf32>
    %ge3A_36 = arith.cmpf oge, %add3A_34, %ge3A_35 : vector<2000x128xf32>
    %mul3A = arith.constant 0.00999999977 : f32
    %mul3A_37 = vector.broadcast %mul3A : f32 to vector<2000x128xf32>
    %mul3A_38 = arith.mulf %mul3A_37, %add3A_34 : vector<2000x128xf32>
    %select_n3A = arith.select %ge3A_36, %add3A_34, %mul3A_38 : vector<2000x128xi1>, vector<2000x128xf32>
    %swap3A = arith.constant 0 : index
    %swap3A_39 = arith.constant 0 : index
    %swap3A_40 = vector.load %arg9[%swap3A, %swap3A_39] : memref<2000x128xf32, #tpu.memory_space<vmem>>, vector<2000x128xf32>
    tpu.vector_store %arg9[%swap3A, %swap3A_39], %select_n3A {strides = array<i32>} : memref<2000x128xf32, #tpu.memory_space<vmem>>, vector<2000x128xf32>,
    %get3A_41 = arith.constant 0 : index
    %get3A_42 = arith.constant 0 : index
    %get3A_43 = vector.load %arg7[%get3A_41, %get3A_42] : memref<128x64xf32, #tpu.memory_space<vmem>>, vector<128x64xf32>
    %dot_general3A_44 = arith.constant dense<0.000000e+00> : vector<2000x64xf32>
    %dot_general3A_45 = tpu.matmul %select_n3A, %get3A_43, %dot_general3A_44 {dimension_numbers = #tpu.dot_dimension_numbers<[1], [0], [0], [1], [0, 0, 1, 1], [], []>, transpose_lhs_hint = false} : vector<2000x128xf32>, vector<128x64xf32>, vector<2000x64xf32> -> vector<2000x64xf32>
    %get3A_46 = arith.constant 0 : index
    %get3A_47 = arith.constant 0 : index
    %get3A_48 = vector.load %arg8[%get3A_46, %get3A_47] : memref<1x64xf32, #tpu.memory_space<vmem>>, vector<1x64xf32>
    %add3A_49 = vector.broadcast %get3A_48 : vector<1x64xf32> to vector<2000x64xf32>
    %add3A_50 = arith.addf %dot_general3A_45, %add3A_49 : vector<2000x64xf32>
    %swap3A_51 = arith.constant 0 : index
    %swap3A_52 = arith.constant 0 : index
    %swap3A_53 = vector.load %arg10[%swap3A_51, %swap3A_52] : memref<2000x64xf32, #tpu.memory_space<vmem>>, vector<2000x64xf32>
    tpu.vector_store %arg10[%swap3A_51, %swap3A_52], %add3A_50 {strides = array<i32>} : memref<2000x64xf32, #tpu.memory_space<vmem>>, vector<2000x64xf32>,
    return
  }
  func.func @transform_0(%arg0: i32) -> (i32, i32, i32) {
    %c0_i32 = arith.constant 0 : i32
    %c0_i32_0 = arith.constant 0 : i32
    %c0_i32_1 = arith.constant 0 : i32
    return %c0_i32, %arg0, %c0_i32_0 : i32, i32, i32
  }
  func.func @transform_1(%arg0: i32) -> (i32, i32, i32) {
    %c0_i32 = arith.constant 0 : i32
    %c0_i32_0 = arith.constant 0 : i32
    %c0_i32_1 = arith.constant 0 : i32
    return %c0_i32, %arg0, %c0_i32_0 : i32, i32, i32
  }
  func.func @transform_2(%arg0: i32) -> (i32, i32) {
    %c0_i32 = arith.constant 0 : i32
    %c0_i32_0 = arith.constant 0 : i32
    return %arg0, %c0_i32 : i32, i32
  }
  func.func @transform_3(%arg0: i32) -> (i32, i32) {
    %c0_i32 = arith.constant 0 : i32
    %c0_i32_0 = arith.constant 0 : i32
    %c0_i32_1 = arith.constant 0 : i32
    return %c0_i32, %c0_i32_0 : i32, i32
  }
  func.func @transform_4(%arg0: i32) -> (i32, i32) {
    %c0_i32 = arith.constant 0 : i32
    %c0_i32_0 = arith.constant 0 : i32
    %c0_i32_1 = arith.constant 0 : i32
    return %c0_i32, %c0_i32_0 : i32, i32
  }
  func.func @transform_5(%arg0: i32) -> (i32, i32) {
    %c0_i32 = arith.constant 0 : i32
    %c0_i32_0 = arith.constant 0 : i32
    %c0_i32_1 = arith.constant 0 : i32
    return %c0_i32, %c0_i32_0 : i32, i32
  }
  func.func @transform_6(%arg0: i32) -> (i32, i32) {
    %c0_i32 = arith.constant 0 : i32
    %c0_i32_0 = arith.constant 0 : i32
    %c0_i32_1 = arith.constant 0 : i32
    return %c0_i32, %c0_i32_0 : i32, i32
  }
  func.func @transform_7(%arg0: i32) -> (i32, i32) {
    %c0_i32 = arith.constant 0 : i32
    %c0_i32_0 = arith.constant 0 : i32
    %c0_i32_1 = arith.constant 0 : i32
    return %c0_i32, %c0_i32_0 : i32, i32
  }
  func.func @transform_8(%arg0: i32) -> (i32, i32) {
    %c0_i32 = arith.constant 0 : i32
    %c0_i32_0 = arith.constant 0 : i32
    return %arg0, %c0_i32 : i32, i32
  }
  func.func @transform_9(%arg0: i32) -> (i32, i32) {
    %c0_i32 = arith.constant 0 : i32
    %c0_i32_0 = arith.constant 0 : i32
    return %arg0, %c0_i32 : i32, i32
  }
}

</mosaic_0001>

<sc_bundles>
// kernel: kernel.12.cloned.1.call-start
scs
__scs_entry_jumppad:
0x0: {  	(pc) =	sbr.rel $0x88, $3  }
0x1: {  	(tag) =	ssettag $0x0;
	lr =	simm.s32 $0x1  }
0x2: {  	[smem:$0x3F92] =	sst lr;
	_ =	strace $0xD0000000  }
0x3: {  	_ = 	snop  }
0x4: {  	_ = 	snop  }
0x5: {  	_ = 	snop  }
0x6: {  	_ = 	snop  }
0x7: {  	_ = 	snop  }
__scs_overlays_trampoline_lowered:
0x8: {  	[smem:$0x3FA1] =	sst s0  }
0x9: {  	[smem:$0x3FA2] =	sst s1  }
0xa: {  	[smem:$0x3FA3] =	sst s2  }
0xb: {  	[smem:$0x3FA4] =	sst s3  }
0xc: {  	[smem:$0x3FA5] =	sst s4  }
0xd: {  	[smem:$0x3FA6] =	sst s5  }
0xe: {  	[smem:$0x3FA7] =	sst s6  }
0xf: {  	[smem:$0x3FA8] =	sst s7  }
0x10: {  	[smem:$0x3FA9] =	sst s8  }
0x11: {  	[smem:$0x3FAA] =	sst s9;
	s0 =	simm.s32 @!p0 $0x0  }
0x12: {  	s1 =	sld [smem:$0x3F90];
	s0 =	simm.s32 @p0 $0x1  }
0x13: {  	[smem:$0x3FAB] =	sst s0;
	s0 =	simm.s32 @!p1 $0x0  }
0x14: {  	s2 =	sld [smem:$0x3F8F];
	s0 =	simm.s32 @p1 $0x1  }
0x15: {  	[smem:$0x3FAC] =	sst s0;
	s0 =	simm.s32 @!p2 $0x0  }
0x16: {  	s3 =	sld [smem:$0x3FDB];
	s0 =	simm.s32 @p2 $0x1  }
0x17: {  	s4 =	simm.s32 $0x1BF5;
	[smem:$0x3FAE] =	sst s0  }
0x18: {  	s0 =	sld [smem:$0x3F91];
	_ =	swait.ge [sflag:s4], $0x0  }
0x19: {  	s7 =	sld [smem:$0x3F92]  }
0x1a: {  	s8 =	sadd.s32 $0xFFFFE003, lr  }
0x1b: {  	s9 =	sadd.s32 $0xFFFFFEF7, lr;
	s5 =	simm.s32 $0xFFFFFFFF;
	p2 =	slt.u32 s8, $0xFFFFF086  }
0x1c: {  	p1 =	slt.u32 s9, $0xF7A;
	s5 =	simm.s32 @!p2 $0x0  }
0x1d: {  	s5 =	simm.s32 @p1 $0x1;
	p0 =	seq.s32 s7, s2  }
0x1e: {  	s7 =	smul.u32 @!p0 $0xF7A, s2;
	p2 =	seq.s32 @!p0 s5, $0x0  }
0x1f: {  	s9 =	smul.u32 $0xF7A, s1;
	s8 =	simm.s32 @!p0 $0x1BF5;
	p2 =	por !p2, p0  }
0x20: {  	[sflag:s8] =	ssyncset.s32 @!p0 $0xFFFFF086;
	s6 =	sadd.s32 @!p0 s3, s7;
	s7 =	simm.s32 @!p0 $0x108  }
0x21: {  	s3 =	sadd.s32 s3, s9;
	s6 =	sadd.s32 @!p0 $0x88, s6;
	s7 =	simm.s32 @p2 $0x1082  }
0x22: {  	[simem:s7], [sflag:s8] =	dma.local @!p0 [hbm:s6], $0xF7A  }
0x23: {  	s9 =	sor.u32 $0xD0000000, s2;
	s6 =	simm.s32 $0x108;
	_ =	swait.ge @!p0 [sflag:s8], $0x0  }
0x24: {  	s3 =	sadd.s32 $0x88, s3;
	s6 =	simm.s32 @!p1 $0x1082;
	[sflag:s4] =	ssyncset.s32 $0xFFFFF086  }
0x25: {  	[simem:s6], [sflag:s4] =	dma.local [hbm:s3], $0xF7A  }
0x26: {  	[smem:$0x3F92] =	sst s1;
	(tag) =	ssettag s2;
	_ =	strace s9  }
0x27: {  	s1 =	sld [smem:$0x3FA2]  }
0x28: {  	s2 =	sld [smem:$0x3FA3]  }
0x29: {  	s4 =	sld [smem:$0x3FA5]  }
0x2a: {  	p0 =	seq.s32 s5, $0x0;
	s5 =	sld [smem:$0x3FA6]  }
0x2b: {  	s6 =	sld [smem:$0x3FA7]  }
0x2c: {  	s7 =	sld [smem:$0x3FA8]  }
0x2d: {  	s3 =	simm.s32 $0x108;
	s8 =	sld [smem:$0x3FA9]  }
0x2e: {  	s3 =	simm.s32 @!p0 $0x1082;
	s9 =	sld [smem:$0x3FAA]  }
0x2f: {  	lr =	sadd.s32 s0, s3;
	s0 =	sld [smem:$0x3FA1]  }
0x30: {  	s3 =	sld [smem:$0x3FA4]  }
0x31: {  	[smem:$0x3FAD] =	sst s10  }
0x32: {  	s10 =	sld [smem:$0x3FAB];
	_ =	sdelay $0x3  }
0x33: {  	p0 =	seq.s32 s10, $0x1;
	s10 =	sld [smem:$0x3FAD];
	_ =	sdelay $0x3  }
0x34: {  	[smem:$0x3FAD] =	sst s10  }
0x35: {  	s10 =	sld [smem:$0x3FAC];
	_ =	sdelay $0x3  }
0x36: {  	p1 =	seq.s32 s10, $0x1;
	s10 =	sld [smem:$0x3FAD];
	_ =	sdelay $0x3  }
0x37: {  	[smem:$0x3FAD] =	sst s10  }
0x38: {  	s10 =	sld [smem:$0x3FAE]  }
0x39: {  	_ = 	snop;
	(pc) =	sbr.ind lr, $3  }
0x3a: {  	_ = 	snop  }
0x3b: {  	_ = 	snop  }
0x3c: {  	p2 =	seq.s32 s10, $0x1;
	s10 =	sld [smem:$0x3FAD]  }
0x3d: {  	_ =	shalt  }
0x3e: {  	_ =	shalt  }
0x3f: {  	_ =	shalt  }
0x40: {  	_ =	shalt  }
0x41: {  	_ =	shalt  }
0x42: {  	_ =	shalt  }
0x43: {  	_ =	shalt  }
0x44: {  	_ =	shalt  }
0x45: {  	_ =	shalt  }
0x46: {  	_ =	shalt  }
0x47: {  	_ =	shalt  }
0x48: {  	_ =	shalt  }
0x49: {  	_ =	shalt  }
0x4a: {  	_ =	shalt  }
0x4b: {  	_ =	shalt  }
0x4c: {  	_ =	shalt  }
0x4d: {  	_ =	shalt  }
0x4e: {  	_ =	shalt  }
0x4f: {  	_ =	shalt  }
0x50: {  	_ =	shalt  }
0x51: {  	_ =	shalt  }
0x52: {  	_ =	shalt  }
0x53: {  	_ =	shalt  }
0x54: {  	_ =	shalt  }
0x55: {  	_ =	shalt  }
0x56: {  	_ =	shalt  }
0x57: {  	_ =	shalt  }
0x58: {  	_ =	shalt  }
0x59: {  	_ =	shalt  }
0x5a: {  	_ =	shalt  }
0x5b: {  	_ =	shalt  }
0x5c: {  	_ =	shalt  }
0x5d: {  	_ =	shalt  }
0x5e: {  	_ =	shalt  }
0x5f: {  	_ =	shalt  }
0x60: {  	_ =	shalt  }
0x61: {  	_ =	shalt  }
0x62: {  	_ =	shalt  }
0x63: {  	_ =	shalt  }
0x64: {  	_ =	shalt  }
0x65: {  	_ =	shalt  }
0x66: {  	_ =	shalt  }
0x67: {  	_ =	shalt  }
0x68: {  	_ =	shalt  }
0x69: {  	_ =	shalt  }
0x6a: {  	_ =	shalt  }
0x6b: {  	_ =	shalt  }
0x6c: {  	_ =	shalt  }
0x6d: {  	_ =	shalt  }
0x6e: {  	_ =	shalt  }
0x6f: {  	_ =	shalt  }
0x70: {  	_ =	shalt  }
0x71: {  	_ =	shalt  }
0x72: {  	_ =	shalt  }
0x73: {  	_ =	shalt  }
0x74: {  	_ =	shalt  }
0x75: {  	_ =	shalt  }
0x76: {  	_ =	shalt  }
0x77: {  	_ =	shalt  }
0x78: {  	_ =	shalt  }
0x79: {  	_ =	shalt  }
0x7a: {  	_ =	shalt  }
0x7b: {  	_ =	shalt  }
0x7c: {  	_ =	shalt  }
0x7d: {  	_ =	shalt  }
0x7e: {  	_ =	shalt  }
0x7f: {  	_ =	shalt  }
0x80: {  	_ =	shalt  }
0x81: {  	_ =	shalt  }
0x82: {  	_ =	shalt  }
0x83: {  	_ =	shalt  }
0x84: {  	_ =	shalt  }
0x85: {  	_ =	shalt  }
0x86: {  	_ =	shalt  }
0x87: {  	_ =	shalt  }
.Lfunc_end0:
.L_simem_size_0:
called_computation.1_lowered:
.L_overlay_start_0:
0x88: {  	s2 =	sld [smem:$0x3FD9]  }
0x89: {  	s3 =	sld [smem:$0x3FFE];
	_ =	sdelay $0x1  }
0x8a: {  	s1 =	srdreg.scid  }
0x8b: {  	s0 =	sand.u32 $0x1, s1  }
0x8c: {  	s17 =	sshll.u32 s0, $0xA;
	s2 =	sadd.s32 s3, s2  }
0x8d: {  	s2 =	sadd.s32 s2, s17  }
0x8e: {  	[smem:$0x3FB9] =	sst s2  }
0x8f: {  	_ = 	snop  }
0x90: {  	s18 =	sld [smem:$0x3FC8];
	(tm) =	ssettm $0x1  }
0x91: {  	s19 =	sld [smem:$0x3FFB];
	_ =	sdelay $0x3  }
0x92: {  	_ =	strace s19  }
0x93: {  	s2 =	sld [smem:$0x3FFC];
	_ =	sdelay $0x3  }
0x94: {  	_ =	strace s2  }
0x95: {  	s2 =	sld [smem:$0x3FFD];
	_ =	sdelay $0x3  }
0x96: {  	_ =	strace s2  }
0x97: {  	_ =	strace $0x8FFFFFFF  }
0x98: {  	s20 =	sld [smem:$0x3FDB];
	_ =	sdelay $0x1  }
0x99: {  	s4 =	simm.s32 $_scs_section_size  }
0x9a: {  	s5 =	simm.s32 $_size__tile_overlayer_lowered;
	s6 =	simm.s32 $_tile_overlayer_lowered  }
0x9b: {  	s7 =	simm.s32 $0x1BFF;
	s21 =	sshll.u32 s6, $0x1;
	s4 =	sadd.s32 s4, s20  }
0x9c: {  	s22 =	simm.s32 $0x0;
	s5 =	sshll.u32 s5, $0x1;
	s6 =	sadd.s32 s21, s4  }
0x9d: {  	[timem:s22], [sflag:s7] =	dma.local [hbm:s6], s5  }
0x9e: {  	_ =	swait.ge [sflag:s7], s5  }
0x9f: {  	s5 =	ssub.s32 $0x0, s5;
	[sflag:s7] =	ssyncset.done $0x0  }
0xa0: {  	[sflag:s7] =	ssyncadd.s32 s5;
	_ =	sdelay $0x1  }
0xa1: {  	s23 =	simm.s32 $0x1B8B  }
0xa2: {  	_ =	swait.ge [sflag:s23], $0x1  }
0xa3: {  	[sflag:s23] =	ssyncset.done $0x0  }
0xa4: {  	[sflag:s23] =	ssyncadd.s32 $0xFFFFFFFF  }
0xa5: {  	s5 =	sld [smem:$0x0]  }
0xa6: {  	s6 =	sand.u32 $0xFFFFFFFE, s1  }
0xa7: {  	p0 =	sne.s32 s1, s6  }
0xa8: {  	s6 =	sshll.u32 @p0 s6, $0xE  }
0xa9: {  	s6 =	sadd.s32 @p0 $0x11B8D, s6;
	s7 =	sshll.u32 @p0 s5, $0x11  }
0xaa: {  	s6 =	sor.u32 @p0 s7, s6  }
0xab: {  	[sflag:s6] =	ssyncadd.remote.s32 @p0 $0x1;
	_ =	sdelay $0x1  }
0xac: {  	s6 =	simm.s32 @p0 $0x1B8D  }
0xad: {  	_ =	swait.eq @p0 [sflag:s6], $0x1  }
0xae: {  	[sflag:s6] =	ssyncadd.s32 @p0 $0xFFFFFFFF  }
0xaf: {  	s7 =	sshll.u32 @!p0 s1, $0xE  }
0xb0: {  	s7 =	sor.u32 @!p0 $0x4000, s7;
	s6 =	simm.s32 @!p0 $0x1B8D  }
0xb1: {  	s5 =	sshll.u32 @!p0 s5, $0x11;
	s7 =	sadd.s32 @!p0 $0x11B8D, s7;
	_ =	swait.eq @!p0 [sflag:s6], $0x1  }
0xb2: {  	s5 =	sor.u32 @!p0 s5, s7;
	[sflag:s6] =	ssyncadd.s32 @!p0 $0xFFFFFFFF  }
0xb3: {  	s25 =	simm.s32 $0x1B8E;
	s24 =	sld [smem:$0x3FFE];
	[sflag:s5] =	ssyncadd.remote.s32 @!p0 $0x1  }
0xb4: {  	s26 =	simm.s32 $execute0_lowered;
	[smem:$0x3FD2] =	sst s25  }
0xb5: {  	s6 =	sshll.u32 s26, $0x1;
	_ =	strace $0x8000004C;
	[dreg:$0x1] =	wrdreg $0xFFFFFFFF  }
0xb6: {  	s28 =	simm.s32 $_size_execute0_lowered;
	s4 =	sadd.s32 s4, s6;
	[dreg:$0x0] =	wrdreg $0x0  }
0xb7: {  	s6 =	sshll.u32 s28, $0x1;
	[dreg:$0x2] =	wrdreg s4  }
0xb8: {  	[dreg:$0x3] =	wrdreg s6  }
0xb9: {  	[dreg:$0x4] =	wrdreg $0xC0  }
0xba: {  	_ =	task [dreg:s22], $0x5FFFF  }
0xbb: {  	[dreg:$0x1] =	wrdreg $0xFFFFFFFF  }
0xbc: {  	[dreg:$0x0] =	wrdreg $0x60  }
0xbd: {  	[dreg:$0x2] =	wrdreg s18  }
0xbe: {  	[dreg:$0x3] =	wrdreg s24  }
0xbf: {  	[dreg:$0x4] =	wrdreg $0x41000  }
0xc0: {  	[dreg:$0x5] =	wrdreg $0x9  }
0xc1: {  	_ =	task.clear_ibuf [dreg:s22], $0x6FFFF;
	_ =	strace $0x9000004C  }
0xc2: {  	s29 =	simm.s32 $0x9;
	_ =	strace $0x8000004E  }
0xc3: {  	_ =	swait.ge [sflag:s29], $0x1  }
0xc4: {  	[sflag:s29] =	ssyncadd.s32 $0xFFFFFFFF  }
0xc5: {  	_ =	strace $0x9000004E  }
0xc6: {  	_ =	sfence  }
0xc7: {  	s30 =	sld [smem:$0x0];
	_ =	sdelay $0x2  }
0xc8: {  	s31 =	sshll.u32 s1, $0xD;
	s1 =	sshrl.u32 s1, $0x2  }
0xc9: {  	s4 =	sand.u32 $0x4000, s31;
	s1 =	sadd.s32 s1, s30  }
0xca: {  	s0 =	sor.u32 s4, s0;
	s1 =	sshll.u32 s1, $0x11  }
0xcb: {  	s0 =	sor.u32 s1, s0  }
0xcc: {  	s0 =	sadd.s32 $0x8F2B, s0  }
0xcd: {  	[sflag:s0] =	ssyncadd.remote.s32 $0x1  }
0xce: {  	_ =	sfence.sel $0xFFFF  }
0xcf: {  	[dreg:$0x0] =	wrdreg $0xFFFFFFFF;
	(pc) =	sbr.abs _section_cstart, $3  }
0xd0: {  	[dreg:$0x1] =	wrdreg $0xFFFFFFFF  }
0xd1: {  	_ =	task.clear_ibuf [dreg:s22], $0x2FFFF;
	_ =	strace $0x9FFFFFFF  }
0xd2: {  	(tm) =	ssettm $0x7FFFFFFF  }
0xd3: {  	_ =	shalt  }
tec
execute0_lowered:
.L_overlay_start_1:
0x0: {  	(tag) =	ssettag $0x1  }
0x1: {  	s1 =	rddreg [dreg:$0x0]  }
0x2: {  	s8 =	rddreg [dreg:$0x1]  }
0x3: {  	s2 =	rddreg [dreg:$0x2]  }
0x4: {  	s0 =	rddreg [dreg:$0x3]  }
0x5: {  	s4 =	simm.s32 $0x0;
	s5 =	srdreg.scid;
	s3 =	stileid.u32  }
0x6: {  	s24 =	simm.s32 $0x1;
	s25 =	simm.s32 $0x0;
	[smem:$0x7FF] =	sst s4  }
0x7: {  	s20 =	sand.u32 $0x1, s5;
	s5 =	sadd.s32 $0x2E00, s8;
	s10 =	smul.u32 $0x50000, s3  }
0x8: {  	s6 =	sadd.s32 $0x7E00, s8;
	s13 =	smul.u32 $0x14000, s3;
	s7 =	sadd.s32 $0xCE00, s8  }
0x9: {  	s17 =	sadd.s32 $0xADE00, s8;
	s22 =	sshll.u32 s3, $0x1;
	s23 =	sshll.u32 s3, $0x8  }
0xa: {  	_ =	strace $0x8000004D;
	s9 =	ssub.s32 $0x2, s20;
	s21 =	smul.u32 $0x140000, s20  }
0xb: {  	s30 =	sor.u32 s22, s20;
	s20 =	sshll.u32 s20, $0x7;
	s22 =	simm.s32 $0x2  }
0xc: {  	s11 =	sshrl.u32 s9, $0x1;
	s29 =	sshrl.u32 s10, $0x2;
	s14 =	sadd.s32 $0x4000, s13  }
0xd: {  	s15 =	sadd.s32 $0x8000, s13;
	s16 =	sadd.s32 $0xC000, s13;
	s19 =	sadd.s32 $0x10000, s13  }
0xe: {  	s31 =	ssub.s32 $0x501, s30;
	s20 =	sor.u32 s20, s23;
	s23 =	simm.s32 $0x80  }
0xf: {  	s18 =	ssub.s32 s9, s11;
	s8 =	sadd.s32 s29, s2;
	s9 =	sadd.s32 s14, s2  }
0x10: {  	s10 =	sadd.s32 s15, s2;
	s11 =	sadd.s32 s16, s2;
	s12 =	sadd.s32 s19, s2  }
0x11: {  	s13 =	sadd.s32 s13, s21;
	s14 =	sadd.s32 s21, s14;
	s15 =	sadd.s32 s21, s15  }
0x12: {  	s16 =	sadd.s32 s21, s16;
	s19 =	sadd.s32 s21, s19;
	s21 =	simm.s32 $0x100  }
0x13: {  	s13 =	sshrl.u32 s13, $0x3;
	s14 =	sshrl.u32 s14, $0x3;
	s15 =	sshrl.u32 s15, $0x3  }
0x14: {  	s16 =	sshrl.u32 s16, $0x3;
	s19 =	sshrl.u32 s19, $0x3;
	s18 =	smax.u32 s18, $0x1  }
0x15: {  	s13 =	sadd.s32 s17, s13;
	s14 =	sadd.s32 s17, s14;
	s15 =	sadd.s32 s17, s15  }
0x16: {  	s16 =	sadd.s32 s17, s16;
	s17 =	sadd.s32 s17, s19;
	s19 =	sshrl.u32 s31, $0x5  }
.LBB2_1:
0x17: {  	[tilespmem:s21], [sflag:$0x2] =	stream.linear.gather [hbm4b:s7+s4], $0x4000, $0x38;
	[tilespmem:$0x18100] =	vst v63  }
0x18: {  	_ =	swait.ge [sflag:s22], $0x4000  }
0x19: {  	[sflag:s22] =	ssyncset.done $0x0  }
0x1a: {  	[sflag:s22] =	ssyncadd.s32 $0xFFFFC000  }
0x1b: {  	[spmem:s8] =	stream.linear.scatter [tilespmem:s21], [sflag:$0x2], $0x4000, $0x38;
	[tilespmem:$0x18100] =	vst v63  }
0x1c: {  	_ =	swait.ge [sflag:s22], $0x4000  }
0x1d: {  	[sflag:s22] =	ssyncset.done $0x0  }
0x1e: {  	[sflag:s22] =	ssyncadd.s32 $0xFFFFC000  }
0x1f: {  	[spmem:s9] =	stream.linear.scatter [tilespmem:s21], [sflag:$0x2], $0x4000, $0x38;
	[tilespmem:$0x18100] =	vst v63  }
0x20: {  	_ =	swait.ge [sflag:s22], $0x4000  }
0x21: {  	[sflag:s22] =	ssyncset.done $0x0  }
0x22: {  	[sflag:s22] =	ssyncadd.s32 $0xFFFFC000  }
0x23: {  	[spmem:s10] =	stream.linear.scatter [tilespmem:s21], [sflag:$0x2], $0x4000, $0x38;
	[tilespmem:$0x18100] =	vst v63  }
0x24: {  	_ =	swait.ge [sflag:s22], $0x4000  }
0x25: {  	[sflag:s22] =	ssyncset.done $0x0  }
0x26: {  	[sflag:s22] =	ssyncadd.s32 $0xFFFFC000  }
0x27: {  	[spmem:s11] =	stream.linear.scatter [tilespmem:s21], [sflag:$0x2], $0x4000, $0x38;
	[tilespmem:$0x18100] =	vst v63  }
0x28: {  	_ =	swait.ge [sflag:s22], $0x4000  }
0x29: {  	[sflag:s22] =	ssyncset.done $0x0  }
0x2a: {  	p1 =	sne.s32 s19, $0x1;
	[sflag:s22] =	ssyncadd.s32 $0xFFFFC000  }
0x2b: {  	[spmem:s12] =	stream.linear.scatter [tilespmem:s21], [sflag:$0x2], $0x4000, $0x38;
	[tilespmem:$0x18100] =	vst v63  }
.Ltmp0:
0x2c: {  	_ =	swait.ge [sflag:s22], $0x4000;
	(pc) =	sbr.rel @!p1 .LBB2_4-.Ltmp0, $4  }
0x2d: {  	[sflag:s22] =	ssyncset.done $0x0  }
0x2e: {  	[sflag:s22] =	ssyncadd.s32 $0xFFFFC000  }
0x2f: {  	[bflag:$0x0] =	sbarrier.arrive $0xFFFF  }
0x30: {  	s26 =	sadd.s32 $0xFFFFFFFF, s19;
	s29 =	sshrl.u32 s20, $0x3;
	p0 =	por $0x0, $0x0  }
0x31: {  	s28 =	sadd.s32 s5, s29  }
0x32: {  	[tilespmem:s4], [sflag:$0x2] =	stream.linear.gather [hbm4b:s28+s4], $0x80, $0x38;
	[tilespmem:$0x18100] =	vst v63  }
0x33: {  	_ =	swait.ge [sflag:s22], $0x80  }
0x34: {  	[sflag:s22] =	ssyncset.done $0x0  }
0x35: {  	s28 =	sadd.s32 s6, s29;
	[sflag:s22] =	ssyncadd.s32 $0xFFFFFF80  }
0x36: {  	[tilespmem:s23], [sflag:$0x2] =	stream.linear.gather [hbm4b:s28+s4], $0x80, $0x38;
	[tilespmem:$0x18100] =	vst v63  }
0x37: {  	_ =	swait.ge [sflag:s22], $0x80  }
0x38: {  	[sflag:s22] =	ssyncset.done $0x0  }
0x39: {  	[sflag:s22] =	ssyncadd.s32 $0xFFFFFF80  }
0x3a: {  	[tilespmem:s21], [sflag:$0x1] =	stream.indirect.gather [hbm4b:s1+s23], $0x80, s4, s23, $0xb8;
	[tilespmem:$0x18100] =	vst v63  }
0x3b: {  	p1 =	sne.s32 s26, $0x1;
	_ =	swait.ge [sflag:s24], $0x4000  }
.Ltmp1:
0x3c: {  	[sflag:s24] =	ssyncset.done $0x0;
	(pc) =	sbr.rel @!p1 .LBB2_4-.Ltmp1, $4  }
0x3d: {  	[sflag:s24] =	ssyncadd.s32 $0xFFFFC000  }
0x3e: {  	[spmem:s2] =	stream.indirect.scatter.add.f32 [tilespmem:s21], [sflag:$0x2], $0x80, s23, s23, $0xb8;
	[tilespmem:$0x18100] =	vst v63  }
0x3f: {  	s26 =	sadd.s32 $0xFFFFFFFF, s26;
	s28 =	sadd.s32 $0x1000, s20;
	_ =	swait.ge [sflag:s22], $0x4000  }
0x40: {  	p0 =	por $0x1, $0x1;
	s29 =	sshrl.u32 s28, $0x3;
	[sflag:s22] =	ssyncset.done $0x0  }
.LBB2_3:
0x41: {  	p1 =	sne.s32 s26, $0x1;
	s30 =	sadd.s32 s5, s29;
	[sflag:s22] =	ssyncadd.s32 $0xFFFFC000  }
0x42: {  	[tilespmem:s4], [sflag:$0x2] =	stream.linear.gather [hbm4b:s30+s4], $0x80, $0x38;
	[tilespmem:$0x18100] =	vst v63  }
0x43: {  	s26 =	sadd.s32 $0xFFFFFFFF, s26;
	_ =	swait.ge [sflag:s22], $0x80  }
0x44: {  	[sflag:s22] =	ssyncset.done $0x0  }
0x45: {  	s29 =	sadd.s32 s6, s29;
	[sflag:s22] =	ssyncadd.s32 $0xFFFFFF80  }
0x46: {  	[tilespmem:s23], [sflag:$0x2] =	stream.linear.gather [hbm4b:s29+s4], $0x80, $0x38;
	[tilespmem:$0x18100] =	vst v63  }
0x47: {  	_ =	swait.ge [sflag:s22], $0x80  }
0x48: {  	[sflag:s22] =	ssyncset.done $0x0  }
0x49: {  	[sflag:s22] =	ssyncadd.s32 $0xFFFFFF80  }
0x4a: {  	[tilespmem:s21], [sflag:$0x1] =	stream.indirect.gather [hbm4b:s1+s23], $0x80, s4, s23, $0xb8;
	[tilespmem:$0x18100] =	vst v63  }
0x4b: {  	_ =	swait.ge [sflag:s24], $0x4000  }
.Ltmp2:
0x4c: {  	[sflag:s24] =	ssyncset.done $0x0;
	(pc) =	sbr.rel @p1 .LBB2_3-.Ltmp2, $4  }
0x4d: {  	[sflag:s24] =	ssyncadd.s32 $0xFFFFC000  }
0x4e: {  	[spmem:s2] =	stream.indirect.scatter.add.f32 [tilespmem:s21], [sflag:$0x2], $0x80, s23, s23, $0xb8;
	[tilespmem:$0x18100] =	vst v63  }
0x4f: {  	s28 =	sadd.s32 $0x1000, s28;
	_ =	swait.ge [sflag:s22], $0x4000  }
0x50: {  	s29 =	sshrl.u32 s28, $0x3;
	[sflag:s22] =	ssyncset.done $0x0  }
.LBB2_4:
0x51: {  	s26 =	sadd.s32 s5, s29;
	[sflag:s22] =	ssyncadd.s32 @p0 $0xFFFFC000  }
0x52: {  	[tilespmem:s4], [sflag:$0x2] =	stream.linear.gather [hbm4b:s26+s4], $0x80, $0x38;
	[tilespmem:$0x18100] =	vst v63  }
0x53: {  	_ =	swait.ge [sflag:s22], $0x80  }
0x54: {  	[sflag:s22] =	ssyncset.done $0x0  }
0x55: {  	s31 =	sadd.s32 s6, s29;
	[sflag:s22] =	ssyncadd.s32 $0xFFFFFF80  }
0x56: {  	[tilespmem:s23], [sflag:$0x2] =	stream.linear.gather [hbm4b:s31+s4], $0x80, $0x38;
	[tilespmem:$0x18100] =	vst v63  }
0x57: {  	_ =	swait.ge [sflag:s22], $0x80  }
0x58: {  	[sflag:s22] =	ssyncset.done $0x0  }
0x59: {  	[sflag:s22] =	ssyncadd.s32 $0xFFFFFF80  }
0x5a: {  	[tilespmem:s21], [sflag:$0x1] =	stream.indirect.gather [hbm4b:s1+s23], $0x80, s4, s23, $0xb8;
	[tilespmem:$0x18100] =	vst v63  }
0x5b: {  	_ =	swait.ge [sflag:s24], $0x4000  }
0x5c: {  	[sflag:s24] =	ssyncset.done $0x0  }
0x5d: {  	[sflag:s24] =	ssyncadd.s32 $0xFFFFC000  }
0x5e: {  	[spmem:s2] =	stream.indirect.scatter.add.f32 [tilespmem:s21], [sflag:$0x2], $0x80, s23, s23, $0xb8;
	[tilespmem:$0x18100] =	vst v63  }
0x5f: {  	_ =	swait.ge [sflag:s22], $0x4000  }
0x60: {  	[sflag:s22] =	ssyncset.done $0x0  }
0x61: {  	[sflag:s22] =	ssyncadd.s32 $0xFFFFC000  }
0x62: {  	[bflag:$0x0] =	sbarrier.arrive $0xFFFF  }
0x63: {  	[tilespmem:s21], [sflag:$0x2] =	stream.linear.gather [spmem:s8], $0x4000, $0x38;
	[tilespmem:$0x18100] =	vst v63  }
0x64: {  	_ =	swait.ge [sflag:s22], $0x4000  }
0x65: {  	[sflag:s22] =	ssyncset.done $0x0  }
0x66: {  	[sflag:s22] =	ssyncadd.s32 $0xFFFFC000  }
0x67: {  	[hbm4b:s13+s4] =	stream.linear.scatter [tilespmem:s21], [sflag:$0x2], $0x4000, $0x38;
	[tilespmem:$0x18100] =	vst v63  }
0x68: {  	_ =	swait.ge [sflag:s22], $0x4000  }
0x69: {  	[sflag:s22] =	ssyncset.done $0x0  }
0x6a: {  	[sflag:s22] =	ssyncadd.s32 $0xFFFFC000  }
0x6b: {  	[tilespmem:s21], [sflag:$0x2] =	stream.linear.gather [spmem:s9], $0x4000, $0x38;
	[tilespmem:$0x18100] =	vst v63  }
0x6c: {  	_ =	swait.ge [sflag:s22], $0x4000  }
0x6d: {  	[sflag:s22] =	ssyncset.done $0x0  }
0x6e: {  	[sflag:s22] =	ssyncadd.s32 $0xFFFFC000  }
0x6f: {  	[hbm4b:s14+s4] =	stream.linear.scatter [tilespmem:s21], [sflag:$0x2], $0x4000, $0x38;
	[tilespmem:$0x18100] =	vst v63  }
0x70: {  	_ =	swait.ge [sflag:s22], $0x4000  }
0x71: {  	[sflag:s22] =	ssyncset.done $0x0  }
0x72: {  	[sflag:s22] =	ssyncadd.s32 $0xFFFFC000  }
0x73: {  	[tilespmem:s21], [sflag:$0x2] =	stream.linear.gather [spmem:s10], $0x4000, $0x38;
	[tilespmem:$0x18100] =	vst v63  }
0x74: {  	_ =	swait.ge [sflag:s22], $0x4000  }
0x75: {  	[sflag:s22] =	ssyncset.done $0x0  }
0x76: {  	[sflag:s22] =	ssyncadd.s32 $0xFFFFC000  }
0x77: {  	[hbm4b:s15+s4] =	stream.linear.scatter [tilespmem:s21], [sflag:$0x2], $0x4000, $0x38;
	[tilespmem:$0x18100] =	vst v63  }
0x78: {  	_ =	swait.ge [sflag:s22], $0x4000  }
0x79: {  	[sflag:s22] =	ssyncset.done $0x0  }
0x7a: {  	[sflag:s22] =	ssyncadd.s32 $0xFFFFC000  }
0x7b: {  	[tilespmem:s21], [sflag:$0x2] =	stream.linear.gather [spmem:s11], $0x4000, $0x38;
	[tilespmem:$0x18100] =	vst v63  }
0x7c: {  	_ =	swait.ge [sflag:s22], $0x4000  }
0x7d: {  	[sflag:s22] =	ssyncset.done $0x0  }
0x7e: {  	[sflag:s22] =	ssyncadd.s32 $0xFFFFC000  }
0x7f: {  	[hbm4b:s16+s4] =	stream.linear.scatter [tilespmem:s21], [sflag:$0x2], $0x4000, $0x38;
	[tilespmem:$0x18100] =	vst v63  }
0x80: {  	_ =	swait.ge [sflag:s22], $0x4000  }
0x81: {  	[sflag:s22] =	ssyncset.done $0x0  }
0x82: {  	[sflag:s22] =	ssyncadd.s32 $0xFFFFC000  }
0x83: {  	[tilespmem:s21], [sflag:$0x2] =	stream.linear.gather [spmem:s12], $0x4000, $0x38;
	[tilespmem:$0x18100] =	vst v63  }
0x84: {  	s25 =	sadd.s32 $0x1, s25;
	_ =	swait.ge [sflag:s22], $0x4000  }
0x85: {  	p0 =	sne.s32 s25, s18;
	[sflag:s22] =	ssyncset.done $0x0  }
.Ltmp3:
0x86: {  	[sflag:s22] =	ssyncadd.s32 $0xFFFFC000;
	(pc) =	sbr.rel @p0 .LBB2_1-.Ltmp3, $4  }
0x87: {  	[hbm4b:s17+s4] =	stream.linear.scatter [tilespmem:s21], [sflag:$0x2], $0x4000, $0x38;
	[tilespmem:$0x18100] =	vst v63  }
0x88: {  	_ =	swait.ge [sflag:s22], $0x4000  }
0x89: {  	[sflag:s22] =	ssyncset.done $0x0  }
0x8a: {  	[sflag:s22] =	ssyncadd.s32 $0xFFFFC000  }
0x8b: {  	_ =	sfence.sel $0x180000  }
0x8c: {  	[bflag:$0x0] =	sbarrier.arrive $0xFFFF  }
0x8d: {  	p0 =	sne.s32 s3, $0x0;
	_ =	strace $0x9000004D  }
0x8e: {  	s0 =	sadd.s32 @!p0 $0x100000, s0;
	[bflag:$0x2] =	sbarrier.arrive $0xFFFF  }
0x8f: {  	[sflag:s0] =	ssyncadd.tile.s32 @!p0 $0x1;
	_ =	shalt  }
.Lfunc_end2:
_tile_overlayer_lowered:
.L_overlay_start_2:
0x90: {  	(tag) =	ssettag $0x2  }
0x91: {  	s0 =	rddreg [dreg:$0x0];
	s2 =	stileid.u32  }
0x92: {  	s1 =	rddreg [dreg:$0x1];
	p0 =	sne.s32 s2, $0x0  }
0x93: {  	s3 =	rddreg [dreg:$0x2];
	[bflag:$0x3] =	sbarrier.arrive $0xFFFF;
	s2 =	simm.s32 @!p0 $0x1C02  }
0x94: {  	[timem:s3], [sflag:s2] =	dma.local @!p0 [hbm:s0], s1  }
0x95: {  	s0 =	simm.s32 @!p0 $0x2  }
0x96: {  	_ =	swait.ge @!p0 [sflag:s0], s1  }
0x97: {  	s1 =	ssub.s32 @!p0 $0x0, s1;
	[sflag:s0] =	ssyncset.done @!p0 $0x0  }
0x98: {  	[sflag:s0] =	ssyncadd.s32 @!p0 s1  }
0x99: {  	[bflag:$0x3] =	sbarrier.arrive $0xFFFF  }
0x9a: {  	_ =	shalt  }

// kernel: kernel.15.cloned.1.call-start
scs
__scs_entry_jumppad:
0x0: {  	(pc) =	sbr.rel $0x88, $3  }
0x1: {  	(tag) =	ssettag $0x0;
	lr =	simm.s32 $0x1  }
0x2: {  	[smem:$0x3F92] =	sst lr;
	_ =	strace $0xD0000000  }
0x3: {  	_ = 	snop  }
0x4: {  	_ = 	snop  }
0x5: {  	_ = 	snop  }
0x6: {  	_ = 	snop  }
0x7: {  	_ = 	snop  }
__scs_overlays_trampoline_lowered:
0x8: {  	[smem:$0x3FA1] =	sst s0  }
0x9: {  	[smem:$0x3FA2] =	sst s1  }
0xa: {  	[smem:$0x3FA3] =	sst s2  }
0xb: {  	[smem:$0x3FA4] =	sst s3  }
0xc: {  	[smem:$0x3FA5] =	sst s4  }
0xd: {  	[smem:$0x3FA6] =	sst s5  }
0xe: {  	[smem:$0x3FA7] =	sst s6  }
0xf: {  	[smem:$0x3FA8] =	sst s7  }
0x10: {  	[smem:$0x3FA9] =	sst s8  }
0x11: {  	[smem:$0x3FAA] =	sst s9;
	s0 =	simm.s32 @!p0 $0x0  }
0x12: {  	s1 =	sld [smem:$0x3F90];
	s0 =	simm.s32 @p0 $0x1  }
0x13: {  	[smem:$0x3FAB] =	sst s0;
	s0 =	simm.s32 @!p1 $0x0  }
0x14: {  	s2 =	sld [smem:$0x3F8F];
	s0 =	simm.s32 @p1 $0x1  }
0x15: {  	[smem:$0x3FAC] =	sst s0;
	s0 =	simm.s32 @!p2 $0x0  }
0x16: {  	s3 =	sld [smem:$0x3FDB];
	s0 =	simm.s32 @p2 $0x1  }
0x17: {  	s4 =	simm.s32 $0x1BF5;
	[smem:$0x3FAE] =	sst s0  }
0x18: {  	s0 =	sld [smem:$0x3F91];
	_ =	swait.ge [sflag:s4], $0x0  }
0x19: {  	s7 =	sld [smem:$0x3F92]  }
0x1a: {  	s8 =	sadd.s32 $0xFFFFE003, lr  }
0x1b: {  	s9 =	sadd.s32 $0xFFFFFEF7, lr;
	s5 =	simm.s32 $0xFFFFFFFF;
	p2 =	slt.u32 s8, $0xFFFFF086  }
0x1c: {  	p1 =	slt.u32 s9, $0xF7A;
	s5 =	simm.s32 @!p2 $0x0  }
0x1d: {  	s5 =	simm.s32 @p1 $0x1;
	p0 =	seq.s32 s7, s2  }
0x1e: {  	s7 =	smul.u32 @!p0 $0xF7A, s2;
	p2 =	seq.s32 @!p0 s5, $0x0  }
0x1f: {  	s9 =	smul.u32 $0xF7A, s1;
	s8 =	simm.s32 @!p0 $0x1BF5;
	p2 =	por !p2, p0  }
0x20: {  	[sflag:s8] =	ssyncset.s32 @!p0 $0xFFFFF086;
	s6 =	sadd.s32 @!p0 s3, s7;
	s7 =	simm.s32 @!p0 $0x108  }
0x21: {  	s3 =	sadd.s32 s3, s9;
	s6 =	sadd.s32 @!p0 $0x88, s6;
	s7 =	simm.s32 @p2 $0x1082  }
0x22: {  	[simem:s7], [sflag:s8] =	dma.local @!p0 [hbm:s6], $0xF7A  }
0x23: {  	s9 =	sor.u32 $0xD0000000, s2;
	s6 =	simm.s32 $0x108;
	_ =	swait.ge @!p0 [sflag:s8], $0x0  }
0x24: {  	s3 =	sadd.s32 $0x88, s3;
	s6 =	simm.s32 @!p1 $0x1082;
	[sflag:s4] =	ssyncset.s32 $0xFFFFF086  }
0x25: {  	[simem:s6], [sflag:s4] =	dma.local [hbm:s3], $0xF7A  }
0x26: {  	[smem:$0x3F92] =	sst s1;
	(tag) =	ssettag s2;
	_ =	strace s9  }
0x27: {  	s1 =	sld [smem:$0x3FA2]  }
0x28: {  	s2 =	sld [smem:$0x3FA3]  }
0x29: {  	s4 =	sld [smem:$0x3FA5]  }
0x2a: {  	p0 =	seq.s32 s5, $0x0;
	s5 =	sld [smem:$0x3FA6]  }
0x2b: {  	s6 =	sld [smem:$0x3FA7]  }
0x2c: {  	s7 =	sld [smem:$0x3FA8]  }
0x2d: {  	s3 =	simm.s32 $0x108;
	s8 =	sld [smem:$0x3FA9]  }
0x2e: {  	s3 =	simm.s32 @!p0 $0x1082;
	s9 =	sld [smem:$0x3FAA]  }
0x2f: {  	lr =	sadd.s32 s0, s3;
	s0 =	sld [smem:$0x3FA1]  }
0x30: {  	s3 =	sld [smem:$0x3FA4]  }
0x31: {  	[smem:$0x3FAD] =	sst s10  }
0x32: {  	s10 =	sld [smem:$0x3FAB];
	_ =	sdelay $0x3  }
0x33: {  	p0 =	seq.s32 s10, $0x1;
	s10 =	sld [smem:$0x3FAD];
	_ =	sdelay $0x3  }
0x34: {  	[smem:$0x3FAD] =	sst s10  }
0x35: {  	s10 =	sld [smem:$0x3FAC];
	_ =	sdelay $0x3  }
0x36: {  	p1 =	seq.s32 s10, $0x1;
	s10 =	sld [smem:$0x3FAD];
	_ =	sdelay $0x3  }
0x37: {  	[smem:$0x3FAD] =	sst s10  }
0x38: {  	s10 =	sld [smem:$0x3FAE]  }
0x39: {  	_ = 	snop;
	(pc) =	sbr.ind lr, $3  }
0x3a: {  	_ = 	snop  }
0x3b: {  	_ = 	snop  }
0x3c: {  	p2 =	seq.s32 s10, $0x1;
	s10 =	sld [smem:$0x3FAD]  }
0x3d: {  	_ =	shalt  }
0x3e: {  	_ =	shalt  }
0x3f: {  	_ =	shalt  }
0x40: {  	_ =	shalt  }
0x41: {  	_ =	shalt  }
0x42: {  	_ =	shalt  }
0x43: {  	_ =	shalt  }
0x44: {  	_ =	shalt  }
0x45: {  	_ =	shalt  }
0x46: {  	_ =	shalt  }
0x47: {  	_ =	shalt  }
0x48: {  	_ =	shalt  }
0x49: {  	_ =	shalt  }
0x4a: {  	_ =	shalt  }
0x4b: {  	_ =	shalt  }
0x4c: {  	_ =	shalt  }
0x4d: {  	_ =	shalt  }
0x4e: {  	_ =	shalt  }
0x4f: {  	_ =	shalt  }
0x50: {  	_ =	shalt  }
0x51: {  	_ =	shalt  }
0x52: {  	_ =	shalt  }
0x53: {  	_ =	shalt  }
0x54: {  	_ =	shalt  }
0x55: {  	_ =	shalt  }
0x56: {  	_ =	shalt  }
0x57: {  	_ =	shalt  }
0x58: {  	_ =	shalt  }
0x59: {  	_ =	shalt  }
0x5a: {  	_ =	shalt  }
0x5b: {  	_ =	shalt  }
0x5c: {  	_ =	shalt  }
0x5d: {  	_ =	shalt  }
0x5e: {  	_ =	shalt  }
0x5f: {  	_ =	shalt  }
0x60: {  	_ =	shalt  }
0x61: {  	_ =	shalt  }
0x62: {  	_ =	shalt  }
0x63: {  	_ =	shalt  }
0x64: {  	_ =	shalt  }
0x65: {  	_ =	shalt  }
0x66: {  	_ =	shalt  }
0x67: {  	_ =	shalt  }
0x68: {  	_ =	shalt  }
0x69: {  	_ =	shalt  }
0x6a: {  	_ =	shalt  }
0x6b: {  	_ =	shalt  }
0x6c: {  	_ =	shalt  }
0x6d: {  	_ =	shalt  }
0x6e: {  	_ =	shalt  }
0x6f: {  	_ =	shalt  }
0x70: {  	_ =	shalt  }
0x71: {  	_ =	shalt  }
0x72: {  	_ =	shalt  }
0x73: {  	_ =	shalt  }
0x74: {  	_ =	shalt  }
0x75: {  	_ =	shalt  }
0x76: {  	_ =	shalt  }
0x77: {  	_ =	shalt  }
0x78: {  	_ =	shalt  }
0x79: {  	_ =	shalt  }
0x7a: {  	_ =	shalt  }
0x7b: {  	_ =	shalt  }
0x7c: {  	_ =	shalt  }
0x7d: {  	_ =	shalt  }
0x7e: {  	_ =	shalt  }
0x7f: {  	_ =	shalt  }
0x80: {  	_ =	shalt  }
0x81: {  	_ =	shalt  }
0x82: {  	_ =	shalt  }
0x83: {  	_ =	shalt  }
0x84: {  	_ =	shalt  }
0x85: {  	_ =	shalt  }
0x86: {  	_ =	shalt  }
0x87: {  	_ =	shalt  }
.Lfunc_end0:
.L_simem_size_0:
called_computation.2_lowered:
.L_overlay_start_0:
0x88: {  	s2 =	sld [smem:$0x3FD9]  }
0x89: {  	s3 =	sld [smem:$0x3FFE];
	_ =	sdelay $0x1  }
0x8a: {  	s1 =	srdreg.scid  }
0x8b: {  	s0 =	sand.u32 $0x1, s1  }
0x8c: {  	s15 =	sshll.u32 s0, $0xA;
	s2 =	sadd.s32 s3, s2  }
0x8d: {  	s2 =	sadd.s32 s2, s15  }
0x8e: {  	[smem:$0x3FB9] =	sst s2  }
0x8f: {  	_ = 	snop  }
0x90: {  	s2 =	sld [smem:$0x3FD0];
	_ =	sdelay $0x2  }
0x91: {  	s5 =	simm.s32 $0xC;
	s4 =	simm.s32 $0x10;
	s16 =	sld [smem:$0x3FC9]  }
0x92: {  	[smem:s4], [sflag:s5] =	dma.local [hbm:s2], $0x1  }
0x93: {  	_ =	swait.eq [sflag:s5], $0x1  }
0x94: {  	[sflag:s5] =	ssyncset.done $0x0  }
0x95: {  	s17 =	sld [smem:$0x10];
	[sflag:s5] =	ssyncadd.s32 $0xFFFFFFFF  }
0x96: {  	s18 =	sld [smem:$0x11];
	(tm) =	ssettm $0x1  }
0x97: {  	s19 =	sld [smem:$0x3FFB];
	_ =	sdelay $0x3  }
0x98: {  	_ =	strace s19  }
0x99: {  	s2 =	sld [smem:$0x3FFC];
	_ =	sdelay $0x3  }
0x9a: {  	_ =	strace s2  }
0x9b: {  	s2 =	sld [smem:$0x3FFD];
	_ =	sdelay $0x3  }
0x9c: {  	_ =	strace s2  }
0x9d: {  	_ =	strace $0x8FFFFFFF  }
0x9e: {  	s20 =	sld [smem:$0x3FDB];
	_ =	sdelay $0x1  }
0x9f: {  	s6 =	simm.s32 $_scs_section_size  }
0xa0: {  	s7 =	simm.s32 $_size__tile_overlayer_lowered;
	s8 =	simm.s32 $_tile_overlayer_lowered  }
0xa1: {  	s9 =	simm.s32 $0x1BFF;
	s21 =	sshll.u32 s8, $0x1;
	s6 =	sadd.s32 s6, s20  }
0xa2: {  	s22 =	simm.s32 $0x0;
	s7 =	sshll.u32 s7, $0x1;
	s8 =	sadd.s32 s21, s6  }
0xa3: {  	[timem:s22], [sflag:s9] =	dma.local [hbm:s8], s7  }
0xa4: {  	_ =	swait.ge [sflag:s9], s7  }
0xa5: {  	s7 =	ssub.s32 $0x0, s7;
	[sflag:s9] =	ssyncset.done $0x0  }
0xa6: {  	[sflag:s9] =	ssyncadd.s32 s7;
	_ =	sdelay $0x1  }
0xa7: {  	s23 =	simm.s32 $0x1B8B  }
0xa8: {  	_ =	swait.ge [sflag:s23], $0x1  }
0xa9: {  	[sflag:s23] =	ssyncset.done $0x0  }
0xaa: {  	[sflag:s23] =	ssyncadd.s32 $0xFFFFFFFF  }
0xab: {  	s7 =	sld [smem:$0x0]  }
0xac: {  	s8 =	sand.u32 $0xFFFFFFFE, s1  }
0xad: {  	p0 =	sne.s32 s1, s8  }
0xae: {  	s8 =	sshll.u32 @p0 s8, $0xE  }
0xaf: {  	s8 =	sadd.s32 @p0 $0x11B8D, s8;
	s9 =	sshll.u32 @p0 s7, $0x11  }
0xb0: {  	s8 =	sor.u32 @p0 s9, s8  }
0xb1: {  	[sflag:s8] =	ssyncadd.remote.s32 @p0 $0x1;
	_ =	sdelay $0x1  }
0xb2: {  	s8 =	simm.s32 @p0 $0x1B8D  }
0xb3: {  	_ =	swait.eq @p0 [sflag:s8], $0x1  }
0xb4: {  	[sflag:s8] =	ssyncadd.s32 @p0 $0xFFFFFFFF  }
0xb5: {  	s9 =	sshll.u32 @!p0 s1, $0xE  }
0xb6: {  	s9 =	sor.u32 @!p0 $0x4000, s9;
	s8 =	simm.s32 @!p0 $0x1B8D  }
0xb7: {  	s7 =	sshll.u32 @!p0 s7, $0x11;
	s9 =	sadd.s32 @!p0 $0x11B8D, s9;
	_ =	swait.eq @!p0 [sflag:s8], $0x1  }
0xb8: {  	s7 =	sor.u32 @!p0 s7, s9;
	[sflag:s8] =	ssyncadd.s32 @!p0 $0xFFFFFFFF  }
0xb9: {  	s25 =	simm.s32 $0x1B8E;
	s24 =	sld [smem:$0x3FFE];
	[sflag:s7] =	ssyncadd.remote.s32 @!p0 $0x1  }
0xba: {  	s26 =	simm.s32 $execute0_lowered;
	[smem:$0x3FD2] =	sst s25  }
0xbb: {  	s8 =	sshll.u32 s26, $0x1;
	_ =	strace $0x80000049;
	[dreg:$0x1] =	wrdreg $0xFFFFFFFF  }
0xbc: {  	s28 =	simm.s32 $_size_execute0_lowered;
	s6 =	sadd.s32 s6, s8;
	[dreg:$0x0] =	wrdreg $0x0  }
0xbd: {  	s8 =	sshll.u32 s28, $0x1;
	[dreg:$0x2] =	wrdreg s6  }
0xbe: {  	[dreg:$0x3] =	wrdreg s8  }
0xbf: {  	[dreg:$0x4] =	wrdreg $0xC0  }
0xc0: {  	_ =	task [dreg:s22], $0x5FFFF  }
0xc1: {  	[dreg:$0x1] =	wrdreg $0xFFFFFFFF  }
0xc2: {  	[dreg:$0x0] =	wrdreg $0x60  }
0xc3: {  	[dreg:$0x2] =	wrdreg s16  }
0xc4: {  	[dreg:$0x3] =	wrdreg s18  }
0xc5: {  	[dreg:$0x4] =	wrdreg s17  }
0xc6: {  	[dreg:$0x5] =	wrdreg s24  }
0xc7: {  	[dreg:$0x6] =	wrdreg $0x41000  }
0xc8: {  	[dreg:$0x7] =	wrdreg $0xB  }
0xc9: {  	_ =	task.clear_ibuf [dreg:s22], $0x8FFFF;
	_ =	strace $0x90000049  }
0xca: {  	s29 =	simm.s32 $0xB;
	_ =	strace $0x8000004B  }
0xcb: {  	_ =	swait.ge [sflag:s29], $0x1  }
0xcc: {  	[sflag:s29] =	ssyncadd.s32 $0xFFFFFFFF  }
0xcd: {  	_ =	strace $0x9000004B  }
0xce: {  	_ =	sfence  }
0xcf: {  	s30 =	sld [smem:$0x0];
	_ =	sdelay $0x2  }
0xd0: {  	s31 =	sshll.u32 s1, $0xD;
	s1 =	sshrl.u32 s1, $0x2  }
0xd1: {  	s4 =	sand.u32 $0x4000, s31;
	s1 =	sadd.s32 s1, s30  }
0xd2: {  	s0 =	sor.u32 s4, s0;
	s1 =	sshll.u32 s1, $0x11  }
0xd3: {  	s0 =	sor.u32 s1, s0  }
0xd4: {  	s0 =	sadd.s32 $0x8F2B, s0  }
0xd5: {  	[sflag:s0] =	ssyncadd.remote.s32 $0x1  }
0xd6: {  	_ =	sfence.sel $0xFFFF  }
0xd7: {  	[dreg:$0x0] =	wrdreg $0xFFFFFFFF;
	(pc) =	sbr.abs _section_cstart, $3  }
0xd8: {  	[dreg:$0x1] =	wrdreg $0xFFFFFFFF  }
0xd9: {  	_ =	task.clear_ibuf [dreg:s22], $0x2FFFF;
	_ =	strace $0x9FFFFFFF  }
0xda: {  	(tm) =	ssettm $0x7FFFFFFF  }
0xdb: {  	_ =	shalt  }
tec
execute0_lowered:
.L_overlay_start_1:
0x0: {  	(tag) =	ssettag $0x1  }
0x1: {  	s1 =	rddreg [dreg:$0x0]  }
0x2: {  	s2 =	rddreg [dreg:$0x1]  }
0x3: {  	s3 =	rddreg [dreg:$0x2]  }
0x4: {  	s8 =	rddreg [dreg:$0x3]  }
0x5: {  	s5 =	rddreg [dreg:$0x4]  }
0x6: {  	s0 =	rddreg [dreg:$0x5];
	s7 =	srdreg.scid  }
0x7: {  	s6 =	simm.s32 $0x0;
	s4 =	stileid.u32;
	s24 =	simm.s32 $0x1  }
0x8: {  	s25 =	simm.s32 $0x0;
	s20 =	sand.u32 $0x1, s7;
	s10 =	smul.u32 $0x50000, s4  }
0x9: {  	[smem:$0x7FF] =	sst s6;
	s13 =	smul.u32 $0x14000, s4;
	s7 =	sadd.s32 $0xCE00, s8  }
0xa: {  	s17 =	sadd.s32 $0x5DE00, s8;
	s22 =	sshll.u32 s4, $0x1;
	s23 =	sshll.u32 s4, $0x8  }
0xb: {  	s9 =	ssub.s32 $0x2, s20;
	_ =	strace $0x8000004A;
	s21 =	smul.u32 $0x140000, s20  }
0xc: {  	s30 =	sor.u32 s22, s20;
	s20 =	sshll.u32 s20, $0x7;
	s22 =	simm.s32 $0x2  }
0xd: {  	s11 =	sshrl.u32 s9, $0x1;
	s29 =	sshrl.u32 s10, $0x2;
	s14 =	sadd.s32 $0x4000, s13  }
0xe: {  	s15 =	sadd.s32 $0x8000, s13;
	s16 =	sadd.s32 $0xC000, s13;
	s19 =	sadd.s32 $0x10000, s13  }
0xf: {  	s31 =	ssub.s32 $0x501, s30;
	s20 =	sor.u32 s20, s23;
	s23 =	simm.s32 $0x80  }
0x10: {  	s18 =	ssub.s32 s9, s11;
	s8 =	sadd.s32 s29, s5;
	s9 =	sadd.s32 s14, s5  }
0x11: {  	s10 =	sadd.s32 s15, s5;
	s11 =	sadd.s32 s16, s5;
	s12 =	sadd.s32 s19, s5  }
0x12: {  	s13 =	sadd.s32 s13, s21;
	s14 =	sadd.s32 s21, s14;
	s15 =	sadd.s32 s21, s15  }
0x13: {  	s16 =	sadd.s32 s21, s16;
	s19 =	sadd.s32 s21, s19;
	s21 =	simm.s32 $0x100  }
0x14: {  	s13 =	sshrl.u32 s13, $0x3;
	s14 =	sshrl.u32 s14, $0x3;
	s15 =	sshrl.u32 s15, $0x3  }
0x15: {  	s16 =	sshrl.u32 s16, $0x3;
	s19 =	sshrl.u32 s19, $0x3;
	s18 =	smax.u32 s18, $0x1  }
0x16: {  	s13 =	sadd.s32 s17, s13;
	s14 =	sadd.s32 s17, s14;
	s15 =	sadd.s32 s17, s15  }
0x17: {  	s16 =	sadd.s32 s17, s16;
	s17 =	sadd.s32 s17, s19;
	s19 =	sshrl.u32 s31, $0x5  }
.LBB2_1:
0x18: {  	[tilespmem:s21], [sflag:$0x2] =	stream.linear.gather [hbm4b:s7+s6], $0x4000, $0x38;
	[tilespmem:$0x18100] =	vst v63  }
0x19: {  	_ =	swait.ge [sflag:s22], $0x4000  }
0x1a: {  	[sflag:s22] =	ssyncset.done $0x0  }
0x1b: {  	[sflag:s22] =	ssyncadd.s32 $0xFFFFC000  }
0x1c: {  	[spmem:s8] =	stream.linear.scatter [tilespmem:s21], [sflag:$0x2], $0x4000, $0x38;
	[tilespmem:$0x18100] =	vst v63  }
0x1d: {  	_ =	swait.ge [sflag:s22], $0x4000  }
0x1e: {  	[sflag:s22] =	ssyncset.done $0x0  }
0x1f: {  	[sflag:s22] =	ssyncadd.s32 $0xFFFFC000  }
0x20: {  	[spmem:s9] =	stream.linear.scatter [tilespmem:s21], [sflag:$0x2], $0x4000, $0x38;
	[tilespmem:$0x18100] =	vst v63  }
0x21: {  	_ =	swait.ge [sflag:s22], $0x4000  }
0x22: {  	[sflag:s22] =	ssyncset.done $0x0  }
0x23: {  	[sflag:s22] =	ssyncadd.s32 $0xFFFFC000  }
0x24: {  	[spmem:s10] =	stream.linear.scatter [tilespmem:s21], [sflag:$0x2], $0x4000, $0x38;
	[tilespmem:$0x18100] =	vst v63  }
0x25: {  	_ =	swait.ge [sflag:s22], $0x4000  }
0x26: {  	[sflag:s22] =	ssyncset.done $0x0  }
0x27: {  	[sflag:s22] =	ssyncadd.s32 $0xFFFFC000  }
0x28: {  	[spmem:s11] =	stream.linear.scatter [tilespmem:s21], [sflag:$0x2], $0x4000, $0x38;
	[tilespmem:$0x18100] =	vst v63  }
0x29: {  	_ =	swait.ge [sflag:s22], $0x4000  }
0x2a: {  	[sflag:s22] =	ssyncset.done $0x0  }
0x2b: {  	p1 =	sne.s32 s19, $0x1;
	[sflag:s22] =	ssyncadd.s32 $0xFFFFC000  }
0x2c: {  	[spmem:s12] =	stream.linear.scatter [tilespmem:s21], [sflag:$0x2], $0x4000, $0x38;
	[tilespmem:$0x18100] =	vst v63  }
.Ltmp0:
0x2d: {  	_ =	swait.ge [sflag:s22], $0x4000;
	(pc) =	sbr.rel @!p1 .LBB2_4-.Ltmp0, $4  }
0x2e: {  	[sflag:s22] =	ssyncset.done $0x0  }
0x2f: {  	[sflag:s22] =	ssyncadd.s32 $0xFFFFC000  }
0x30: {  	[bflag:$0x0] =	sbarrier.arrive $0xFFFF  }
0x31: {  	s26 =	sadd.s32 $0xFFFFFFFF, s19;
	s29 =	sshrl.u32 s20, $0x3;
	p0 =	por $0x0, $0x0  }
0x32: {  	s28 =	sadd.s32 s2, s29  }
0x33: {  	[tilespmem:s6], [sflag:$0x2] =	stream.linear.gather [hbm4b:s28+s6], $0x80, $0x38;
	[tilespmem:$0x18100] =	vst v63  }
0x34: {  	_ =	swait.ge [sflag:s22], $0x80  }
0x35: {  	[sflag:s22] =	ssyncset.done $0x0  }
0x36: {  	s28 =	sadd.s32 s3, s29;
	[sflag:s22] =	ssyncadd.s32 $0xFFFFFF80  }
0x37: {  	[tilespmem:s23], [sflag:$0x2] =	stream.linear.gather [hbm4b:s28+s6], $0x80, $0x38;
	[tilespmem:$0x18100] =	vst v63  }
0x38: {  	_ =	swait.ge [sflag:s22], $0x80  }
0x39: {  	[sflag:s22] =	ssyncset.done $0x0  }
0x3a: {  	[sflag:s22] =	ssyncadd.s32 $0xFFFFFF80  }
0x3b: {  	[tilespmem:s21], [sflag:$0x1] =	stream.indirect.gather [hbm4b:s1+s23], $0x80, s6, s23, $0xb8;
	[tilespmem:$0x18100] =	vst v63  }
0x3c: {  	p1 =	sne.s32 s26, $0x1;
	_ =	swait.ge [sflag:s24], $0x4000  }
.Ltmp1:
0x3d: {  	[sflag:s24] =	ssyncset.done $0x0;
	(pc) =	sbr.rel @!p1 .LBB2_4-.Ltmp1, $4  }
0x3e: {  	[sflag:s24] =	ssyncadd.s32 $0xFFFFC000  }
0x3f: {  	[spmem:s5] =	stream.indirect.scatter.add.f32 [tilespmem:s21], [sflag:$0x2], $0x80, s23, s23, $0xb8;
	[tilespmem:$0x18100] =	vst v63  }
0x40: {  	s26 =	sadd.s32 $0xFFFFFFFF, s26;
	s28 =	sadd.s32 $0x1000, s20;
	_ =	swait.ge [sflag:s22], $0x4000  }
0x41: {  	p0 =	por $0x1, $0x1;
	s29 =	sshrl.u32 s28, $0x3;
	[sflag:s22] =	ssyncset.done $0x0  }
.LBB2_3:
0x42: {  	p1 =	sne.s32 s26, $0x1;
	s30 =	sadd.s32 s2, s29;
	[sflag:s22] =	ssyncadd.s32 $0xFFFFC000  }
0x43: {  	[tilespmem:s6], [sflag:$0x2] =	stream.linear.gather [hbm4b:s30+s6], $0x80, $0x38;
	[tilespmem:$0x18100] =	vst v63  }
0x44: {  	s26 =	sadd.s32 $0xFFFFFFFF, s26;
	_ =	swait.ge [sflag:s22], $0x80  }
0x45: {  	[sflag:s22] =	ssyncset.done $0x0  }
0x46: {  	s29 =	sadd.s32 s3, s29;
	[sflag:s22] =	ssyncadd.s32 $0xFFFFFF80  }
0x47: {  	[tilespmem:s23], [sflag:$0x2] =	stream.linear.gather [hbm4b:s29+s6], $0x80, $0x38;
	[tilespmem:$0x18100] =	vst v63  }
0x48: {  	_ =	swait.ge [sflag:s22], $0x80  }
0x49: {  	[sflag:s22] =	ssyncset.done $0x0  }
0x4a: {  	[sflag:s22] =	ssyncadd.s32 $0xFFFFFF80  }
0x4b: {  	[tilespmem:s21], [sflag:$0x1] =	stream.indirect.gather [hbm4b:s1+s23], $0x80, s6, s23, $0xb8;
	[tilespmem:$0x18100] =	vst v63  }
0x4c: {  	_ =	swait.ge [sflag:s24], $0x4000  }
.Ltmp2:
0x4d: {  	[sflag:s24] =	ssyncset.done $0x0;
	(pc) =	sbr.rel @p1 .LBB2_3-.Ltmp2, $4  }
0x4e: {  	[sflag:s24] =	ssyncadd.s32 $0xFFFFC000  }
0x4f: {  	[spmem:s5] =	stream.indirect.scatter.add.f32 [tilespmem:s21], [sflag:$0x2], $0x80, s23, s23, $0xb8;
	[tilespmem:$0x18100] =	vst v63  }
0x50: {  	s28 =	sadd.s32 $0x1000, s28;
	_ =	swait.ge [sflag:s22], $0x4000  }
0x51: {  	s29 =	sshrl.u32 s28, $0x3;
	[sflag:s22] =	ssyncset.done $0x0  }
.LBB2_4:
0x52: {  	s26 =	sadd.s32 s2, s29;
	[sflag:s22] =	ssyncadd.s32 @p0 $0xFFFFC000  }
0x53: {  	[tilespmem:s6], [sflag:$0x2] =	stream.linear.gather [hbm4b:s26+s6], $0x80, $0x38;
	[tilespmem:$0x18100] =	vst v63  }
0x54: {  	_ =	swait.ge [sflag:s22], $0x80  }
0x55: {  	[sflag:s22] =	ssyncset.done $0x0  }
0x56: {  	s31 =	sadd.s32 s3, s29;
	[sflag:s22] =	ssyncadd.s32 $0xFFFFFF80  }
0x57: {  	[tilespmem:s23], [sflag:$0x2] =	stream.linear.gather [hbm4b:s31+s6], $0x80, $0x38;
	[tilespmem:$0x18100] =	vst v63  }
0x58: {  	_ =	swait.ge [sflag:s22], $0x80  }
0x59: {  	[sflag:s22] =	ssyncset.done $0x0  }
0x5a: {  	[sflag:s22] =	ssyncadd.s32 $0xFFFFFF80  }
0x5b: {  	[tilespmem:s21], [sflag:$0x1] =	stream.indirect.gather [hbm4b:s1+s23], $0x80, s6, s23, $0xb8;
	[tilespmem:$0x18100] =	vst v63  }
0x5c: {  	_ =	swait.ge [sflag:s24], $0x4000  }
0x5d: {  	[sflag:s24] =	ssyncset.done $0x0  }
0x5e: {  	[sflag:s24] =	ssyncadd.s32 $0xFFFFC000  }
0x5f: {  	[spmem:s5] =	stream.indirect.scatter.add.f32 [tilespmem:s21], [sflag:$0x2], $0x80, s23, s23, $0xb8;
	[tilespmem:$0x18100] =	vst v63  }
0x60: {  	_ =	swait.ge [sflag:s22], $0x4000  }
0x61: {  	[sflag:s22] =	ssyncset.done $0x0  }
0x62: {  	[sflag:s22] =	ssyncadd.s32 $0xFFFFC000  }
0x63: {  	[bflag:$0x0] =	sbarrier.arrive $0xFFFF  }
0x64: {  	[tilespmem:s21], [sflag:$0x2] =	stream.linear.gather [spmem:s8], $0x4000, $0x38;
	[tilespmem:$0x18100] =	vst v63  }
0x65: {  	_ =	swait.ge [sflag:s22], $0x4000  }
0x66: {  	[sflag:s22] =	ssyncset.done $0x0  }
0x67: {  	[sflag:s22] =	ssyncadd.s32 $0xFFFFC000  }
0x68: {  	[hbm4b:s13+s6] =	stream.linear.scatter [tilespmem:s21], [sflag:$0x2], $0x4000, $0x38;
	[tilespmem:$0x18100] =	vst v63  }
0x69: {  	_ =	swait.ge [sflag:s22], $0x4000  }
0x6a: {  	[sflag:s22] =	ssyncset.done $0x0  }
0x6b: {  	[sflag:s22] =	ssyncadd.s32 $0xFFFFC000  }
0x6c: {  	[tilespmem:s21], [sflag:$0x2] =	stream.linear.gather [spmem:s9], $0x4000, $0x38;
	[tilespmem:$0x18100] =	vst v63  }
0x6d: {  	_ =	swait.ge [sflag:s22], $0x4000  }
0x6e: {  	[sflag:s22] =	ssyncset.done $0x0  }
0x6f: {  	[sflag:s22] =	ssyncadd.s32 $0xFFFFC000  }
0x70: {  	[hbm4b:s14+s6] =	stream.linear.scatter [tilespmem:s21], [sflag:$0x2], $0x4000, $0x38;
	[tilespmem:$0x18100] =	vst v63  }
0x71: {  	_ =	swait.ge [sflag:s22], $0x4000  }
0x72: {  	[sflag:s22] =	ssyncset.done $0x0  }
0x73: {  	[sflag:s22] =	ssyncadd.s32 $0xFFFFC000  }
0x74: {  	[tilespmem:s21], [sflag:$0x2] =	stream.linear.gather [spmem:s10], $0x4000, $0x38;
	[tilespmem:$0x18100] =	vst v63  }
0x75: {  	_ =	swait.ge [sflag:s22], $0x4000  }
0x76: {  	[sflag:s22] =	ssyncset.done $0x0  }
0x77: {  	[sflag:s22] =	ssyncadd.s32 $0xFFFFC000  }
0x78: {  	[hbm4b:s15+s6] =	stream.linear.scatter [tilespmem:s21], [sflag:$0x2], $0x4000, $0x38;
	[tilespmem:$0x18100] =	vst v63  }
0x79: {  	_ =	swait.ge [sflag:s22], $0x4000  }
0x7a: {  	[sflag:s22] =	ssyncset.done $0x0  }
0x7b: {  	[sflag:s22] =	ssyncadd.s32 $0xFFFFC000  }
0x7c: {  	[tilespmem:s21], [sflag:$0x2] =	stream.linear.gather [spmem:s11], $0x4000, $0x38;
	[tilespmem:$0x18100] =	vst v63  }
0x7d: {  	_ =	swait.ge [sflag:s22], $0x4000  }
0x7e: {  	[sflag:s22] =	ssyncset.done $0x0  }
0x7f: {  	[sflag:s22] =	ssyncadd.s32 $0xFFFFC000  }
0x80: {  	[hbm4b:s16+s6] =	stream.linear.scatter [tilespmem:s21], [sflag:$0x2], $0x4000, $0x38;
	[tilespmem:$0x18100] =	vst v63  }
0x81: {  	_ =	swait.ge [sflag:s22], $0x4000  }
0x82: {  	[sflag:s22] =	ssyncset.done $0x0  }
0x83: {  	[sflag:s22] =	ssyncadd.s32 $0xFFFFC000  }
0x84: {  	[tilespmem:s21], [sflag:$0x2] =	stream.linear.gather [spmem:s12], $0x4000, $0x38;
	[tilespmem:$0x18100] =	vst v63  }
0x85: {  	s25 =	sadd.s32 $0x1, s25;
	_ =	swait.ge [sflag:s22], $0x4000  }
0x86: {  	p0 =	sne.s32 s25, s18;
	[sflag:s22] =	ssyncset.done $0x0  }
.Ltmp3:
0x87: {  	[sflag:s22] =	ssyncadd.s32 $0xFFFFC000;
	(pc) =	sbr.rel @p0 .LBB2_1-.Ltmp3, $4  }
0x88: {  	[hbm4b:s17+s6] =	stream.linear.scatter [tilespmem:s21], [sflag:$0x2], $0x4000, $0x38;
	[tilespmem:$0x18100] =	vst v63  }
0x89: {  	_ =	swait.ge [sflag:s22], $0x4000  }
0x8a: {  	[sflag:s22] =	ssyncset.done $0x0  }
0x8b: {  	[sflag:s22] =	ssyncadd.s32 $0xFFFFC000  }
0x8c: {  	_ =	sfence.sel $0x180000  }
0x8d: {  	[bflag:$0x0] =	sbarrier.arrive $0xFFFF  }
0x8e: {  	p0 =	sne.s32 s4, $0x0;
	_ =	strace $0x9000004A  }
0x8f: {  	s0 =	sadd.s32 @!p0 $0x100000, s0;
	[bflag:$0x2] =	sbarrier.arrive $0xFFFF  }
0x90: {  	[sflag:s0] =	ssyncadd.tile.s32 @!p0 $0x1;
	_ =	shalt  }
.Lfunc_end2:
_tile_overlayer_lowered:
.L_overlay_start_2:
0x91: {  	(tag) =	ssettag $0x2  }
0x92: {  	s0 =	rddreg [dreg:$0x0];
	s2 =	stileid.u32  }
0x93: {  	s1 =	rddreg [dreg:$0x1];
	p0 =	sne.s32 s2, $0x0  }
0x94: {  	s3 =	rddreg [dreg:$0x2];
	[bflag:$0x3] =	sbarrier.arrive $0xFFFF;
	s2 =	simm.s32 @!p0 $0x1C02  }
0x95: {  	[timem:s3], [sflag:s2] =	dma.local @!p0 [hbm:s0], s1  }
0x96: {  	s0 =	simm.s32 @!p0 $0x2  }
0x97: {  	_ =	swait.ge @!p0 [sflag:s0], s1  }
0x98: {  	s1 =	ssub.s32 @!p0 $0x0, s1;
	[sflag:s0] =	ssyncset.done @!p0 $0x0  }
0x99: {  	[sflag:s0] =	ssyncadd.s32 @!p0 s1  }
0x9a: {  	[bflag:$0x3] =	sbarrier.arrive $0xFFFF  }
0x9b: {  	_ =	shalt  }

// kernel: kernel.18.cloned.1.call-start
scs
__scs_entry_jumppad:
0x0: {  	(pc) =	sbr.rel $0x88, $3  }
0x1: {  	(tag) =	ssettag $0x0;
	lr =	simm.s32 $0x1  }
0x2: {  	[smem:$0x3F92] =	sst lr;
	_ =	strace $0xD0000000  }
0x3: {  	_ = 	snop  }
0x4: {  	_ = 	snop  }
0x5: {  	_ = 	snop  }
0x6: {  	_ = 	snop  }
0x7: {  	_ = 	snop  }
__scs_overlays_trampoline_lowered:
0x8: {  	[smem:$0x3FA1] =	sst s0  }
0x9: {  	[smem:$0x3FA2] =	sst s1  }
0xa: {  	[smem:$0x3FA3] =	sst s2  }
0xb: {  	[smem:$0x3FA4] =	sst s3  }
0xc: {  	[smem:$0x3FA5] =	sst s4  }
0xd: {  	[smem:$0x3FA6] =	sst s5  }
0xe: {  	[smem:$0x3FA7] =	sst s6  }
0xf: {  	[smem:$0x3FA8] =	sst s7  }
0x10: {  	[smem:$0x3FA9] =	sst s8  }
0x11: {  	[smem:$0x3FAA] =	sst s9;
	s0 =	simm.s32 @!p0 $0x0  }
0x12: {  	s1 =	sld [smem:$0x3F90];
	s0 =	simm.s32 @p0 $0x1  }
0x13: {  	[smem:$0x3FAB] =	sst s0;
	s0 =	simm.s32 @!p1 $0x0  }
0x14: {  	s2 =	sld [smem:$0x3F8F];
	s0 =	simm.s32 @p1 $0x1  }
0x15: {  	[smem:$0x3FAC] =	sst s0;
	s0 =	simm.s32 @!p2 $0x0  }
0x16: {  	s3 =	sld [smem:$0x3FDB];
	s0 =	simm.s32 @p2 $0x1  }
0x17: {  	s4 =	simm.s32 $0x1BF5;
	[smem:$0x3FAE] =	sst s0  }
0x18: {  	s0 =	sld [smem:$0x3F91];
	_ =	swait.ge [sflag:s4], $0x0  }
0x19: {  	s7 =	sld [smem:$0x3F92]  }
0x1a: {  	s8 =	sadd.s32 $0xFFFFE003, lr  }
0x1b: {  	s9 =	sadd.s32 $0xFFFFFEF7, lr;
	s5 =	simm.s32 $0xFFFFFFFF;
	p2 =	slt.u32 s8, $0xFFFFF086  }
0x1c: {  	p1 =	slt.u32 s9, $0xF7A;
	s5 =	simm.s32 @!p2 $0x0  }
0x1d: {  	s5 =	simm.s32 @p1 $0x1;
	p0 =	seq.s32 s7, s2  }
0x1e: {  	s7 =	smul.u32 @!p0 $0xF7A, s2;
	p2 =	seq.s32 @!p0 s5, $0x0  }
0x1f: {  	s9 =	smul.u32 $0xF7A, s1;
	s8 =	simm.s32 @!p0 $0x1BF5;
	p2 =	por !p2, p0  }
0x20: {  	[sflag:s8] =	ssyncset.s32 @!p0 $0xFFFFF086;
	s6 =	sadd.s32 @!p0 s3, s7;
	s7 =	simm.s32 @!p0 $0x108  }
0x21: {  	s3 =	sadd.s32 s3, s9;
	s6 =	sadd.s32 @!p0 $0x88, s6;
	s7 =	simm.s32 @p2 $0x1082  }
0x22: {  	[simem:s7], [sflag:s8] =	dma.local @!p0 [hbm:s6], $0xF7A  }
0x23: {  	s9 =	sor.u32 $0xD0000000, s2;
	s6 =	simm.s32 $0x108;
	_ =	swait.ge @!p0 [sflag:s8], $0x0  }
0x24: {  	s3 =	sadd.s32 $0x88, s3;
	s6 =	simm.s32 @!p1 $0x1082;
	[sflag:s4] =	ssyncset.s32 $0xFFFFF086  }
0x25: {  	[simem:s6], [sflag:s4] =	dma.local [hbm:s3], $0xF7A  }
0x26: {  	[smem:$0x3F92] =	sst s1;
	(tag) =	ssettag s2;
	_ =	strace s9  }
0x27: {  	s1 =	sld [smem:$0x3FA2]  }
0x28: {  	s2 =	sld [smem:$0x3FA3]  }
0x29: {  	s4 =	sld [smem:$0x3FA5]  }
0x2a: {  	p0 =	seq.s32 s5, $0x0;
	s5 =	sld [smem:$0x3FA6]  }
0x2b: {  	s6 =	sld [smem:$0x3FA7]  }
0x2c: {  	s7 =	sld [smem:$0x3FA8]  }
0x2d: {  	s3 =	simm.s32 $0x108;
	s8 =	sld [smem:$0x3FA9]  }
0x2e: {  	s3 =	simm.s32 @!p0 $0x1082;
	s9 =	sld [smem:$0x3FAA]  }
0x2f: {  	lr =	sadd.s32 s0, s3;
	s0 =	sld [smem:$0x3FA1]  }
0x30: {  	s3 =	sld [smem:$0x3FA4]  }
0x31: {  	[smem:$0x3FAD] =	sst s10  }
0x32: {  	s10 =	sld [smem:$0x3FAB];
	_ =	sdelay $0x3  }
0x33: {  	p0 =	seq.s32 s10, $0x1;
	s10 =	sld [smem:$0x3FAD];
	_ =	sdelay $0x3  }
0x34: {  	[smem:$0x3FAD] =	sst s10  }
0x35: {  	s10 =	sld [smem:$0x3FAC];
	_ =	sdelay $0x3  }
0x36: {  	p1 =	seq.s32 s10, $0x1;
	s10 =	sld [smem:$0x3FAD];
	_ =	sdelay $0x3  }
0x37: {  	[smem:$0x3FAD] =	sst s10  }
0x38: {  	s10 =	sld [smem:$0x3FAE]  }
0x39: {  	_ = 	snop;
	(pc) =	sbr.ind lr, $3  }
0x3a: {  	_ = 	snop  }
0x3b: {  	_ = 	snop  }
0x3c: {  	p2 =	seq.s32 s10, $0x1;
	s10 =	sld [smem:$0x3FAD]  }
0x3d: {  	_ =	shalt  }
0x3e: {  	_ =	shalt  }
0x3f: {  	_ =	shalt  }
0x40: {  	_ =	shalt  }
0x41: {  	_ =	shalt  }
0x42: {  	_ =	shalt  }
0x43: {  	_ =	shalt  }
0x44: {  	_ =	shalt  }
0x45: {  	_ =	shalt  }
0x46: {  	_ =	shalt  }
0x47: {  	_ =	shalt  }
0x48: {  	_ =	shalt  }
0x49: {  	_ =	shalt  }
0x4a: {  	_ =	shalt  }
0x4b: {  	_ =	shalt  }
0x4c: {  	_ =	shalt  }
0x4d: {  	_ =	shalt  }
0x4e: {  	_ =	shalt  }
0x4f: {  	_ =	shalt  }
0x50: {  	_ =	shalt  }
0x51: {  	_ =	shalt  }
0x52: {  	_ =	shalt  }
0x53: {  	_ =	shalt  }
0x54: {  	_ =	shalt  }
0x55: {  	_ =	shalt  }
0x56: {  	_ =	shalt  }
0x57: {  	_ =	shalt  }
0x58: {  	_ =	shalt  }
0x59: {  	_ =	shalt  }
0x5a: {  	_ =	shalt  }
0x5b: {  	_ =	shalt  }
0x5c: {  	_ =	shalt  }
0x5d: {  	_ =	shalt  }
0x5e: {  	_ =	shalt  }
0x5f: {  	_ =	shalt  }
0x60: {  	_ =	shalt  }
0x61: {  	_ =	shalt  }
0x62: {  	_ =	shalt  }
0x63: {  	_ =	shalt  }
0x64: {  	_ =	shalt  }
0x65: {  	_ =	shalt  }
0x66: {  	_ =	shalt  }
0x67: {  	_ =	shalt  }
0x68: {  	_ =	shalt  }
0x69: {  	_ =	shalt  }
0x6a: {  	_ =	shalt  }
0x6b: {  	_ =	shalt  }
0x6c: {  	_ =	shalt  }
0x6d: {  	_ =	shalt  }
0x6e: {  	_ =	shalt  }
0x6f: {  	_ =	shalt  }
0x70: {  	_ =	shalt  }
0x71: {  	_ =	shalt  }
0x72: {  	_ =	shalt  }
0x73: {  	_ =	shalt  }
0x74: {  	_ =	shalt  }
0x75: {  	_ =	shalt  }
0x76: {  	_ =	shalt  }
0x77: {  	_ =	shalt  }
0x78: {  	_ =	shalt  }
0x79: {  	_ =	shalt  }
0x7a: {  	_ =	shalt  }
0x7b: {  	_ =	shalt  }
0x7c: {  	_ =	shalt  }
0x7d: {  	_ =	shalt  }
0x7e: {  	_ =	shalt  }
0x7f: {  	_ =	shalt  }
0x80: {  	_ =	shalt  }
0x81: {  	_ =	shalt  }
0x82: {  	_ =	shalt  }
0x83: {  	_ =	shalt  }
0x84: {  	_ =	shalt  }
0x85: {  	_ =	shalt  }
0x86: {  	_ =	shalt  }
0x87: {  	_ =	shalt  }
.Lfunc_end0:
.L_simem_size_0:
called_computation.3_lowered:
.L_overlay_start_0:
0x88: {  	s2 =	sld [smem:$0x3FD9]  }
0x89: {  	s3 =	sld [smem:$0x3FFE];
	_ =	sdelay $0x1  }
0x8a: {  	s1 =	srdreg.scid  }
0x8b: {  	s0 =	sand.u32 $0x1, s1  }
0x8c: {  	s15 =	sshll.u32 s0, $0xA;
	s2 =	sadd.s32 s3, s2  }
0x8d: {  	s2 =	sadd.s32 s2, s15  }
0x8e: {  	[smem:$0x3FB9] =	sst s2  }
0x8f: {  	_ = 	snop  }
0x90: {  	s2 =	sld [smem:$0x3FD0];
	_ =	sdelay $0x2  }
0x91: {  	s16 =	simm.s32 $0xC;
	s4 =	simm.s32 $0x10  }
0x92: {  	[smem:s4], [sflag:s16] =	dma.local [hbm:s2], $0x1  }
0x93: {  	_ =	swait.eq [sflag:s16], $0x1  }
0x94: {  	[sflag:s16] =	ssyncset.done $0x0  }
0x95: {  	[sflag:s16] =	ssyncadd.s32 $0xFFFFFFFF  }
0x96: {  	s17 =	sld [smem:$0x11];
	(tm) =	ssettm $0x1  }
0x97: {  	s18 =	sld [smem:$0x3FFB];
	_ =	sdelay $0x3  }
0x98: {  	_ =	strace s18  }
0x99: {  	s2 =	sld [smem:$0x3FFC];
	_ =	sdelay $0x3  }
0x9a: {  	_ =	strace s2  }
0x9b: {  	s2 =	sld [smem:$0x3FFD];
	_ =	sdelay $0x3  }
0x9c: {  	_ =	strace s2  }
0x9d: {  	_ =	strace $0x8FFFFFFF  }
0x9e: {  	s19 =	sld [smem:$0x3FDB];
	_ =	sdelay $0x1  }
0x9f: {  	s20 =	simm.s32 $_scs_section_size  }
0xa0: {  	s5 =	simm.s32 $_size__tile_overlayer_lowered;
	s6 =	simm.s32 $_tile_overlayer_lowered  }
0xa1: {  	s7 =	simm.s32 $0x1BFF;
	s21 =	sshll.u32 s6, $0x1;
	s4 =	sadd.s32 s20, s19  }
0xa2: {  	s22 =	simm.s32 $0x0;
	s5 =	sshll.u32 s5, $0x1;
	s6 =	sadd.s32 s21, s4  }
0xa3: {  	[timem:s22], [sflag:s7] =	dma.local [hbm:s6], s5  }
0xa4: {  	_ =	swait.ge [sflag:s7], s5  }
0xa5: {  	s5 =	ssub.s32 $0x0, s5;
	[sflag:s7] =	ssyncset.done $0x0  }
0xa6: {  	[sflag:s7] =	ssyncadd.s32 s5;
	_ =	sdelay $0x1  }
0xa7: {  	s23 =	simm.s32 $0x1B8B  }
0xa8: {  	_ =	swait.ge [sflag:s23], $0x1  }
0xa9: {  	[sflag:s23] =	ssyncset.done $0x0  }
0xaa: {  	[sflag:s23] =	ssyncadd.s32 $0xFFFFFFFF  }
0xab: {  	s5 =	sld [smem:$0x0]  }
0xac: {  	s6 =	sand.u32 $0xFFFFFFFE, s1  }
0xad: {  	p0 =	sne.s32 s1, s6  }
0xae: {  	s6 =	sshll.u32 @p0 s6, $0xE  }
0xaf: {  	s6 =	sadd.s32 @p0 $0x11B8D, s6;
	s7 =	sshll.u32 @p0 s5, $0x11  }
0xb0: {  	s6 =	sor.u32 @p0 s7, s6  }
0xb1: {  	[sflag:s6] =	ssyncadd.remote.s32 @p0 $0x1;
	_ =	sdelay $0x1  }
0xb2: {  	s6 =	simm.s32 @p0 $0x1B8D  }
0xb3: {  	_ =	swait.eq @p0 [sflag:s6], $0x1  }
0xb4: {  	[sflag:s6] =	ssyncadd.s32 @p0 $0xFFFFFFFF  }
0xb5: {  	s7 =	sshll.u32 @!p0 s1, $0xE  }
0xb6: {  	s7 =	sor.u32 @!p0 $0x4000, s7;
	s6 =	simm.s32 @!p0 $0x1B8D  }
0xb7: {  	s5 =	sshll.u32 @!p0 s5, $0x11;
	s7 =	sadd.s32 @!p0 $0x11B8D, s7;
	_ =	swait.eq @!p0 [sflag:s6], $0x1  }
0xb8: {  	s5 =	sor.u32 @!p0 s5, s7;
	[sflag:s6] =	ssyncadd.s32 @!p0 $0xFFFFFFFF  }
0xb9: {  	s25 =	simm.s32 $0x1B8E;
	s24 =	sld [smem:$0x3FFE];
	[sflag:s5] =	ssyncadd.remote.s32 @!p0 $0x1  }
0xba: {  	s26 =	simm.s32 $execute0_lowered;
	[smem:$0x3FD2] =	sst s25  }
0xbb: {  	s6 =	sshll.u32 s26, $0x1;
	_ =	strace $0x8000004F;
	[dreg:$0x1] =	wrdreg $0xFFFFFFFF  }
0xbc: {  	s28 =	simm.s32 $_size_execute0_lowered;
	s4 =	sadd.s32 s4, s6;
	[dreg:$0x0] =	wrdreg $0x0  }
0xbd: {  	s6 =	sshll.u32 s28, $0x1;
	[dreg:$0x2] =	wrdreg s4  }
0xbe: {  	[dreg:$0x3] =	wrdreg s6  }
0xbf: {  	[dreg:$0x4] =	wrdreg $0xC0  }
0xc0: {  	_ =	task [dreg:s22], $0x5FFFF  }
0xc1: {  	[dreg:$0x1] =	wrdreg $0xFFFFFFFF  }
0xc2: {  	[dreg:$0x0] =	wrdreg $0x60  }
0xc3: {  	[dreg:$0x2] =	wrdreg s17  }
0xc4: {  	[dreg:$0x3] =	wrdreg s24  }
0xc5: {  	[dreg:$0x4] =	wrdreg $0x41000  }
0xc6: {  	[dreg:$0x5] =	wrdreg $0xA  }
0xc7: {  	_ =	task.clear_ibuf [dreg:s22], $0x6FFFF;
	_ =	strace $0x9000004F  }
0xc8: {  	s29 =	simm.s32 $0xA;
	_ =	strace $0x80000051  }
0xc9: {  	_ =	swait.ge [sflag:s29], $0x1  }
0xca: {  	[sflag:s29] =	ssyncadd.s32 $0xFFFFFFFF  }
0xcb: {  	_ =	strace $0x90000051  }
0xcc: {  	_ =	sfence  }
0xcd: {  	s30 =	sld [smem:$0x0];
	_ =	sdelay $0x2  }
0xce: {  	s31 =	sshll.u32 s1, $0xD;
	s1 =	sshrl.u32 s1, $0x2  }
0xcf: {  	s4 =	sand.u32 $0x4000, s31;
	s1 =	sadd.s32 s1, s30  }
0xd0: {  	s0 =	sor.u32 s4, s0;
	s1 =	sshll.u32 s1, $0x11  }
0xd1: {  	s0 =	sor.u32 s1, s0  }
0xd2: {  	s0 =	sadd.s32 $0x8F2B, s0  }
0xd3: {  	[sflag:s0] =	ssyncadd.remote.s32 $0x1  }
0xd4: {  	_ =	sfence.sel $0xFFFF  }
0xd5: {  	[dreg:$0x0] =	wrdreg $0xFFFFFFFF;
	(pc) =	sbr.abs _section_cstart, $3  }
0xd6: {  	[dreg:$0x1] =	wrdreg $0xFFFFFFFF  }
0xd7: {  	_ =	task.clear_ibuf [dreg:s22], $0x2FFFF;
	_ =	strace $0x9FFFFFFF  }
0xd8: {  	(tm) =	ssettm $0x7FFFFFFF  }
0xd9: {  	_ =	shalt  }
tec
execute0_lowered:
.L_overlay_start_1:
0x0: {  	(tag) =	ssettag $0x1  }
0x1: {  	s1 =	rddreg [dreg:$0x0]  }
0x2: {  	s8 =	rddreg [dreg:$0x1]  }
0x3: {  	s2 =	rddreg [dreg:$0x2]  }
0x4: {  	s0 =	rddreg [dreg:$0x3]  }
0x5: {  	s4 =	simm.s32 $0x0;
	s5 =	srdreg.scid;
	s3 =	stileid.u32  }
0x6: {  	s24 =	simm.s32 $0x1;
	s25 =	simm.s32 $0x0;
	[smem:$0x7FF] =	sst s4  }
0x7: {  	s20 =	sand.u32 $0x1, s5;
	s5 =	sadd.s32 $0x2E00, s8;
	s10 =	smul.u32 $0x50000, s3  }
0x8: {  	s6 =	sadd.s32 $0x7E00, s8;
	s13 =	smul.u32 $0x14000, s3;
	s7 =	sadd.s32 $0xCE00, s8  }
0x9: {  	s17 =	sadd.s32 $0x5DE00, s8;
	s22 =	sshll.u32 s3, $0x1;
	s23 =	sshll.u32 s3, $0x8  }
0xa: {  	_ =	strace $0x80000050;
	s9 =	ssub.s32 $0x2, s20;
	s21 =	smul.u32 $0x140000, s20  }
0xb: {  	s30 =	sor.u32 s22, s20;
	s20 =	sshll.u32 s20, $0x7;
	s22 =	simm.s32 $0x2  }
0xc: {  	s11 =	sshrl.u32 s9, $0x1;
	s29 =	sshrl.u32 s10, $0x2;
	s14 =	sadd.s32 $0x4000, s13  }
0xd: {  	s15 =	sadd.s32 $0x8000, s13;
	s16 =	sadd.s32 $0xC000, s13;
	s19 =	sadd.s32 $0x10000, s13  }
0xe: {  	s31 =	ssub.s32 $0x501, s30;
	s20 =	sor.u32 s20, s23;
	s23 =	simm.s32 $0x80  }
0xf: {  	s18 =	ssub.s32 s9, s11;
	s8 =	sadd.s32 s29, s2;
	s9 =	sadd.s32 s14, s2  }
0x10: {  	s10 =	sadd.s32 s15, s2;
	s11 =	sadd.s32 s16, s2;
	s12 =	sadd.s32 s19, s2  }
0x11: {  	s13 =	sadd.s32 s13, s21;
	s14 =	sadd.s32 s21, s14;
	s15 =	sadd.s32 s21, s15  }
0x12: {  	s16 =	sadd.s32 s21, s16;
	s19 =	sadd.s32 s21, s19;
	s21 =	simm.s32 $0x100  }
0x13: {  	s13 =	sshrl.u32 s13, $0x3;
	s14 =	sshrl.u32 s14, $0x3;
	s15 =	sshrl.u32 s15, $0x3  }
0x14: {  	s16 =	sshrl.u32 s16, $0x3;
	s19 =	sshrl.u32 s19, $0x3;
	s18 =	smax.u32 s18, $0x1  }
0x15: {  	s13 =	sadd.s32 s17, s13;
	s14 =	sadd.s32 s17, s14;
	s15 =	sadd.s32 s17, s15  }
0x16: {  	s16 =	sadd.s32 s17, s16;
	s17 =	sadd.s32 s17, s19;
	s19 =	sshrl.u32 s31, $0x5  }
.LBB2_1:
0x17: {  	[tilespmem:s21], [sflag:$0x2] =	stream.linear.gather [hbm4b:s7+s4], $0x4000, $0x38;
	[tilespmem:$0x18100] =	vst v63  }
0x18: {  	_ =	swait.ge [sflag:s22], $0x4000  }
0x19: {  	[sflag:s22] =	ssyncset.done $0x0  }
0x1a: {  	[sflag:s22] =	ssyncadd.s32 $0xFFFFC000  }
0x1b: {  	[spmem:s8] =	stream.linear.scatter [tilespmem:s21], [sflag:$0x2], $0x4000, $0x38;
	[tilespmem:$0x18100] =	vst v63  }
0x1c: {  	_ =	swait.ge [sflag:s22], $0x4000  }
0x1d: {  	[sflag:s22] =	ssyncset.done $0x0  }
0x1e: {  	[sflag:s22] =	ssyncadd.s32 $0xFFFFC000  }
0x1f: {  	[spmem:s9] =	stream.linear.scatter [tilespmem:s21], [sflag:$0x2], $0x4000, $0x38;
	[tilespmem:$0x18100] =	vst v63  }
0x20: {  	_ =	swait.ge [sflag:s22], $0x4000  }
0x21: {  	[sflag:s22] =	ssyncset.done $0x0  }
0x22: {  	[sflag:s22] =	ssyncadd.s32 $0xFFFFC000  }
0x23: {  	[spmem:s10] =	stream.linear.scatter [tilespmem:s21], [sflag:$0x2], $0x4000, $0x38;
	[tilespmem:$0x18100] =	vst v63  }
0x24: {  	_ =	swait.ge [sflag:s22], $0x4000  }
0x25: {  	[sflag:s22] =	ssyncset.done $0x0  }
0x26: {  	[sflag:s22] =	ssyncadd.s32 $0xFFFFC000  }
0x27: {  	[spmem:s11] =	stream.linear.scatter [tilespmem:s21], [sflag:$0x2], $0x4000, $0x38;
	[tilespmem:$0x18100] =	vst v63  }
0x28: {  	_ =	swait.ge [sflag:s22], $0x4000  }
0x29: {  	[sflag:s22] =	ssyncset.done $0x0  }
0x2a: {  	p1 =	sne.s32 s19, $0x1;
	[sflag:s22] =	ssyncadd.s32 $0xFFFFC000  }
0x2b: {  	[spmem:s12] =	stream.linear.scatter [tilespmem:s21], [sflag:$0x2], $0x4000, $0x38;
	[tilespmem:$0x18100] =	vst v63  }
.Ltmp0:
0x2c: {  	_ =	swait.ge [sflag:s22], $0x4000;
	(pc) =	sbr.rel @!p1 .LBB2_4-.Ltmp0, $4  }
0x2d: {  	[sflag:s22] =	ssyncset.done $0x0  }
0x2e: {  	[sflag:s22] =	ssyncadd.s32 $0xFFFFC000  }
0x2f: {  	[bflag:$0x0] =	sbarrier.arrive $0xFFFF  }
0x30: {  	s26 =	sadd.s32 $0xFFFFFFFF, s19;
	s29 =	sshrl.u32 s20, $0x3;
	p0 =	por $0x0, $0x0  }
0x31: {  	s28 =	sadd.s32 s5, s29  }
0x32: {  	[tilespmem:s4], [sflag:$0x2] =	stream.linear.gather [hbm4b:s28+s4], $0x80, $0x38;
	[tilespmem:$0x18100] =	vst v63  }
0x33: {  	_ =	swait.ge [sflag:s22], $0x80  }
0x34: {  	[sflag:s22] =	ssyncset.done $0x0  }
0x35: {  	s28 =	sadd.s32 s6, s29;
	[sflag:s22] =	ssyncadd.s32 $0xFFFFFF80  }
0x36: {  	[tilespmem:s23], [sflag:$0x2] =	stream.linear.gather [hbm4b:s28+s4], $0x80, $0x38;
	[tilespmem:$0x18100] =	vst v63  }
0x37: {  	_ =	swait.ge [sflag:s22], $0x80  }
0x38: {  	[sflag:s22] =	ssyncset.done $0x0  }
0x39: {  	[sflag:s22] =	ssyncadd.s32 $0xFFFFFF80  }
0x3a: {  	[tilespmem:s21], [sflag:$0x1] =	stream.indirect.gather [hbm4b:s1+s23], $0x80, s4, s23, $0xb8;
	[tilespmem:$0x18100] =	vst v63  }
0x3b: {  	p1 =	sne.s32 s26, $0x1;
	_ =	swait.ge [sflag:s24], $0x4000  }
.Ltmp1:
0x3c: {  	[sflag:s24] =	ssyncset.done $0x0;
	(pc) =	sbr.rel @!p1 .LBB2_4-.Ltmp1, $4  }
0x3d: {  	[sflag:s24] =	ssyncadd.s32 $0xFFFFC000  }
0x3e: {  	[spmem:s2] =	stream.indirect.scatter.add.f32 [tilespmem:s21], [sflag:$0x2], $0x80, s23, s23, $0xb8;
	[tilespmem:$0x18100] =	vst v63  }
0x3f: {  	s26 =	sadd.s32 $0xFFFFFFFF, s26;
	s28 =	sadd.s32 $0x1000, s20;
	_ =	swait.ge [sflag:s22], $0x4000  }
0x40: {  	p0 =	por $0x1, $0x1;
	s29 =	sshrl.u32 s28, $0x3;
	[sflag:s22] =	ssyncset.done $0x0  }
.LBB2_3:
0x41: {  	p1 =	sne.s32 s26, $0x1;
	s30 =	sadd.s32 s5, s29;
	[sflag:s22] =	ssyncadd.s32 $0xFFFFC000  }
0x42: {  	[tilespmem:s4], [sflag:$0x2] =	stream.linear.gather [hbm4b:s30+s4], $0x80, $0x38;
	[tilespmem:$0x18100] =	vst v63  }
0x43: {  	s26 =	sadd.s32 $0xFFFFFFFF, s26;
	_ =	swait.ge [sflag:s22], $0x80  }
0x44: {  	[sflag:s22] =	ssyncset.done $0x0  }
0x45: {  	s29 =	sadd.s32 s6, s29;
	[sflag:s22] =	ssyncadd.s32 $0xFFFFFF80  }
0x46: {  	[tilespmem:s23], [sflag:$0x2] =	stream.linear.gather [hbm4b:s29+s4], $0x80, $0x38;
	[tilespmem:$0x18100] =	vst v63  }
0x47: {  	_ =	swait.ge [sflag:s22], $0x80  }
0x48: {  	[sflag:s22] =	ssyncset.done $0x0  }
0x49: {  	[sflag:s22] =	ssyncadd.s32 $0xFFFFFF80  }
0x4a: {  	[tilespmem:s21], [sflag:$0x1] =	stream.indirect.gather [hbm4b:s1+s23], $0x80, s4, s23, $0xb8;
	[tilespmem:$0x18100] =	vst v63  }
0x4b: {  	_ =	swait.ge [sflag:s24], $0x4000  }
.Ltmp2:
0x4c: {  	[sflag:s24] =	ssyncset.done $0x0;
	(pc) =	sbr.rel @p1 .LBB2_3-.Ltmp2, $4  }
0x4d: {  	[sflag:s24] =	ssyncadd.s32 $0xFFFFC000  }
0x4e: {  	[spmem:s2] =	stream.indirect.scatter.add.f32 [tilespmem:s21], [sflag:$0x2], $0x80, s23, s23, $0xb8;
	[tilespmem:$0x18100] =	vst v63  }
0x4f: {  	s28 =	sadd.s32 $0x1000, s28;
	_ =	swait.ge [sflag:s22], $0x4000  }
0x50: {  	s29 =	sshrl.u32 s28, $0x3;
	[sflag:s22] =	ssyncset.done $0x0  }
.LBB2_4:
0x51: {  	s26 =	sadd.s32 s5, s29;
	[sflag:s22] =	ssyncadd.s32 @p0 $0xFFFFC000  }
0x52: {  	[tilespmem:s4], [sflag:$0x2] =	stream.linear.gather [hbm4b:s26+s4], $0x80, $0x38;
	[tilespmem:$0x18100] =	vst v63  }
0x53: {  	_ =	swait.ge [sflag:s22], $0x80  }
0x54: {  	[sflag:s22] =	ssyncset.done $0x0  }
0x55: {  	s31 =	sadd.s32 s6, s29;
	[sflag:s22] =	ssyncadd.s32 $0xFFFFFF80  }
0x56: {  	[tilespmem:s23], [sflag:$0x2] =	stream.linear.gather [hbm4b:s31+s4], $0x80, $0x38;
	[tilespmem:$0x18100] =	vst v63  }
0x57: {  	_ =	swait.ge [sflag:s22], $0x80  }
0x58: {  	[sflag:s22] =	ssyncset.done $0x0  }
0x59: {  	[sflag:s22] =	ssyncadd.s32 $0xFFFFFF80  }
0x5a: {  	[tilespmem:s21], [sflag:$0x1] =	stream.indirect.gather [hbm4b:s1+s23], $0x80, s4, s23, $0xb8;
	[tilespmem:$0x18100] =	vst v63  }
0x5b: {  	_ =	swait.ge [sflag:s24], $0x4000  }
0x5c: {  	[sflag:s24] =	ssyncset.done $0x0  }
0x5d: {  	[sflag:s24] =	ssyncadd.s32 $0xFFFFC000  }
0x5e: {  	[spmem:s2] =	stream.indirect.scatter.add.f32 [tilespmem:s21], [sflag:$0x2], $0x80, s23, s23, $0xb8;
	[tilespmem:$0x18100] =	vst v63  }
0x5f: {  	_ =	swait.ge [sflag:s22], $0x4000  }
0x60: {  	[sflag:s22] =	ssyncset.done $0x0  }
0x61: {  	[sflag:s22] =	ssyncadd.s32 $0xFFFFC000  }
0x62: {  	[bflag:$0x0] =	sbarrier.arrive $0xFFFF  }
0x63: {  	[tilespmem:s21], [sflag:$0x2] =	stream.linear.gather [spmem:s8], $0x4000, $0x38;
	[tilespmem:$0x18100] =	vst v63  }
0x64: {  	_ =	swait.ge [sflag:s22], $0x4000  }
0x65: {  	[sflag:s22] =	ssyncset.done $0x0  }
0x66: {  	[sflag:s22] =	ssyncadd.s32 $0xFFFFC000  }
0x67: {  	[hbm4b:s13+s4] =	stream.linear.scatter [tilespmem:s21], [sflag:$0x2], $0x4000, $0x38;
	[tilespmem:$0x18100] =	vst v63  }
0x68: {  	_ =	swait.ge [sflag:s22], $0x4000  }
0x69: {  	[sflag:s22] =	ssyncset.done $0x0  }
0x6a: {  	[sflag:s22] =	ssyncadd.s32 $0xFFFFC000  }
0x6b: {  	[tilespmem:s21], [sflag:$0x2] =	stream.linear.gather [spmem:s9], $0x4000, $0x38;
	[tilespmem:$0x18100] =	vst v63  }
0x6c: {  	_ =	swait.ge [sflag:s22], $0x4000  }
0x6d: {  	[sflag:s22] =	ssyncset.done $0x0  }
0x6e: {  	[sflag:s22] =	ssyncadd.s32 $0xFFFFC000  }
0x6f: {  	[hbm4b:s14+s4] =	stream.linear.scatter [tilespmem:s21], [sflag:$0x2], $0x4000, $0x38;
	[tilespmem:$0x18100] =	vst v63  }
0x70: {  	_ =	swait.ge [sflag:s22], $0x4000  }
0x71: {  	[sflag:s22] =	ssyncset.done $0x0  }
0x72: {  	[sflag:s22] =	ssyncadd.s32 $0xFFFFC000  }
0x73: {  	[tilespmem:s21], [sflag:$0x2] =	stream.linear.gather [spmem:s10], $0x4000, $0x38;
	[tilespmem:$0x18100] =	vst v63  }
0x74: {  	_ =	swait.ge [sflag:s22], $0x4000  }
0x75: {  	[sflag:s22] =	ssyncset.done $0x0  }
0x76: {  	[sflag:s22] =	ssyncadd.s32 $0xFFFFC000  }
0x77: {  	[hbm4b:s15+s4] =	stream.linear.scatter [tilespmem:s21], [sflag:$0x2], $0x4000, $0x38;
	[tilespmem:$0x18100] =	vst v63  }
0x78: {  	_ =	swait.ge [sflag:s22], $0x4000  }
0x79: {  	[sflag:s22] =	ssyncset.done $0x0  }
0x7a: {  	[sflag:s22] =	ssyncadd.s32 $0xFFFFC000  }
0x7b: {  	[tilespmem:s21], [sflag:$0x2] =	stream.linear.gather [spmem:s11], $0x4000, $0x38;
	[tilespmem:$0x18100] =	vst v63  }
0x7c: {  	_ =	swait.ge [sflag:s22], $0x4000  }
0x7d: {  	[sflag:s22] =	ssyncset.done $0x0  }
0x7e: {  	[sflag:s22] =	ssyncadd.s32 $0xFFFFC000  }
0x7f: {  	[hbm4b:s16+s4] =	stream.linear.scatter [tilespmem:s21], [sflag:$0x2], $0x4000, $0x38;
	[tilespmem:$0x18100] =	vst v63  }
0x80: {  	_ =	swait.ge [sflag:s22], $0x4000  }
0x81: {  	[sflag:s22] =	ssyncset.done $0x0  }
0x82: {  	[sflag:s22] =	ssyncadd.s32 $0xFFFFC000  }
0x83: {  	[tilespmem:s21], [sflag:$0x2] =	stream.linear.gather [spmem:s12], $0x4000, $0x38;
	[tilespmem:$0x18100] =	vst v63  }
0x84: {  	s25 =	sadd.s32 $0x1, s25;
	_ =	swait.ge [sflag:s22], $0x4000  }
0x85: {  	p0 =	sne.s32 s25, s18;
	[sflag:s22] =	ssyncset.done $0x0  }
.Ltmp3:
0x86: {  	[sflag:s22] =	ssyncadd.s32 $0xFFFFC000;
	(pc) =	sbr.rel @p0 .LBB2_1-.Ltmp3, $4  }
0x87: {  	[hbm4b:s17+s4] =	stream.linear.scatter [tilespmem:s21], [sflag:$0x2], $0x4000, $0x38;
	[tilespmem:$0x18100] =	vst v63  }
0x88: {  	_ =	swait.ge [sflag:s22], $0x4000  }
0x89: {  	[sflag:s22] =	ssyncset.done $0x0  }
0x8a: {  	[sflag:s22] =	ssyncadd.s32 $0xFFFFC000  }
0x8b: {  	_ =	sfence.sel $0x180000  }
0x8c: {  	[bflag:$0x0] =	sbarrier.arrive $0xFFFF  }
0x8d: {  	p0 =	sne.s32 s3, $0x0;
	_ =	strace $0x90000050  }
0x8e: {  	s0 =	sadd.s32 @!p0 $0x100000, s0;
	[bflag:$0x2] =	sbarrier.arrive $0xFFFF  }
0x8f: {  	[sflag:s0] =	ssyncadd.tile.s32 @!p0 $0x1;
	_ =	shalt  }
.Lfunc_end2:
_tile_overlayer_lowered:
.L_overlay_start_2:
0x90: {  	(tag) =	ssettag $0x2  }
0x91: {  	s0 =	rddreg [dreg:$0x0];
	s2 =	stileid.u32  }
0x92: {  	s1 =	rddreg [dreg:$0x1];
	p0 =	sne.s32 s2, $0x0  }
0x93: {  	s3 =	rddreg [dreg:$0x2];
	[bflag:$0x3] =	sbarrier.arrive $0xFFFF;
	s2 =	simm.s32 @!p0 $0x1C02  }
0x94: {  	[timem:s3], [sflag:s2] =	dma.local @!p0 [hbm:s0], s1  }
0x95: {  	s0 =	simm.s32 @!p0 $0x2  }
0x96: {  	_ =	swait.ge @!p0 [sflag:s0], s1  }
0x97: {  	s1 =	ssub.s32 @!p0 $0x0, s1;
	[sflag:s0] =	ssyncset.done @!p0 $0x0  }
0x98: {  	[sflag:s0] =	ssyncadd.s32 @!p0 s1  }
0x99: {  	[bflag:$0x3] =	sbarrier.arrive $0xFFFF  }
0x9a: {  	_ =	shalt  }

// kernel: kernel.9.cloned.1.call-start
scs
__scs_entry_jumppad:
0x0: {  	(pc) =	sbr.rel $0x88, $3  }
0x1: {  	(tag) =	ssettag $0x0;
	lr =	simm.s32 $0x1  }
0x2: {  	[smem:$0x3F92] =	sst lr;
	_ =	strace $0xD0000000  }
0x3: {  	_ = 	snop  }
0x4: {  	_ = 	snop  }
0x5: {  	_ = 	snop  }
0x6: {  	_ = 	snop  }
0x7: {  	_ = 	snop  }
__scs_overlays_trampoline_lowered:
0x8: {  	[smem:$0x3FA1] =	sst s0  }
0x9: {  	[smem:$0x3FA2] =	sst s1  }
0xa: {  	[smem:$0x3FA3] =	sst s2  }
0xb: {  	[smem:$0x3FA4] =	sst s3  }
0xc: {  	[smem:$0x3FA5] =	sst s4  }
0xd: {  	[smem:$0x3FA6] =	sst s5  }
0xe: {  	[smem:$0x3FA7] =	sst s6  }
0xf: {  	[smem:$0x3FA8] =	sst s7  }
0x10: {  	[smem:$0x3FA9] =	sst s8  }
0x11: {  	[smem:$0x3FAA] =	sst s9;
	s0 =	simm.s32 @!p0 $0x0  }
0x12: {  	s1 =	sld [smem:$0x3F90];
	s0 =	simm.s32 @p0 $0x1  }
0x13: {  	[smem:$0x3FAB] =	sst s0;
	s0 =	simm.s32 @!p1 $0x0  }
0x14: {  	s2 =	sld [smem:$0x3F8F];
	s0 =	simm.s32 @p1 $0x1  }
0x15: {  	[smem:$0x3FAC] =	sst s0;
	s0 =	simm.s32 @!p2 $0x0  }
0x16: {  	s3 =	sld [smem:$0x3FDB];
	s0 =	simm.s32 @p2 $0x1  }
0x17: {  	s4 =	simm.s32 $0x1BF5;
	[smem:$0x3FAE] =	sst s0  }
0x18: {  	s0 =	sld [smem:$0x3F91];
	_ =	swait.ge [sflag:s4], $0x0  }
0x19: {  	s7 =	sld [smem:$0x3F92]  }
0x1a: {  	s8 =	sadd.s32 $0xFFFFE003, lr  }
0x1b: {  	s9 =	sadd.s32 $0xFFFFFEF7, lr;
	s5 =	simm.s32 $0xFFFFFFFF;
	p2 =	slt.u32 s8, $0xFFFFF086  }
0x1c: {  	p1 =	slt.u32 s9, $0xF7A;
	s5 =	simm.s32 @!p2 $0x0  }
0x1d: {  	s5 =	simm.s32 @p1 $0x1;
	p0 =	seq.s32 s7, s2  }
0x1e: {  	s7 =	smul.u32 @!p0 $0xF7A, s2;
	p2 =	seq.s32 @!p0 s5, $0x0  }
0x1f: {  	s9 =	smul.u32 $0xF7A, s1;
	s8 =	simm.s32 @!p0 $0x1BF5;
	p2 =	por !p2, p0  }
0x20: {  	[sflag:s8] =	ssyncset.s32 @!p0 $0xFFFFF086;
	s6 =	sadd.s32 @!p0 s3, s7;
	s7 =	simm.s32 @!p0 $0x108  }
0x21: {  	s3 =	sadd.s32 s3, s9;
	s6 =	sadd.s32 @!p0 $0x88, s6;
	s7 =	simm.s32 @p2 $0x1082  }
0x22: {  	[simem:s7], [sflag:s8] =	dma.local @!p0 [hbm:s6], $0xF7A  }
0x23: {  	s9 =	sor.u32 $0xD0000000, s2;
	s6 =	simm.s32 $0x108;
	_ =	swait.ge @!p0 [sflag:s8], $0x0  }
0x24: {  	s3 =	sadd.s32 $0x88, s3;
	s6 =	simm.s32 @!p1 $0x1082;
	[sflag:s4] =	ssyncset.s32 $0xFFFFF086  }
0x25: {  	[simem:s6], [sflag:s4] =	dma.local [hbm:s3], $0xF7A  }
0x26: {  	[smem:$0x3F92] =	sst s1;
	(tag) =	ssettag s2;
	_ =	strace s9  }
0x27: {  	s1 =	sld [smem:$0x3FA2]  }
0x28: {  	s2 =	sld [smem:$0x3FA3]  }
0x29: {  	s4 =	sld [smem:$0x3FA5]  }
0x2a: {  	p0 =	seq.s32 s5, $0x0;
	s5 =	sld [smem:$0x3FA6]  }
0x2b: {  	s6 =	sld [smem:$0x3FA7]  }
0x2c: {  	s7 =	sld [smem:$0x3FA8]  }
0x2d: {  	s3 =	simm.s32 $0x108;
	s8 =	sld [smem:$0x3FA9]  }
0x2e: {  	s3 =	simm.s32 @!p0 $0x1082;
	s9 =	sld [smem:$0x3FAA]  }
0x2f: {  	lr =	sadd.s32 s0, s3;
	s0 =	sld [smem:$0x3FA1]  }
0x30: {  	s3 =	sld [smem:$0x3FA4]  }
0x31: {  	[smem:$0x3FAD] =	sst s10  }
0x32: {  	s10 =	sld [smem:$0x3FAB];
	_ =	sdelay $0x3  }
0x33: {  	p0 =	seq.s32 s10, $0x1;
	s10 =	sld [smem:$0x3FAD];
	_ =	sdelay $0x3  }
0x34: {  	[smem:$0x3FAD] =	sst s10  }
0x35: {  	s10 =	sld [smem:$0x3FAC];
	_ =	sdelay $0x3  }
0x36: {  	p1 =	seq.s32 s10, $0x1;
	s10 =	sld [smem:$0x3FAD];
	_ =	sdelay $0x3  }
0x37: {  	[smem:$0x3FAD] =	sst s10  }
0x38: {  	s10 =	sld [smem:$0x3FAE]  }
0x39: {  	_ = 	snop;
	(pc) =	sbr.ind lr, $3  }
0x3a: {  	_ = 	snop  }
0x3b: {  	_ = 	snop  }
0x3c: {  	p2 =	seq.s32 s10, $0x1;
	s10 =	sld [smem:$0x3FAD]  }
0x3d: {  	_ =	shalt  }
0x3e: {  	_ =	shalt  }
0x3f: {  	_ =	shalt  }
0x40: {  	_ =	shalt  }
0x41: {  	_ =	shalt  }
0x42: {  	_ =	shalt  }
0x43: {  	_ =	shalt  }
0x44: {  	_ =	shalt  }
0x45: {  	_ =	shalt  }
0x46: {  	_ =	shalt  }
0x47: {  	_ =	shalt  }
0x48: {  	_ =	shalt  }
0x49: {  	_ =	shalt  }
0x4a: {  	_ =	shalt  }
0x4b: {  	_ =	shalt  }
0x4c: {  	_ =	shalt  }
0x4d: {  	_ =	shalt  }
0x4e: {  	_ =	shalt  }
0x4f: {  	_ =	shalt  }
0x50: {  	_ =	shalt  }
0x51: {  	_ =	shalt  }
0x52: {  	_ =	shalt  }
0x53: {  	_ =	shalt  }
0x54: {  	_ =	shalt  }
0x55: {  	_ =	shalt  }
0x56: {  	_ =	shalt  }
0x57: {  	_ =	shalt  }
0x58: {  	_ =	shalt  }
0x59: {  	_ =	shalt  }
0x5a: {  	_ =	shalt  }
0x5b: {  	_ =	shalt  }
0x5c: {  	_ =	shalt  }
0x5d: {  	_ =	shalt  }
0x5e: {  	_ =	shalt  }
0x5f: {  	_ =	shalt  }
0x60: {  	_ =	shalt  }
0x61: {  	_ =	shalt  }
0x62: {  	_ =	shalt  }
0x63: {  	_ =	shalt  }
0x64: {  	_ =	shalt  }
0x65: {  	_ =	shalt  }
0x66: {  	_ =	shalt  }
0x67: {  	_ =	shalt  }
0x68: {  	_ =	shalt  }
0x69: {  	_ =	shalt  }
0x6a: {  	_ =	shalt  }
0x6b: {  	_ =	shalt  }
0x6c: {  	_ =	shalt  }
0x6d: {  	_ =	shalt  }
0x6e: {  	_ =	shalt  }
0x6f: {  	_ =	shalt  }
0x70: {  	_ =	shalt  }
0x71: {  	_ =	shalt  }
0x72: {  	_ =	shalt  }
0x73: {  	_ =	shalt  }
0x74: {  	_ =	shalt  }
0x75: {  	_ =	shalt  }
0x76: {  	_ =	shalt  }
0x77: {  	_ =	shalt  }
0x78: {  	_ =	shalt  }
0x79: {  	_ =	shalt  }
0x7a: {  	_ =	shalt  }
0x7b: {  	_ =	shalt  }
0x7c: {  	_ =	shalt  }
0x7d: {  	_ =	shalt  }
0x7e: {  	_ =	shalt  }
0x7f: {  	_ =	shalt  }
0x80: {  	_ =	shalt  }
0x81: {  	_ =	shalt  }
0x82: {  	_ =	shalt  }
0x83: {  	_ =	shalt  }
0x84: {  	_ =	shalt  }
0x85: {  	_ =	shalt  }
0x86: {  	_ =	shalt  }
0x87: {  	_ =	shalt  }
.Lfunc_end0:
.L_simem_size_0:
called_computation_lowered:
.L_overlay_start_0:
0x88: {  	s2 =	sld [smem:$0x3FD9]  }
0x89: {  	s3 =	sld [smem:$0x3FFE];
	_ =	sdelay $0x1  }
0x8a: {  	s1 =	srdreg.scid  }
0x8b: {  	s0 =	sand.u32 $0x1, s1  }
0x8c: {  	s14 =	sshll.u32 s0, $0xA;
	s2 =	sadd.s32 s3, s2  }
0x8d: {  	s2 =	sadd.s32 s2, s14  }
0x8e: {  	[smem:$0x3FB9] =	sst s2  }
0x8f: {  	_ = 	snop  }
0x90: {  	s2 =	sld [smem:$0x3FD0];
	_ =	sdelay $0x2  }
0x91: {  	s15 =	simm.s32 $0xC;
	s4 =	simm.s32 $0x10  }
0x92: {  	[smem:s4], [sflag:s15] =	dma.local [hbm:s2], $0x1  }
0x93: {  	_ =	swait.eq [sflag:s15], $0x1  }
0x94: {  	[sflag:s15] =	ssyncset.done $0x0  }
0x95: {  	[sflag:s15] =	ssyncadd.s32 $0xFFFFFFFF  }
0x96: {  	s16 =	sld [smem:$0x10];
	(tm) =	ssettm $0x1  }
0x97: {  	s17 =	sld [smem:$0x3FFB];
	_ =	sdelay $0x3  }
0x98: {  	_ =	strace s17  }
0x99: {  	s3 =	sld [smem:$0x3FFC];
	_ =	sdelay $0x3  }
0x9a: {  	_ =	strace s3  }
0x9b: {  	s3 =	sld [smem:$0x3FFD];
	_ =	sdelay $0x3  }
0x9c: {  	_ =	strace s3  }
0x9d: {  	_ =	strace $0x8FFFFFFF  }
0x9e: {  	s18 =	sld [smem:$0x3FDB];
	_ =	sdelay $0x1  }
0x9f: {  	s19 =	simm.s32 $_scs_section_size  }
0xa0: {  	s5 =	simm.s32 $_size__tile_overlayer_lowered;
	s6 =	simm.s32 $_tile_overlayer_lowered  }
0xa1: {  	s22 =	simm.s32 $0x1BFF;
	s21 =	sshll.u32 s6, $0x1;
	s3 =	sadd.s32 s19, s18  }
0xa2: {  	s7 =	simm.s32 $0x0;
	s20 =	sshll.u32 s5, $0x1;
	s5 =	sadd.s32 s21, s3  }
0xa3: {  	[timem:s7], [sflag:s22] =	dma.local [hbm:s5], s20  }
0xa4: {  	_ =	swait.ge [sflag:s22], s20  }
0xa5: {  	s4 =	ssub.s32 $0x0, s20;
	[sflag:s22] =	ssyncset.done $0x0  }
0xa6: {  	[sflag:s22] =	ssyncadd.s32 s4;
	_ =	sdelay $0x1  }
0xa7: {  	s23 =	simm.s32 $0x1B8B  }
0xa8: {  	_ =	swait.ge [sflag:s23], $0x1  }
0xa9: {  	[sflag:s23] =	ssyncset.done $0x0  }
0xaa: {  	s25 =	simm.s32 $0x1B8E;
	s24 =	sld [smem:$0x3FFE];
	[sflag:s23] =	ssyncadd.s32 $0xFFFFFFFF  }
0xab: {  	s26 =	simm.s32 $execute0_lowered;
	[smem:$0x3FD2] =	sst s25  }
0xac: {  	s5 =	sshll.u32 s26, $0x1;
	_ =	strace $0x80000046;
	[dreg:$0x1] =	wrdreg $0xFFFFFFFF  }
0xad: {  	s28 =	simm.s32 $_size_execute0_lowered;
	s3 =	sadd.s32 s3, s5;
	[dreg:$0x0] =	wrdreg $0x0  }
0xae: {  	s5 =	sshll.u32 s28, $0x1;
	[dreg:$0x2] =	wrdreg s3  }
0xaf: {  	[dreg:$0x3] =	wrdreg s5  }
0xb0: {  	[dreg:$0x4] =	wrdreg $0xC0  }
0xb1: {  	_ =	task [dreg:s7], $0x5FFFF  }
0xb2: {  	[dreg:$0x1] =	wrdreg $0xFFFFFFFF  }
0xb3: {  	[dreg:$0x0] =	wrdreg $0x60  }
0xb4: {  	[dreg:$0x2] =	wrdreg s24  }
0xb5: {  	[dreg:$0x3] =	wrdreg s16  }
0xb6: {  	[dreg:$0x4] =	wrdreg $0x40800  }
0xb7: {  	[dreg:$0x5] =	wrdreg $0xA  }
0xb8: {  	_ =	task.clear_ibuf [dreg:s7], $0x6FFFF;
	_ =	strace $0x90000046  }
0xb9: {  	s29 =	simm.s32 $0xA;
	_ =	strace $0x80000048  }
0xba: {  	_ =	swait.ge [sflag:s29], $0x1  }
0xbb: {  	[sflag:s29] =	ssyncadd.s32 $0xFFFFFFFF  }
0xbc: {  	_ =	strace $0x90000048  }
0xbd: {  	_ =	sfence  }
0xbe: {  	s30 =	sld [smem:$0x0];
	_ =	sdelay $0x2  }
0xbf: {  	s31 =	sshll.u32 s1, $0xD;
	s1 =	sshrl.u32 s1, $0x2  }
0xc0: {  	s3 =	sand.u32 $0x4000, s31;
	s1 =	sadd.s32 s1, s30  }
0xc1: {  	s0 =	sor.u32 s3, s0;
	s1 =	sshll.u32 s1, $0x11  }
0xc2: {  	s0 =	sor.u32 s1, s0  }
0xc3: {  	s0 =	sadd.s32 $0x8F2B, s0  }
0xc4: {  	[sflag:s0] =	ssyncadd.remote.s32 $0x1  }
0xc5: {  	_ =	sfence.sel $0xFFFF  }
0xc6: {  	[dreg:$0x0] =	wrdreg $0xFFFFFFFF;
	(pc) =	sbr.abs _section_cstart, $3  }
0xc7: {  	[dreg:$0x1] =	wrdreg $0xFFFFFFFF  }
0xc8: {  	_ =	task.clear_ibuf [dreg:s7], $0x2FFFF;
	_ =	strace $0x9FFFFFFF  }
0xc9: {  	(tm) =	ssettm $0x7FFFFFFF  }
tec
execute0_lowered:
.L_overlay_start_1:
0x0: {  	(tag) =	ssettag $0x1  }
0x1: {  	s6 =	rddreg [dreg:$0x0]  }
0x2: {  	s19 =	rddreg [dreg:$0x1]  }
0x3: {  	s2 =	rddreg [dreg:$0x2]  }
0x4: {  	s0 =	rddreg [dreg:$0x3];
	s3 =	simm.s32 $0x0;
	s1 =	stileid.u32  }
0x5: {  	s4 =	srdreg.scid;
	[smem:$0x7FF] =	sst s3  }
0x6: {  	s20 =	sshll.u32 s1, $0x4;
	s11 =	sand.u32 $0x1, s4;
	s7 =	smul.u32 $0x50000, s1  }
0x7: {  	s4 =	sadd.s32 $0xD600, s6;
	s12 =	smul.u32 $0x14000, s1;
	s5 =	sadd.s32 $0xCE00, s6  }
0x8: {  	s16 =	sadd.s32 $0xDE00, s6;
	s31 =	ssub.s32 $0x4F1, s1;
	_ =	strace $0x80000047  }
0x9: {  	s18 =	sadd.s32 s20, s6;
	s8 =	ssub.s32 $0x2, s11;
	s22 =	smul.u32 $0x140000, s11  }
0xa: {  	p0 =	seq.s32 s11, $0x1;
	s11 =	sshrl.u32 s31, $0x4;
	s19 =	sadd.s32 s20, s19  }
0xb: {  	s20 =	simm.s32 $0x80;
	s26 =	sshrl.u32 s8, $0x1;
	s28 =	sshrl.u32 s7, $0x2  }
0xc: {  	s13 =	sadd.s32 $0x4000, s12;
	s14 =	sadd.s32 $0x8000, s12;
	s15 =	sadd.s32 $0xC000, s12  }
0xd: {  	s21 =	sadd.s32 $0x10000, s12;
	s18 =	sadd.s32 $0x7E00, s18;
	s17 =	ssub.s32 s8, s26  }
0xe: {  	s6 =	sadd.s32 s28, s2;
	s7 =	sadd.s32 s13, s2;
	s8 =	sadd.s32 s14, s2  }
0xf: {  	s9 =	sadd.s32 s15, s2;
	s10 =	sadd.s32 s21, s2;
	s29 =	sadd.s32 s12, s22  }
0x10: {  	s30 =	sadd.s32 s22, s13;
	s14 =	sadd.s32 s22, s14;
	s15 =	sadd.s32 s22, s15  }
.Ltmp0:
0x11: {  	s21 =	sadd.s32 s22, s21;
	s22 =	simm.s32 $0x0;
	(pc) =	sbr.rel .LBB2_1-.Ltmp0, $4  }
0x12: {  	s23 =	sshrl.u32 s29, $0x3;
	s24 =	sshrl.u32 s30, $0x3;
	s14 =	sshrl.u32 s14, $0x3  }
0x13: {  	s15 =	sshrl.u32 s15, $0x3;
	s21 =	sshrl.u32 s21, $0x3;
	s17 =	smax.u32 s17, $0x1  }
0x14: {  	s12 =	sadd.s32 s16, s23;
	s13 =	sadd.s32 s16, s24;
	s14 =	sadd.s32 s16, s14  }
0x15: {  	s15 =	sadd.s32 s16, s15;
	s16 =	sadd.s32 s16, s21;
	s21 =	simm.s32 $0x1  }
.LBB2_4:
0x16: {  	[sflag:s21] =	ssyncadd.s32 $0xFFFFC000  }
.LBB2_8:
0x17: {  	[bflag:$0x0] =	sbarrier.arrive $0xFFFF  }
0x18: {  	[tilespmem:s20], [sflag:$0x1] =	stream.linear.gather [spmem:s6], $0x4000, $0x38;
	[tilespmem:$0x18080] =	vst v63  }
0x19: {  	_ =	swait.ge [sflag:s21], $0x4000  }
0x1a: {  	[sflag:s21] =	ssyncset.done $0x0  }
0x1b: {  	[sflag:s21] =	ssyncadd.s32 $0xFFFFC000  }
0x1c: {  	[hbm4b:s12+s3] =	stream.linear.scatter [tilespmem:s20], [sflag:$0x1], $0x4000, $0x38;
	[tilespmem:$0x18080] =	vst v63  }
0x1d: {  	_ =	swait.ge [sflag:s21], $0x4000  }
0x1e: {  	[sflag:s21] =	ssyncset.done $0x0  }
0x1f: {  	[sflag:s21] =	ssyncadd.s32 $0xFFFFC000  }
0x20: {  	[tilespmem:s20], [sflag:$0x1] =	stream.linear.gather [spmem:s7], $0x4000, $0x38;
	[tilespmem:$0x18080] =	vst v63  }
0x21: {  	_ =	swait.ge [sflag:s21], $0x4000  }
0x22: {  	[sflag:s21] =	ssyncset.done $0x0  }
0x23: {  	[sflag:s21] =	ssyncadd.s32 $0xFFFFC000  }
0x24: {  	[hbm4b:s13+s3] =	stream.linear.scatter [tilespmem:s20], [sflag:$0x1], $0x4000, $0x38;
	[tilespmem:$0x18080] =	vst v63  }
0x25: {  	_ =	swait.ge [sflag:s21], $0x4000  }
0x26: {  	[sflag:s21] =	ssyncset.done $0x0  }
0x27: {  	[sflag:s21] =	ssyncadd.s32 $0xFFFFC000  }
0x28: {  	[tilespmem:s20], [sflag:$0x1] =	stream.linear.gather [spmem:s8], $0x4000, $0x38;
	[tilespmem:$0x18080] =	vst v63  }
0x29: {  	_ =	swait.ge [sflag:s21], $0x4000  }
0x2a: {  	[sflag:s21] =	ssyncset.done $0x0  }
0x2b: {  	[sflag:s21] =	ssyncadd.s32 $0xFFFFC000  }
0x2c: {  	[hbm4b:s14+s3] =	stream.linear.scatter [tilespmem:s20], [sflag:$0x1], $0x4000, $0x38;
	[tilespmem:$0x18080] =	vst v63  }
0x2d: {  	_ =	swait.ge [sflag:s21], $0x4000  }
0x2e: {  	[sflag:s21] =	ssyncset.done $0x0  }
0x2f: {  	[sflag:s21] =	ssyncadd.s32 $0xFFFFC000  }
0x30: {  	[tilespmem:s20], [sflag:$0x1] =	stream.linear.gather [spmem:s9], $0x4000, $0x38;
	[tilespmem:$0x18080] =	vst v63  }
0x31: {  	_ =	swait.ge [sflag:s21], $0x4000  }
0x32: {  	[sflag:s21] =	ssyncset.done $0x0  }
0x33: {  	[sflag:s21] =	ssyncadd.s32 $0xFFFFC000  }
0x34: {  	[hbm4b:s15+s3] =	stream.linear.scatter [tilespmem:s20], [sflag:$0x1], $0x4000, $0x38;
	[tilespmem:$0x18080] =	vst v63  }
0x35: {  	_ =	swait.ge [sflag:s21], $0x4000  }
0x36: {  	[sflag:s21] =	ssyncset.done $0x0  }
0x37: {  	[sflag:s21] =	ssyncadd.s32 $0xFFFFC000  }
0x38: {  	[tilespmem:s20], [sflag:$0x1] =	stream.linear.gather [spmem:s10], $0x4000, $0x38;
	[tilespmem:$0x18080] =	vst v63  }
0x39: {  	s22 =	sadd.s32 $0x1, s22;
	_ =	swait.ge [sflag:s21], $0x4000  }
0x3a: {  	p1 =	sne.s32 s22, s17;
	[sflag:s21] =	ssyncset.done $0x0  }
.Ltmp1:
0x3b: {  	[sflag:s21] =	ssyncadd.s32 $0xFFFFC000;
	(pc) =	sbr.rel @!p1 .LBB2_9-.Ltmp1, $4  }
0x3c: {  	[hbm4b:s16+s3] =	stream.linear.scatter [tilespmem:s20], [sflag:$0x1], $0x4000, $0x38;
	[tilespmem:$0x18080] =	vst v63  }
0x3d: {  	_ =	swait.ge [sflag:s21], $0x4000  }
0x3e: {  	[sflag:s21] =	ssyncset.done $0x0  }
0x3f: {  	[sflag:s21] =	ssyncadd.s32 $0xFFFFC000  }
.LBB2_1:
0x40: {  	[tilespmem:s20], [sflag:$0x1] =	stream.linear.gather [hbm4b:s5+s3], $0x4000, $0x38;
	[tilespmem:$0x18080] =	vst v63  }
0x41: {  	_ =	swait.ge [sflag:s21], $0x4000  }
0x42: {  	[sflag:s21] =	ssyncset.done $0x0  }
0x43: {  	[sflag:s21] =	ssyncadd.s32 $0xFFFFC000  }
0x44: {  	[spmem:s6] =	stream.linear.scatter [tilespmem:s20], [sflag:$0x1], $0x4000, $0x38;
	[tilespmem:$0x18080] =	vst v63  }
0x45: {  	_ =	swait.ge [sflag:s21], $0x4000  }
0x46: {  	[sflag:s21] =	ssyncset.done $0x0  }
0x47: {  	[sflag:s21] =	ssyncadd.s32 $0xFFFFC000  }
0x48: {  	[spmem:s7] =	stream.linear.scatter [tilespmem:s20], [sflag:$0x1], $0x4000, $0x38;
	[tilespmem:$0x18080] =	vst v63  }
0x49: {  	_ =	swait.ge [sflag:s21], $0x4000  }
0x4a: {  	[sflag:s21] =	ssyncset.done $0x0  }
0x4b: {  	[sflag:s21] =	ssyncadd.s32 $0xFFFFC000  }
0x4c: {  	[spmem:s8] =	stream.linear.scatter [tilespmem:s20], [sflag:$0x1], $0x4000, $0x38;
	[tilespmem:$0x18080] =	vst v63  }
0x4d: {  	_ =	swait.ge [sflag:s21], $0x4000  }
0x4e: {  	[sflag:s21] =	ssyncset.done $0x0  }
0x4f: {  	[sflag:s21] =	ssyncadd.s32 $0xFFFFC000  }
0x50: {  	[spmem:s9] =	stream.linear.scatter [tilespmem:s20], [sflag:$0x1], $0x4000, $0x38;
	[tilespmem:$0x18080] =	vst v63  }
0x51: {  	_ =	swait.ge [sflag:s21], $0x4000  }
0x52: {  	[sflag:s21] =	ssyncset.done $0x0  }
0x53: {  	[sflag:s21] =	ssyncadd.s32 $0xFFFFC000  }
0x54: {  	[spmem:s10] =	stream.linear.scatter [tilespmem:s20], [sflag:$0x1], $0x4000, $0x38;
	[tilespmem:$0x18080] =	vst v63  }
0x55: {  	_ =	swait.ge [sflag:s21], $0x4000  }
0x56: {  	[sflag:s21] =	ssyncset.done $0x0  }
0x57: {  	[sflag:s21] =	ssyncadd.s32 $0xFFFFC000  }
.Ltmp2:
0x58: {  	[bflag:$0x0] =	sbarrier.arrive $0xFFFF;
	(pc) =	sbr.rel @!p0 .LBB2_2-.Ltmp2, $4  }
0x59: {  	[tilespmem:s20], [sflag:$0x1] =	stream.linear.gather [hbm4b:s4+s3], $0x4000, $0x38;
	[tilespmem:$0x18080] =	vst v63  }
0x5a: {  	_ =	swait.ge [sflag:s21], $0x4000  }
0x5b: {  	[sflag:s21] =	ssyncset.done $0x0  }
0x5c: {  	[sflag:s21] =	ssyncadd.s32 $0xFFFFC000  }
0x5d: {  	[tilespmem:s3], [sflag:$0x1] =	stream.linear.gather [hbm4b:s19+s3], $0x80, $0x38;
	[tilespmem:$0x18080] =	vst v63  }
0x5e: {  	p1 =	sne.s32 s11, $0x1;
	_ =	swait.ge [sflag:s21], $0x80  }
.Ltmp3:
0x5f: {  	[sflag:s21] =	ssyncset.done $0x0;
	(pc) =	sbr.rel @!p1 .LBB2_7-.Ltmp3, $4  }
0x60: {  	[sflag:s21] =	ssyncadd.s32 $0xFFFFFF80  }
0x61: {  	[spmem:s2] =	stream.indirect.scatter.add.f32 [tilespmem:s20], [sflag:$0x1], $0x80, s3, s20, $0xb8;
	[tilespmem:$0x18080] =	vst v63  }
0x62: {  	_ =	swait.ge [sflag:s21], $0x4000  }
0x63: {  	s23 =	sadd.s32 $0xFFFFFFFF, s11;
	s24 =	smov.u32 s19;
	[sflag:s21] =	ssyncset.done $0x0  }
.LBB2_6:
0x64: {  	p1 =	sne.s32 s23, $0x1;
	[sflag:s21] =	ssyncadd.s32 $0xFFFFC000;
	s24 =	sadd.s32 $0x100, s24  }
0x65: {  	[tilespmem:s3], [sflag:$0x1] =	stream.linear.gather [hbm4b:s24+s3], $0x80, $0x38;
	[tilespmem:$0x18080] =	vst v63  }
0x66: {  	s23 =	sadd.s32 $0xFFFFFFFF, s23;
	_ =	swait.ge [sflag:s21], $0x80  }
.Ltmp4:
0x67: {  	[sflag:s21] =	ssyncset.done $0x0;
	(pc) =	sbr.rel @p1 .LBB2_6-.Ltmp4, $4  }
0x68: {  	[sflag:s21] =	ssyncadd.s32 $0xFFFFFF80  }
0x69: {  	[spmem:s2] =	stream.indirect.scatter.add.f32 [tilespmem:s20], [sflag:$0x1], $0x80, s3, s20, $0xb8;
	[tilespmem:$0x18080] =	vst v63  }
0x6a: {  	_ =	swait.ge [sflag:s21], $0x4000  }
0x6b: {  	[sflag:s21] =	ssyncset.done $0x0  }
.LBB2_7:
.Ltmp5:
0x6c: {  	(pc) =	sbr.rel .LBB2_8-.Ltmp5, $2  }
0x6d: {  	_ =	sdelay $0x2  }
0x6e: {  	[sflag:s21] =	ssyncadd.s32 $0xFFFFC000  }
.LBB2_2:
0x6f: {  	[tilespmem:s3], [sflag:$0x1] =	stream.linear.gather [hbm4b:s18+s3], $0x80, $0x38;
	[tilespmem:$0x18080] =	vst v63  }
0x70: {  	p1 =	seq.s32 s11, $0x1;
	_ =	swait.ge [sflag:s21], $0x80  }
.Ltmp6:
0x71: {  	[sflag:s21] =	ssyncset.done $0x0;
	(pc) =	sbr.rel @p1 .LBB2_4-.Ltmp6, $4  }
0x72: {  	[sflag:s21] =	ssyncadd.s32 $0xFFFFFF80  }
0x73: {  	[spmem:s2] =	stream.indirect.scatter.add.f32 [tilespmem:s20], [sflag:$0x1], $0x80, s3, s20, $0xb8;
	[tilespmem:$0x18080] =	vst v63  }
0x74: {  	_ =	swait.ge [sflag:s21], $0x4000  }
0x75: {  	s23 =	sadd.s32 $0xFFFFFFFF, s11;
	s24 =	smov.u32 s18;
	[sflag:s21] =	ssyncset.done $0x0  }
.LBB2_3:
0x76: {  	p1 =	seq.s32 s23, $0x1;
	[sflag:s21] =	ssyncadd.s32 $0xFFFFC000;
	s24 =	sadd.s32 $0x100, s24  }
0x77: {  	[tilespmem:s3], [sflag:$0x1] =	stream.linear.gather [hbm4b:s24+s3], $0x80, $0x38;
	[tilespmem:$0x18080] =	vst v63  }
0x78: {  	s23 =	sadd.s32 $0xFFFFFFFF, s23;
	_ =	swait.ge [sflag:s21], $0x80  }
.Ltmp7:
0x79: {  	[sflag:s21] =	ssyncset.done $0x0;
	(pc) =	sbr.rel @!p1 .LBB2_3-.Ltmp7, $4  }
0x7a: {  	[sflag:s21] =	ssyncadd.s32 $0xFFFFFF80  }
0x7b: {  	[spmem:s2] =	stream.indirect.scatter.add.f32 [tilespmem:s20], [sflag:$0x1], $0x80, s3, s20, $0xb8;
	[tilespmem:$0x18080] =	vst v63  }
0x7c: {  	_ =	swait.ge [sflag:s21], $0x4000  }
0x7d: {  	[sflag:s21] =	ssyncset.done $0x0  }
.Ltmp8:
0x7e: {  	_ = 	snop;
	(pc) =	sbr.rel .LBB2_4-.Ltmp8, $1  }
0x7f: {  	_ =	sdelay $0x3  }
.LBB2_9:
0x80: {  	_ =	sfence.sel $0x180000  }
0x81: {  	[bflag:$0x0] =	sbarrier.arrive $0xFFFF  }
0x82: {  	p0 =	sne.s32 s1, $0x0;
	_ =	strace $0x90000047  }
0x83: {  	s0 =	sadd.s32 @!p0 $0x100000, s0;
	[bflag:$0x2] =	sbarrier.arrive $0xFFFF  }
0x84: {  	[sflag:s0] =	ssyncadd.tile.s32 @!p0 $0x1;
	_ =	shalt  }
.Lfunc_end2:
_tile_overlayer_lowered:
.L_overlay_start_2:
0x85: {  	(tag) =	ssettag $0x2  }
0x86: {  	s0 =	rddreg [dreg:$0x0];
	s2 =	stileid.u32  }
0x87: {  	s1 =	rddreg [dreg:$0x1];
	p0 =	sne.s32 s2, $0x0  }
0x88: {  	s3 =	rddreg [dreg:$0x2];
	[bflag:$0x3] =	sbarrier.arrive $0xFFFF;
	s2 =	simm.s32 @!p0 $0x1C01  }
0x89: {  	[timem:s3], [sflag:s2] =	dma.local @!p0 [hbm:s0], s1  }
0x8a: {  	s0 =	simm.s32 @!p0 $0x1  }
0x8b: {  	_ =	swait.ge @!p0 [sflag:s0], s1  }
0x8c: {  	s1 =	ssub.s32 @!p0 $0x0, s1;
	[sflag:s0] =	ssyncset.done @!p0 $0x0  }
0x8d: {  	[sflag:s0] =	ssyncadd.s32 @!p0 s1  }
0x8e: {  	[bflag:$0x3] =	sbarrier.arrive $0xFFFF  }
0x8f: {  	_ =	shalt  }

</sc_bundles>
